<compile_context>
chip_gen: v7x
topology: tpu7x:2x2x1
jax: 0.10.2.dev20260603
libtpu: 0.0.44.dev20260713+nightly
codegen_flags: <defaults>
</compile_context>

<pallas_src>
import functools

import jax
import jax.numpy as jnp
from jax import lax
from jax.experimental import pallas as pl
from jax.experimental.pallas import tpu as pltpu
from jax.experimental.pallas import tpu_sc as plsc

_CW = 256
_NTOK = 1000000
_NFULL = _NTOK // _CW
_NCH = _NFULL + 1
_TAILW = _NTOK - _NFULL * _CW
_NR = 12288
_CAP = 160
_NROUT = _NR + _CAP


def _make_sc_stream_gather(d: int):
    info = plsc.get_sparse_core_info()
    nc, ns, nl = info.num_cores, info.num_subcores, info.num_lanes
    nw = nc * ns
    base_per_w = _NCH // nw
    extra = _NCH % nw
    max_chunks = base_per_w + 1

    mesh = plsc.VectorSubcoreMesh(core_axis_name="c", subcore_axis_name="s")

    @functools.partial(
        pl.kernel,
        mesh=mesh,
        out_type=jax.ShapeDtypeStruct((_NROUT, 128), jnp.float32),
        scratch_types=[
            pltpu.VMEM((_NR + 16,), jnp.int32),
            pltpu.VMEM((_NR + 16,), jnp.int32),
            pltpu.VMEM((d, _CW), jnp.float32),
            pltpu.VMEM((d, _CW), jnp.float32),
            pltpu.VMEM((d, _CW), jnp.float32),
            pltpu.VMEM((d, _CW), jnp.float32),
            pltpu.VMEM((d, _CW), jnp.float32),
            pltpu.VMEM((_CAP, 128), jnp.float32),
            pltpu.VMEM((_CAP,), jnp.int32),
            pltpu.SMEM((8,), jnp.int32),
            pltpu.SemaphoreType.DMA,
            pltpu.SemaphoreType.DMA,
            pltpu.SemaphoreType.DMA,
            pltpu.SemaphoreType.DMA,
            pltpu.SemaphoreType.DMA,
            pltpu.SemaphoreType.DMA,
        ],
        compiler_params=pltpu.CompilerParams(needs_layout_passes=False),
    )
    def gather_kernel(wt_hbm, wtail_hbm, sids_hbm, pos_hbm, out_hbm,
                      ids_v, pos_v, buf0, buf1, buf2, buf3, buf4, rows_v,
                      posb_v, pc_s, sem0, sem1, sem2, sem3, sem4, semo):
        wid = lax.axis_index("s") * nc + lax.axis_index("c")
        kw0 = base_per_w * wid + jnp.minimum(wid, extra)
        kw1 = kw0 + base_per_w + jnp.where(wid < extra, 1, 0)
        pltpu.sync_copy(sids_hbm, ids_v.at[pl.ds(0, _NR)])
        pltpu.sync_copy(pos_hbm, pos_v.at[pl.ds(0, _NR)])
        lane = lax.iota(jnp.int32, nl)

        def reinit_posb():
            @pl.loop(0, _CAP // nl)
            def _ri(i):
                posb_v[pl.ds(i * nl, nl)] = _NR + i * nl + lane

        def flush():
            pltpu.async_copy(rows_v, out_hbm.at[posb_v], semo).wait()
            reinit_posb()

        reinit_posb()

        def val_at(j):
            jj = (j // nl) * nl
            vec = ids_v[pl.ds(jj, nl)]
            return jnp.sum(jnp.where(lane == j - jj, vec, 0))

        v0 = kw0 * _CW
        p = jnp.int32(0)
        for s in range(13, -1, -1):
            cand = p + (1 << s)
            take = jnp.logical_and(cand <= _NR, val_at(cand - 1) < v0)
            p = jnp.where(take, cand, p)
        pc_s[0] = 0
        pc_s[1] = p

        def start_dma(k, buf, sem):
            c0 = pl.multiple_of(k * _CW, _CW)
            is_tail = k == _NFULL
            @pl.when(jnp.logical_not(is_tail))
            def _():
                pltpu.async_copy(wt_hbm.at[:, pl.ds(c0, _CW)], buf, sem)
            @pl.when(is_tail)
            def _():
                pltpu.async_copy(wtail_hbm, buf.at[:, pl.ds(0, 128)], sem)

        def wait_dma(k, buf, sem):
            is_tail = k == _NFULL
            @pl.when(jnp.logical_not(is_tail))
            def _():
                pltpu.make_async_copy(wt_hbm.at[:, pl.ds(0, _CW)], buf,
                                      sem).wait()
            @pl.when(is_tail)
            def _():
                pltpu.make_async_copy(
                    wtail_hbm, buf.at[:, pl.ds(0, 128)], sem).wait()

        def process(k, buf):
            c0 = k * _CW
            cend = c0 + _CW

            def cond(st):
                return jnp.logical_and(st[1] == 0, st[0] < _NR)

            def body(st):
                pp = st[0]
                base = (pp // nl) * nl
                ids16 = ids_v[pl.ds(base, nl)]
                pos16 = pos_v[pl.ds(base, nl)]
                t = base + lane
                mask = jnp.logical_and(t >= pp, ids16 < cend)
                msel = mask.astype(jnp.int32)
                nsel = jnp.sum(msel)
                cnt = pc_s[0]
                dst16 = jnp.clip(cnt + plsc.cumsum(msel) - 1, 0, _CAP - 1)
                colsel = jnp.clip(ids16 - c0, 0, _CW - 1)
                plsc.store_scatter(posb_v, [dst16], pos16, mask=mask)

                @pl.loop(0, d)
                def _col(cc):
                    csplat = jnp.zeros((nl,), jnp.int32) + cc
                    vals = plsc.load_gather(buf, [csplat, colsel], mask=mask)
                    plsc.store_scatter(rows_v, [dst16, csplat], vals,
                                       mask=mask)

                cnt2 = cnt + nsel
                pc_s[0] = cnt2

                @pl.when(cnt2 > _CAP - nl)
                def _():
                    flush()
                    pc_s[0] = 0

                over = jnp.sum(jnp.where(ids16 >= cend, 1, 0))
                return (pp + nsel, jnp.where(over > 0, 1, 0))

            pf = lax.while_loop(cond, body, (pc_s[1], jnp.int32(0)))
            pc_s[1] = pf[0]

        ring = [(buf0, sem0), (buf1, sem1), (buf2, sem2), (buf3, sem3),
                (buf4, sem4)]
        nring = len(ring)
        for off, (buf, sem) in enumerate(ring):
            @pl.when(kw0 + off < kw1)
            def _(off=off, buf=buf, sem=sem):
                start_dma(kw0 + off, buf, sem)

        @pl.loop(0, (max_chunks + nring - 1) // nring)
        def _round(ti):
            k = kw0 + nring * ti
            for off, (buf, sem) in enumerate(ring):
                ko = k + off

                @pl.when(ko < kw1)
                def _(ko=ko, buf=buf, sem=sem):
                    wait_dma(ko, buf, sem)
                    process(ko, buf)

                    @pl.when(ko + nring < kw1)
                    def _(ko=ko, buf=buf, sem=sem):
                        start_dma(ko + nring, buf, sem)

        flush()

    return gather_kernel


def _loss_body(xt_ref, sw_ref, tw_ref, o_ref):
    xt = xt_ref[...]
    sw = sw_ref[...][:, :64]
    tw = tw_ref[...][:, :64]
    logits = lax.dot_general(
        xt, sw, (((0,), (1,)), ((), ())),
        preferred_element_type=jnp.float32,
    )
    s = jnp.sum(jnp.exp(logits), axis=1, keepdims=True)
    t = jnp.sum(xt.T * tw, axis=1, keepdims=True)
    o_ref[...] = jnp.log(s) - t


def kernel(inputs, labels, sample_ids, weight):
    batch, d = inputs.shape
    nsamp = sample_ids.shape[0]

    ids = jnp.concatenate([sample_ids, labels])
    pos = jnp.arange(_NR, dtype=jnp.int32)
    sorted_ids, sorted_pos = lax.sort_key_val(ids, pos)

    wt = weight.T
    wtail = jnp.pad(
        lax.slice(weight, (_NFULL * _CW, 0), (_NTOK, d)).T,
        ((0, 0), (0, 128 - _TAILW)),
    )
    gathered = _make_sc_stream_gather(d)(wt, wtail, sorted_ids, sorted_pos)

    bm = 256
    out = pl.pallas_call(
        _loss_body,
        grid=(batch // bm,),
        in_specs=[
            pl.BlockSpec((d, bm), lambda i: (0, i)),
            pl.BlockSpec((nsamp, 128), lambda i: (0, 0)),
            pl.BlockSpec((bm, 128), lambda i: (i + nsamp // bm, 0)),
        ],
        out_specs=pl.BlockSpec((bm, 1), lambda i: (i, 0)),
        out_shape=jax.ShapeDtypeStruct((batch, 1), jnp.float32),
    )(inputs.T, gathered, gathered)
    return out[:, 0]

# --- scband reference (transcript-rebuilt; emitter-appended) ---
"""Pipeline reference for scband-sampled-softmax-14894946583118 (READ-ONLY COPY).

The authoritative reference and input builder live on the scoring server;
editing this copy changes nothing except your own understanding.
"""

import jax, jax.numpy as jnp
import numpy as np
import math

NTOKENS = 1000000
NSAMPLED = 8192
NHID = 64
BATCH = 4096

def setup_inputs(seed: int = 0) -> dict:
    key = jax.random.key(seed)
    k1, k2, k3, k4 = jax.random.split(key, 4)
    stdv = math.sqrt(6.0 / (NTOKENS + NHID))
    weight = jax.random.uniform(k1, (NTOKENS, NHID), minval=-stdv, maxval=stdv, dtype=jnp.float32)
    inputs = jax.random.normal(k2, (BATCH, NHID), dtype=jnp.float32)
    labels = jax.random.randint(k3, (BATCH,), 0, NTOKENS, dtype=jnp.int32)
    sample_ids = jax.random.randint(k4, (NSAMPLED,), 0, NTOKENS, dtype=jnp.int32)
    return {"inputs": inputs, "labels": labels, "sample_ids": sample_ids, "weight": weight}

def reference(inputs, labels, sample_ids, weight):
    # true_weights = weight[labels]; sample_weights = weight[sample_ids]
    true_weights = jnp.take(weight, labels, axis=0)
    sample_weights = jnp.take(weight, sample_ids, axis=0)
    true_logits = jnp.exp(jnp.sum(inputs * true_weights, axis=1))
    sample_logits = jnp.exp(jnp.matmul(inputs, sample_weights.T))
    logits = -jnp.log(true_logits / jnp.sum(sample_logits, axis=1))
    return logits

if __name__ == "__main__":
    import jax
    _d = setup_inputs()
    print(jax.jit(kernel)(*tuple(_d.values())))

</pallas_src>

<mosaic_0001>
#map = affine_map<(d0, d1) -> (0, 0)>
#map1 = affine_map<(d0, d1) -> (0)>
module attributes {stable_mosaic.version = 14 : i64} {
  func.func @gather_kernel(%arg0: i32, %arg1: i32, %arg2: memref<64x1000000xf32, #tpu.memory_space<hbm>>, %arg3: memref<64x128xf32, #tpu.memory_space<hbm>>, %arg4: memref<12288xi32, #tpu.memory_space<hbm>>, %arg5: memref<12288xi32, #tpu.memory_space<hbm>>, %arg6: memref<12448x128xf32, #tpu.memory_space<hbm>>, %arg7: memref<12304xi32, #tpu.memory_space<vmem>>, %arg8: memref<12304xi32, #tpu.memory_space<vmem>>, %arg9: memref<64x256xf32, #tpu.memory_space<vmem>>, %arg10: memref<64x256xf32, #tpu.memory_space<vmem>>, %arg11: memref<64x256xf32, #tpu.memory_space<vmem>>, %arg12: memref<64x256xf32, #tpu.memory_space<vmem>>, %arg13: memref<64x256xf32, #tpu.memory_space<vmem>>, %arg14: memref<160x128xf32, #tpu.memory_space<vmem>>, %arg15: memref<160xi32, #tpu.memory_space<vmem>>, %arg16: memref<8xi32, #tpu.memory_space<smem>>, %arg17: memref<!tpu.dma_semaphore, #tpu.memory_space<semaphore_mem>>, %arg18: memref<!tpu.dma_semaphore, #tpu.memory_space<semaphore_mem>>, %arg19: memref<!tpu.dma_semaphore, #tpu.memory_space<semaphore_mem>>, %arg20: memref<!tpu.dma_semaphore, #tpu.memory_space<semaphore_mem>>, %arg21: memref<!tpu.dma_semaphore, #tpu.memory_space<semaphore_mem>>, %arg22: memref<!tpu.dma_semaphore, #tpu.memory_space<semaphore_mem>>) attributes {dimension_semantics = [#tpu.dimension_semantics<core_parallel>, #tpu.dimension_semantics<subcore_parallel>], iteration_bounds = array<i64: 2, 16>, scalar_prefetch = 0 : i64, scratch_operands = 16 : i64, tpu.core_type = #tpu.core_type<sc_vector_subcore>, window_params = [{transform_indices = #map}, {transform_indices = #map}, {transform_indices = #map1}, {transform_indices = #map1}, {transform_indices = #map}]} {
    %mul3A = arith.constant 2 : i32
    %mul3A_0 = arith.muli %arg1, %mul3A : i32
    %add3A = arith.addi %mul3A_0, %arg0 : i32
    %mul3A_1 = arith.constant 122 : i32
    %mul3A_2 = arith.muli %mul3A_1, %add3A : i32
    %min3A = arith.constant 3 : i32
    %min3A_3 = arith.minsi %add3A, %min3A : i32
    %add3A_4 = arith.addi %mul3A_2, %min3A_3 : i32
    %add3A_5 = arith.constant 122 : i32
    %add3A_6 = arith.addi %add3A_4, %add3A_5 : i32
    %lt3A = arith.constant 3 : i32
    %lt3A_7 = arith.cmpi slt, %add3A, %lt3A : i32
    %jit3A = arith.constant 1 : i32
    %jit3A_8 = arith.constant 0 : i32
    %select_n3A = arith.select %lt3A_7, %jit3A, %jit3A_8 : i32
    %add3A_9 = arith.addi %add3A_6, %select_n3A : i32
    "tpu.region"() ({
      %run_scoped3A = tpu.sem_alloc : memref<!tpu.dma_semaphore, #tpu.memory_space<semaphore_mem>>
      %dma_start3A_713 = arith.constant 0 : i32
      %dma_start3A_714 = tpu.memref_slice %arg7[%dma_start3A_713] : memref<12304xi32, #tpu.memory_space<vmem>> -> memref<12288xi32, #tpu.memory_space<vmem>>
      %dma_start3A_715 = arith.constant 0 : i32
      %dma_start3A_716 = tpu.memref_slice %arg7[%dma_start3A_715] : memref<12304xi32, #tpu.memory_space<vmem>> -> memref<12288xi32, #tpu.memory_space<vmem>>
      tpu.enqueue_dma source(%arg4 : memref<12288xi32, #tpu.memory_space<hbm>>) target(%dma_start3A_716 : memref<12288xi32, #tpu.memory_space<vmem>>) target_semaphore(%run_scoped3A : memref<!tpu.dma_semaphore, #tpu.memory_space<semaphore_mem>>)
      %dma_wait3A_717 = arith.constant 0 : i32
      %dma_wait3A_718 = tpu.memref_slice %arg7[%dma_wait3A_717] : memref<12304xi32, #tpu.memory_space<vmem>> -> memref<12288xi32, #tpu.memory_space<vmem>>
      %dma_wait3A_719 = arith.constant 0 : i32
      %dma_wait3A_720 = tpu.memref_slice %arg7[%dma_wait3A_719] : memref<12304xi32, #tpu.memory_space<vmem>> -> memref<12288xi32, #tpu.memory_space<vmem>>
      tpu.wait_dma2 semaphore(%run_scoped3A : memref<!tpu.dma_semaphore, #tpu.memory_space<semaphore_mem>>) src(%arg4 : memref<12288xi32, #tpu.memory_space<hbm>>) dst(%dma_wait3A_720 : memref<12288xi32, #tpu.memory_space<vmem>>)
      tpu.yield
    }) : () -> ()
    "tpu.region"() ({
      %run_scoped3A = tpu.sem_alloc : memref<!tpu.dma_semaphore, #tpu.memory_space<semaphore_mem>>
      %dma_start3A_713 = arith.constant 0 : i32
      %dma_start3A_714 = tpu.memref_slice %arg8[%dma_start3A_713] : memref<12304xi32, #tpu.memory_space<vmem>> -> memref<12288xi32, #tpu.memory_space<vmem>>
      %dma_start3A_715 = arith.constant 0 : i32
      %dma_start3A_716 = tpu.memref_slice %arg8[%dma_start3A_715] : memref<12304xi32, #tpu.memory_space<vmem>> -> memref<12288xi32, #tpu.memory_space<vmem>>
      tpu.enqueue_dma source(%arg5 : memref<12288xi32, #tpu.memory_space<hbm>>) target(%dma_start3A_716 : memref<12288xi32, #tpu.memory_space<vmem>>) target_semaphore(%run_scoped3A : memref<!tpu.dma_semaphore, #tpu.memory_space<semaphore_mem>>)
      %dma_wait3A_717 = arith.constant 0 : i32
      %dma_wait3A_718 = tpu.memref_slice %arg8[%dma_wait3A_717] : memref<12304xi32, #tpu.memory_space<vmem>> -> memref<12288xi32, #tpu.memory_space<vmem>>
      %dma_wait3A_719 = arith.constant 0 : i32
      %dma_wait3A_720 = tpu.memref_slice %arg8[%dma_wait3A_719] : memref<12304xi32, #tpu.memory_space<vmem>> -> memref<12288xi32, #tpu.memory_space<vmem>>
      tpu.wait_dma2 semaphore(%run_scoped3A : memref<!tpu.dma_semaphore, #tpu.memory_space<semaphore_mem>>) src(%arg5 : memref<12288xi32, #tpu.memory_space<hbm>>) dst(%dma_wait3A_720 : memref<12288xi32, #tpu.memory_space<vmem>>)
      tpu.yield
    }) : () -> ()
    %iota3A = tpu.iota {dimensions = array<i32: 0>} : vector<16xi32>
    %scan3A = arith.constant 0 : i32
    %scan3A_10 = arith.constant 10 : i32
    %scan3A_11 = arith.addi %scan3A, %scan3A_10 : i32
    %scan3A_12 = arith.constant 1 : i32
    scf.for %scan3A_713 = %scan3A to %scan3A_11 step %scan3A_12  : i32 {
      %mul3A_714 = arith.constant 1 : i32
      %mul3A_715 = arith.muli %scan3A_713, %mul3A_714 : i32
      %add3A_716 = arith.constant 0 : i32
      %add3A_717 = arith.addi %add3A_716, %mul3A_715 : i32
      %mul3A_718 = arith.constant 16 : i32
      %mul3A_719 = arith.muli %add3A_717, %mul3A_718 : i32
      %add3A_720 = arith.constant 12288 : i32
      %add3A_721 = arith.addi %add3A_720, %mul3A_719 : i32
      %add3A_722 = vector.broadcast %add3A_721 : i32 to vector<16xi32>
      %add3A_723 = arith.addi %add3A_722, %iota3A : vector<16xi32>
      %mul3A_724 = arith.constant 16 : i32
      %mul3A_725 = arith.muli %add3A_717, %mul3A_724 : i32
      %swap3A_726 = arith.index_cast %mul3A_725 : i32 to index
      %swap3A_727 = tpu.vector_load %arg15[%swap3A_726] {strides = array<i32>} : memref<160xi32, #tpu.memory_space<vmem>>, vector<16xi32>,
      tpu.vector_store %arg15[%swap3A_726], %add3A_723 {strides = array<i32>} : memref<160xi32, #tpu.memory_space<vmem>>, vector<16xi32>,
    }
    %scan3A_13 = arith.constant 10 : i32
    %mul3A_14 = arith.constant 256 : i32
    %mul3A_15 = arith.muli %add3A_4, %mul3A_14 : i32
    %add3A_16 = arith.constant 0 : i32
    %add3A_17 = arith.constant 8192 : i32
    %add3A_18 = arith.addi %add3A_16, %add3A_17 : i32
    %le3A = arith.constant 12288 : i32
    %le3A_19 = arith.cmpi sle, %add3A_18, %le3A : i32
    %sub3A = arith.constant 1 : i32
    %sub3A_20 = arith.subi %add3A_18, %sub3A : i32
    %jit3A_21 = arith.constant 16 : i32
    %div3A = arith.divsi %sub3A_20, %jit3A_21 : i32
    %sign3A = arith.constant 0 : i32
    %sign3A_22 = arith.cmpi sgt, %sub3A_20, %sign3A : i32
    %sign3A_23 = arith.extui %sign3A_22 : i1 to i32
    %sign3A_24 = arith.constant 0 : i32
    %sign3A_25 = arith.cmpi slt, %sub3A_20, %sign3A_24 : i32
    %sign3A_26 = arith.extui %sign3A_25 : i1 to i32
    %sign3A_27 = arith.subi %sign3A_23, %sign3A_26 : i32
    %sign3A_28 = arith.constant 0 : i32
    %sign3A_29 = arith.cmpi sgt, %jit3A_21, %sign3A_28 : i32
    %sign3A_30 = arith.extui %sign3A_29 : i1 to i32
    %sign3A_31 = arith.constant 0 : i32
    %sign3A_32 = arith.cmpi slt, %jit3A_21, %sign3A_31 : i32
    %sign3A_33 = arith.extui %sign3A_32 : i1 to i32
    %sign3A_34 = arith.subi %sign3A_30, %sign3A_33 : i32
    %ne3A = arith.cmpi ne, %sign3A_27, %sign3A_34 : i32
    %rem3A = arith.remsi %sub3A_20, %jit3A_21 : i32
    %ne3A_35 = arith.constant 0 : i32
    %ne3A_36 = arith.cmpi ne, %rem3A, %ne3A_35 : i32
    %and3A = arith.andi %ne3A, %ne3A_36 : i1
    %sub3A_37 = arith.constant 1 : i32
    %sub3A_38 = arith.subi %div3A, %sub3A_37 : i32
    %select_n3A_39 = arith.select %and3A, %sub3A_38, %div3A : i32
    %mul3A_40 = arith.constant 16 : i32
    %mul3A_41 = arith.muli %select_n3A_39, %mul3A_40 : i32
    %get3A = arith.index_cast %mul3A_41 : i32 to index
    %get3A_42 = tpu.vector_load %arg7[%get3A] {strides = array<i32>} : memref<12304xi32, #tpu.memory_space<vmem>>, vector<16xi32>,
    %sub3A_43 = arith.subi %sub3A_20, %mul3A_41 : i32
    %eq3A = vector.broadcast %sub3A_43 : i32 to vector<16xi32>
    %eq3A_44 = arith.cmpi eq, %iota3A, %eq3A : vector<16xi32>
    %jit3A_45 = arith.constant 0 : i32
    %broadcast_in_dim3A = vector.broadcast %jit3A_45 : i32 to vector<16xi32>
    %select_n3A_46 = arith.select %eq3A_44, %get3A_42, %broadcast_in_dim3A : vector<16xi1>, vector<16xi32>
    %reduce_sum3A = arith.constant true
    %reduce_sum3A_47 = vector.broadcast %reduce_sum3A : i1 to vector<16xi1>
    %reduce_sum3A_48 = tpu.scan <sum>, %select_n3A_46 masked %reduce_sum3A_47 : vector<16xi32>, vector<16xi1> -> vector<16xi32>
    %reduce_sum3A_49 = vector.extract %reduce_sum3A_48[15] : i32 from vector<16xi32>
    %lt3A_50 = arith.cmpi slt, %reduce_sum3A_49, %mul3A_15 : i32
    %and3A_51 = arith.andi %le3A_19, %lt3A_50 : i1
    %jit3A_52 = arith.constant 0 : i32
    %select_n3A_53 = arith.select %and3A_51, %add3A_18, %jit3A_52 : i32
    %add3A_54 = arith.constant 4096 : i32
    %add3A_55 = arith.addi %select_n3A_53, %add3A_54 : i32
    %le3A_56 = arith.constant 12288 : i32
    %le3A_57 = arith.cmpi sle, %add3A_55, %le3A_56 : i32
    %sub3A_58 = arith.constant 1 : i32
    %sub3A_59 = arith.subi %add3A_55, %sub3A_58 : i32
    %jit3A_60 = arith.constant 16 : i32
    %div3A_61 = arith.divsi %sub3A_59, %jit3A_60 : i32
    %sign3A_62 = arith.constant 0 : i32
    %sign3A_63 = arith.cmpi sgt, %sub3A_59, %sign3A_62 : i32
    %sign3A_64 = arith.extui %sign3A_63 : i1 to i32
    %sign3A_65 = arith.constant 0 : i32
    %sign3A_66 = arith.cmpi slt, %sub3A_59, %sign3A_65 : i32
    %sign3A_67 = arith.extui %sign3A_66 : i1 to i32
    %sign3A_68 = arith.subi %sign3A_64, %sign3A_67 : i32
    %sign3A_69 = arith.constant 0 : i32
    %sign3A_70 = arith.cmpi sgt, %jit3A_60, %sign3A_69 : i32
    %sign3A_71 = arith.extui %sign3A_70 : i1 to i32
    %sign3A_72 = arith.constant 0 : i32
    %sign3A_73 = arith.cmpi slt, %jit3A_60, %sign3A_72 : i32
    %sign3A_74 = arith.extui %sign3A_73 : i1 to i32
    %sign3A_75 = arith.subi %sign3A_71, %sign3A_74 : i32
    %ne3A_76 = arith.cmpi ne, %sign3A_68, %sign3A_75 : i32
    %rem3A_77 = arith.remsi %sub3A_59, %jit3A_60 : i32
    %ne3A_78 = arith.constant 0 : i32
    %ne3A_79 = arith.cmpi ne, %rem3A_77, %ne3A_78 : i32
    %and3A_80 = arith.andi %ne3A_76, %ne3A_79 : i1
    %sub3A_81 = arith.constant 1 : i32
    %sub3A_82 = arith.subi %div3A_61, %sub3A_81 : i32
    %select_n3A_83 = arith.select %and3A_80, %sub3A_82, %div3A_61 : i32
    %mul3A_84 = arith.constant 16 : i32
    %mul3A_85 = arith.muli %select_n3A_83, %mul3A_84 : i32
    %get3A_86 = arith.index_cast %mul3A_85 : i32 to index
    %get3A_87 = tpu.vector_load %arg7[%get3A_86] {strides = array<i32>} : memref<12304xi32, #tpu.memory_space<vmem>>, vector<16xi32>,
    %sub3A_88 = arith.subi %sub3A_59, %mul3A_85 : i32
    %eq3A_89 = vector.broadcast %sub3A_88 : i32 to vector<16xi32>
    %eq3A_90 = arith.cmpi eq, %iota3A, %eq3A_89 : vector<16xi32>
    %jit3A_91 = arith.constant 0 : i32
    %broadcast_in_dim3A_92 = vector.broadcast %jit3A_91 : i32 to vector<16xi32>
    %select_n3A_93 = arith.select %eq3A_90, %get3A_87, %broadcast_in_dim3A_92 : vector<16xi1>, vector<16xi32>
    %reduce_sum3A_94 = arith.constant true
    %reduce_sum3A_95 = vector.broadcast %reduce_sum3A_94 : i1 to vector<16xi1>
    %reduce_sum3A_96 = tpu.scan <sum>, %select_n3A_93 masked %reduce_sum3A_95 : vector<16xi32>, vector<16xi1> -> vector<16xi32>
    %reduce_sum3A_97 = vector.extract %reduce_sum3A_96[15] : i32 from vector<16xi32>
    %lt3A_98 = arith.cmpi slt, %reduce_sum3A_97, %mul3A_15 : i32
    %and3A_99 = arith.andi %le3A_57, %lt3A_98 : i1
    %select_n3A_100 = arith.select %and3A_99, %add3A_55, %select_n3A_53 : i32
    %add3A_101 = arith.constant 2048 : i32
    %add3A_102 = arith.addi %select_n3A_100, %add3A_101 : i32
    %le3A_103 = arith.constant 12288 : i32
    %le3A_104 = arith.cmpi sle, %add3A_102, %le3A_103 : i32
    %sub3A_105 = arith.constant 1 : i32
    %sub3A_106 = arith.subi %add3A_102, %sub3A_105 : i32
    %jit3A_107 = arith.constant 16 : i32
    %div3A_108 = arith.divsi %sub3A_106, %jit3A_107 : i32
    %sign3A_109 = arith.constant 0 : i32
    %sign3A_110 = arith.cmpi sgt, %sub3A_106, %sign3A_109 : i32
    %sign3A_111 = arith.extui %sign3A_110 : i1 to i32
    %sign3A_112 = arith.constant 0 : i32
    %sign3A_113 = arith.cmpi slt, %sub3A_106, %sign3A_112 : i32
    %sign3A_114 = arith.extui %sign3A_113 : i1 to i32
    %sign3A_115 = arith.subi %sign3A_111, %sign3A_114 : i32
    %sign3A_116 = arith.constant 0 : i32
    %sign3A_117 = arith.cmpi sgt, %jit3A_107, %sign3A_116 : i32
    %sign3A_118 = arith.extui %sign3A_117 : i1 to i32
    %sign3A_119 = arith.constant 0 : i32
    %sign3A_120 = arith.cmpi slt, %jit3A_107, %sign3A_119 : i32
    %sign3A_121 = arith.extui %sign3A_120 : i1 to i32
    %sign3A_122 = arith.subi %sign3A_118, %sign3A_121 : i32
    %ne3A_123 = arith.cmpi ne, %sign3A_115, %sign3A_122 : i32
    %rem3A_124 = arith.remsi %sub3A_106, %jit3A_107 : i32
    %ne3A_125 = arith.constant 0 : i32
    %ne3A_126 = arith.cmpi ne, %rem3A_124, %ne3A_125 : i32
    %and3A_127 = arith.andi %ne3A_123, %ne3A_126 : i1
    %sub3A_128 = arith.constant 1 : i32
    %sub3A_129 = arith.subi %div3A_108, %sub3A_128 : i32
    %select_n3A_130 = arith.select %and3A_127, %sub3A_129, %div3A_108 : i32
    %mul3A_131 = arith.constant 16 : i32
    %mul3A_132 = arith.muli %select_n3A_130, %mul3A_131 : i32
    %get3A_133 = arith.index_cast %mul3A_132 : i32 to index
    %get3A_134 = tpu.vector_load %arg7[%get3A_133] {strides = array<i32>} : memref<12304xi32, #tpu.memory_space<vmem>>, vector<16xi32>,
    %sub3A_135 = arith.subi %sub3A_106, %mul3A_132 : i32
    %eq3A_136 = vector.broadcast %sub3A_135 : i32 to vector<16xi32>
    %eq3A_137 = arith.cmpi eq, %iota3A, %eq3A_136 : vector<16xi32>
    %jit3A_138 = arith.constant 0 : i32
    %broadcast_in_dim3A_139 = vector.broadcast %jit3A_138 : i32 to vector<16xi32>
    %select_n3A_140 = arith.select %eq3A_137, %get3A_134, %broadcast_in_dim3A_139 : vector<16xi1>, vector<16xi32>
    %reduce_sum3A_141 = arith.constant true
    %reduce_sum3A_142 = vector.broadcast %reduce_sum3A_141 : i1 to vector<16xi1>
    %reduce_sum3A_143 = tpu.scan <sum>, %select_n3A_140 masked %reduce_sum3A_142 : vector<16xi32>, vector<16xi1> -> vector<16xi32>
    %reduce_sum3A_144 = vector.extract %reduce_sum3A_143[15] : i32 from vector<16xi32>
    %lt3A_145 = arith.cmpi slt, %reduce_sum3A_144, %mul3A_15 : i32
    %and3A_146 = arith.andi %le3A_104, %lt3A_145 : i1
    %select_n3A_147 = arith.select %and3A_146, %add3A_102, %select_n3A_100 : i32
    %add3A_148 = arith.constant 1024 : i32
    %add3A_149 = arith.addi %select_n3A_147, %add3A_148 : i32
    %le3A_150 = arith.constant 12288 : i32
    %le3A_151 = arith.cmpi sle, %add3A_149, %le3A_150 : i32
    %sub3A_152 = arith.constant 1 : i32
    %sub3A_153 = arith.subi %add3A_149, %sub3A_152 : i32
    %jit3A_154 = arith.constant 16 : i32
    %div3A_155 = arith.divsi %sub3A_153, %jit3A_154 : i32
    %sign3A_156 = arith.constant 0 : i32
    %sign3A_157 = arith.cmpi sgt, %sub3A_153, %sign3A_156 : i32
    %sign3A_158 = arith.extui %sign3A_157 : i1 to i32
    %sign3A_159 = arith.constant 0 : i32
    %sign3A_160 = arith.cmpi slt, %sub3A_153, %sign3A_159 : i32
    %sign3A_161 = arith.extui %sign3A_160 : i1 to i32
    %sign3A_162 = arith.subi %sign3A_158, %sign3A_161 : i32
    %sign3A_163 = arith.constant 0 : i32
    %sign3A_164 = arith.cmpi sgt, %jit3A_154, %sign3A_163 : i32
    %sign3A_165 = arith.extui %sign3A_164 : i1 to i32
    %sign3A_166 = arith.constant 0 : i32
    %sign3A_167 = arith.cmpi slt, %jit3A_154, %sign3A_166 : i32
    %sign3A_168 = arith.extui %sign3A_167 : i1 to i32
    %sign3A_169 = arith.subi %sign3A_165, %sign3A_168 : i32
    %ne3A_170 = arith.cmpi ne, %sign3A_162, %sign3A_169 : i32
    %rem3A_171 = arith.remsi %sub3A_153, %jit3A_154 : i32
    %ne3A_172 = arith.constant 0 : i32
    %ne3A_173 = arith.cmpi ne, %rem3A_171, %ne3A_172 : i32
    %and3A_174 = arith.andi %ne3A_170, %ne3A_173 : i1
    %sub3A_175 = arith.constant 1 : i32
    %sub3A_176 = arith.subi %div3A_155, %sub3A_175 : i32
    %select_n3A_177 = arith.select %and3A_174, %sub3A_176, %div3A_155 : i32
    %mul3A_178 = arith.constant 16 : i32
    %mul3A_179 = arith.muli %select_n3A_177, %mul3A_178 : i32
    %get3A_180 = arith.index_cast %mul3A_179 : i32 to index
    %get3A_181 = tpu.vector_load %arg7[%get3A_180] {strides = array<i32>} : memref<12304xi32, #tpu.memory_space<vmem>>, vector<16xi32>,
    %sub3A_182 = arith.subi %sub3A_153, %mul3A_179 : i32
    %eq3A_183 = vector.broadcast %sub3A_182 : i32 to vector<16xi32>
    %eq3A_184 = arith.cmpi eq, %iota3A, %eq3A_183 : vector<16xi32>
    %jit3A_185 = arith.constant 0 : i32
    %broadcast_in_dim3A_186 = vector.broadcast %jit3A_185 : i32 to vector<16xi32>
    %select_n3A_187 = arith.select %eq3A_184, %get3A_181, %broadcast_in_dim3A_186 : vector<16xi1>, vector<16xi32>
    %reduce_sum3A_188 = arith.constant true
    %reduce_sum3A_189 = vector.broadcast %reduce_sum3A_188 : i1 to vector<16xi1>
    %reduce_sum3A_190 = tpu.scan <sum>, %select_n3A_187 masked %reduce_sum3A_189 : vector<16xi32>, vector<16xi1> -> vector<16xi32>
    %reduce_sum3A_191 = vector.extract %reduce_sum3A_190[15] : i32 from vector<16xi32>
    %lt3A_192 = arith.cmpi slt, %reduce_sum3A_191, %mul3A_15 : i32
    %and3A_193 = arith.andi %le3A_151, %lt3A_192 : i1
    %select_n3A_194 = arith.select %and3A_193, %add3A_149, %select_n3A_147 : i32
    %add3A_195 = arith.constant 512 : i32
    %add3A_196 = arith.addi %select_n3A_194, %add3A_195 : i32
    %le3A_197 = arith.constant 12288 : i32
    %le3A_198 = arith.cmpi sle, %add3A_196, %le3A_197 : i32
    %sub3A_199 = arith.constant 1 : i32
    %sub3A_200 = arith.subi %add3A_196, %sub3A_199 : i32
    %jit3A_201 = arith.constant 16 : i32
    %div3A_202 = arith.divsi %sub3A_200, %jit3A_201 : i32
    %sign3A_203 = arith.constant 0 : i32
    %sign3A_204 = arith.cmpi sgt, %sub3A_200, %sign3A_203 : i32
    %sign3A_205 = arith.extui %sign3A_204 : i1 to i32
    %sign3A_206 = arith.constant 0 : i32
    %sign3A_207 = arith.cmpi slt, %sub3A_200, %sign3A_206 : i32
    %sign3A_208 = arith.extui %sign3A_207 : i1 to i32
    %sign3A_209 = arith.subi %sign3A_205, %sign3A_208 : i32
    %sign3A_210 = arith.constant 0 : i32
    %sign3A_211 = arith.cmpi sgt, %jit3A_201, %sign3A_210 : i32
    %sign3A_212 = arith.extui %sign3A_211 : i1 to i32
    %sign3A_213 = arith.constant 0 : i32
    %sign3A_214 = arith.cmpi slt, %jit3A_201, %sign3A_213 : i32
    %sign3A_215 = arith.extui %sign3A_214 : i1 to i32
    %sign3A_216 = arith.subi %sign3A_212, %sign3A_215 : i32
    %ne3A_217 = arith.cmpi ne, %sign3A_209, %sign3A_216 : i32
    %rem3A_218 = arith.remsi %sub3A_200, %jit3A_201 : i32
    %ne3A_219 = arith.constant 0 : i32
    %ne3A_220 = arith.cmpi ne, %rem3A_218, %ne3A_219 : i32
    %and3A_221 = arith.andi %ne3A_217, %ne3A_220 : i1
    %sub3A_222 = arith.constant 1 : i32
    %sub3A_223 = arith.subi %div3A_202, %sub3A_222 : i32
    %select_n3A_224 = arith.select %and3A_221, %sub3A_223, %div3A_202 : i32
    %mul3A_225 = arith.constant 16 : i32
    %mul3A_226 = arith.muli %select_n3A_224, %mul3A_225 : i32
    %get3A_227 = arith.index_cast %mul3A_226 : i32 to index
    %get3A_228 = tpu.vector_load %arg7[%get3A_227] {strides = array<i32>} : memref<12304xi32, #tpu.memory_space<vmem>>, vector<16xi32>,
    %sub3A_229 = arith.subi %sub3A_200, %mul3A_226 : i32
    %eq3A_230 = vector.broadcast %sub3A_229 : i32 to vector<16xi32>
    %eq3A_231 = arith.cmpi eq, %iota3A, %eq3A_230 : vector<16xi32>
    %jit3A_232 = arith.constant 0 : i32
    %broadcast_in_dim3A_233 = vector.broadcast %jit3A_232 : i32 to vector<16xi32>
    %select_n3A_234 = arith.select %eq3A_231, %get3A_228, %broadcast_in_dim3A_233 : vector<16xi1>, vector<16xi32>
    %reduce_sum3A_235 = arith.constant true
    %reduce_sum3A_236 = vector.broadcast %reduce_sum3A_235 : i1 to vector<16xi1>
    %reduce_sum3A_237 = tpu.scan <sum>, %select_n3A_234 masked %reduce_sum3A_236 : vector<16xi32>, vector<16xi1> -> vector<16xi32>
    %reduce_sum3A_238 = vector.extract %reduce_sum3A_237[15] : i32 from vector<16xi32>
    %lt3A_239 = arith.cmpi slt, %reduce_sum3A_238, %mul3A_15 : i32
    %and3A_240 = arith.andi %le3A_198, %lt3A_239 : i1
    %select_n3A_241 = arith.select %and3A_240, %add3A_196, %select_n3A_194 : i32
    %add3A_242 = arith.constant 256 : i32
    %add3A_243 = arith.addi %select_n3A_241, %add3A_242 : i32
    %le3A_244 = arith.constant 12288 : i32
    %le3A_245 = arith.cmpi sle, %add3A_243, %le3A_244 : i32
    %sub3A_246 = arith.constant 1 : i32
    %sub3A_247 = arith.subi %add3A_243, %sub3A_246 : i32
    %jit3A_248 = arith.constant 16 : i32
    %div3A_249 = arith.divsi %sub3A_247, %jit3A_248 : i32
    %sign3A_250 = arith.constant 0 : i32
    %sign3A_251 = arith.cmpi sgt, %sub3A_247, %sign3A_250 : i32
    %sign3A_252 = arith.extui %sign3A_251 : i1 to i32
    %sign3A_253 = arith.constant 0 : i32
    %sign3A_254 = arith.cmpi slt, %sub3A_247, %sign3A_253 : i32
    %sign3A_255 = arith.extui %sign3A_254 : i1 to i32
    %sign3A_256 = arith.subi %sign3A_252, %sign3A_255 : i32
    %sign3A_257 = arith.constant 0 : i32
    %sign3A_258 = arith.cmpi sgt, %jit3A_248, %sign3A_257 : i32
    %sign3A_259 = arith.extui %sign3A_258 : i1 to i32
    %sign3A_260 = arith.constant 0 : i32
    %sign3A_261 = arith.cmpi slt, %jit3A_248, %sign3A_260 : i32
    %sign3A_262 = arith.extui %sign3A_261 : i1 to i32
    %sign3A_263 = arith.subi %sign3A_259, %sign3A_262 : i32
    %ne3A_264 = arith.cmpi ne, %sign3A_256, %sign3A_263 : i32
    %rem3A_265 = arith.remsi %sub3A_247, %jit3A_248 : i32
    %ne3A_266 = arith.constant 0 : i32
    %ne3A_267 = arith.cmpi ne, %rem3A_265, %ne3A_266 : i32
    %and3A_268 = arith.andi %ne3A_264, %ne3A_267 : i1
    %sub3A_269 = arith.constant 1 : i32
    %sub3A_270 = arith.subi %div3A_249, %sub3A_269 : i32
    %select_n3A_271 = arith.select %and3A_268, %sub3A_270, %div3A_249 : i32
    %mul3A_272 = arith.constant 16 : i32
    %mul3A_273 = arith.muli %select_n3A_271, %mul3A_272 : i32
    %get3A_274 = arith.index_cast %mul3A_273 : i32 to index
    %get3A_275 = tpu.vector_load %arg7[%get3A_274] {strides = array<i32>} : memref<12304xi32, #tpu.memory_space<vmem>>, vector<16xi32>,
    %sub3A_276 = arith.subi %sub3A_247, %mul3A_273 : i32
    %eq3A_277 = vector.broadcast %sub3A_276 : i32 to vector<16xi32>
    %eq3A_278 = arith.cmpi eq, %iota3A, %eq3A_277 : vector<16xi32>
    %jit3A_279 = arith.constant 0 : i32
    %broadcast_in_dim3A_280 = vector.broadcast %jit3A_279 : i32 to vector<16xi32>
    %select_n3A_281 = arith.select %eq3A_278, %get3A_275, %broadcast_in_dim3A_280 : vector<16xi1>, vector<16xi32>
    %reduce_sum3A_282 = arith.constant true
    %reduce_sum3A_283 = vector.broadcast %reduce_sum3A_282 : i1 to vector<16xi1>
    %reduce_sum3A_284 = tpu.scan <sum>, %select_n3A_281 masked %reduce_sum3A_283 : vector<16xi32>, vector<16xi1> -> vector<16xi32>
    %reduce_sum3A_285 = vector.extract %reduce_sum3A_284[15] : i32 from vector<16xi32>
    %lt3A_286 = arith.cmpi slt, %reduce_sum3A_285, %mul3A_15 : i32
    %and3A_287 = arith.andi %le3A_245, %lt3A_286 : i1
    %select_n3A_288 = arith.select %and3A_287, %add3A_243, %select_n3A_241 : i32
    %add3A_289 = arith.constant 128 : i32
    %add3A_290 = arith.addi %select_n3A_288, %add3A_289 : i32
    %le3A_291 = arith.constant 12288 : i32
    %le3A_292 = arith.cmpi sle, %add3A_290, %le3A_291 : i32
    %sub3A_293 = arith.constant 1 : i32
    %sub3A_294 = arith.subi %add3A_290, %sub3A_293 : i32
    %jit3A_295 = arith.constant 16 : i32
    %div3A_296 = arith.divsi %sub3A_294, %jit3A_295 : i32
    %sign3A_297 = arith.constant 0 : i32
    %sign3A_298 = arith.cmpi sgt, %sub3A_294, %sign3A_297 : i32
    %sign3A_299 = arith.extui %sign3A_298 : i1 to i32
    %sign3A_300 = arith.constant 0 : i32
    %sign3A_301 = arith.cmpi slt, %sub3A_294, %sign3A_300 : i32
    %sign3A_302 = arith.extui %sign3A_301 : i1 to i32
    %sign3A_303 = arith.subi %sign3A_299, %sign3A_302 : i32
    %sign3A_304 = arith.constant 0 : i32
    %sign3A_305 = arith.cmpi sgt, %jit3A_295, %sign3A_304 : i32
    %sign3A_306 = arith.extui %sign3A_305 : i1 to i32
    %sign3A_307 = arith.constant 0 : i32
    %sign3A_308 = arith.cmpi slt, %jit3A_295, %sign3A_307 : i32
    %sign3A_309 = arith.extui %sign3A_308 : i1 to i32
    %sign3A_310 = arith.subi %sign3A_306, %sign3A_309 : i32
    %ne3A_311 = arith.cmpi ne, %sign3A_303, %sign3A_310 : i32
    %rem3A_312 = arith.remsi %sub3A_294, %jit3A_295 : i32
    %ne3A_313 = arith.constant 0 : i32
    %ne3A_314 = arith.cmpi ne, %rem3A_312, %ne3A_313 : i32
    %and3A_315 = arith.andi %ne3A_311, %ne3A_314 : i1
    %sub3A_316 = arith.constant 1 : i32
    %sub3A_317 = arith.subi %div3A_296, %sub3A_316 : i32
    %select_n3A_318 = arith.select %and3A_315, %sub3A_317, %div3A_296 : i32
    %mul3A_319 = arith.constant 16 : i32
    %mul3A_320 = arith.muli %select_n3A_318, %mul3A_319 : i32
    %get3A_321 = arith.index_cast %mul3A_320 : i32 to index
    %get3A_322 = tpu.vector_load %arg7[%get3A_321] {strides = array<i32>} : memref<12304xi32, #tpu.memory_space<vmem>>, vector<16xi32>,
    %sub3A_323 = arith.subi %sub3A_294, %mul3A_320 : i32
    %eq3A_324 = vector.broadcast %sub3A_323 : i32 to vector<16xi32>
    %eq3A_325 = arith.cmpi eq, %iota3A, %eq3A_324 : vector<16xi32>
    %jit3A_326 = arith.constant 0 : i32
    %broadcast_in_dim3A_327 = vector.broadcast %jit3A_326 : i32 to vector<16xi32>
    %select_n3A_328 = arith.select %eq3A_325, %get3A_322, %broadcast_in_dim3A_327 : vector<16xi1>, vector<16xi32>
    %reduce_sum3A_329 = arith.constant true
    %reduce_sum3A_330 = vector.broadcast %reduce_sum3A_329 : i1 to vector<16xi1>
    %reduce_sum3A_331 = tpu.scan <sum>, %select_n3A_328 masked %reduce_sum3A_330 : vector<16xi32>, vector<16xi1> -> vector<16xi32>
    %reduce_sum3A_332 = vector.extract %reduce_sum3A_331[15] : i32 from vector<16xi32>
    %lt3A_333 = arith.cmpi slt, %reduce_sum3A_332, %mul3A_15 : i32
    %and3A_334 = arith.andi %le3A_292, %lt3A_333 : i1
    %select_n3A_335 = arith.select %and3A_334, %add3A_290, %select_n3A_288 : i32
    %add3A_336 = arith.constant 64 : i32
    %add3A_337 = arith.addi %select_n3A_335, %add3A_336 : i32
    %le3A_338 = arith.constant 12288 : i32
    %le3A_339 = arith.cmpi sle, %add3A_337, %le3A_338 : i32
    %sub3A_340 = arith.constant 1 : i32
    %sub3A_341 = arith.subi %add3A_337, %sub3A_340 : i32
    %jit3A_342 = arith.constant 16 : i32
    %div3A_343 = arith.divsi %sub3A_341, %jit3A_342 : i32
    %sign3A_344 = arith.constant 0 : i32
    %sign3A_345 = arith.cmpi sgt, %sub3A_341, %sign3A_344 : i32
    %sign3A_346 = arith.extui %sign3A_345 : i1 to i32
    %sign3A_347 = arith.constant 0 : i32
    %sign3A_348 = arith.cmpi slt, %sub3A_341, %sign3A_347 : i32
    %sign3A_349 = arith.extui %sign3A_348 : i1 to i32
    %sign3A_350 = arith.subi %sign3A_346, %sign3A_349 : i32
    %sign3A_351 = arith.constant 0 : i32
    %sign3A_352 = arith.cmpi sgt, %jit3A_342, %sign3A_351 : i32
    %sign3A_353 = arith.extui %sign3A_352 : i1 to i32
    %sign3A_354 = arith.constant 0 : i32
    %sign3A_355 = arith.cmpi slt, %jit3A_342, %sign3A_354 : i32
    %sign3A_356 = arith.extui %sign3A_355 : i1 to i32
    %sign3A_357 = arith.subi %sign3A_353, %sign3A_356 : i32
    %ne3A_358 = arith.cmpi ne, %sign3A_350, %sign3A_357 : i32
    %rem3A_359 = arith.remsi %sub3A_341, %jit3A_342 : i32
    %ne3A_360 = arith.constant 0 : i32
    %ne3A_361 = arith.cmpi ne, %rem3A_359, %ne3A_360 : i32
    %and3A_362 = arith.andi %ne3A_358, %ne3A_361 : i1
    %sub3A_363 = arith.constant 1 : i32
    %sub3A_364 = arith.subi %div3A_343, %sub3A_363 : i32
    %select_n3A_365 = arith.select %and3A_362, %sub3A_364, %div3A_343 : i32
    %mul3A_366 = arith.constant 16 : i32
    %mul3A_367 = arith.muli %select_n3A_365, %mul3A_366 : i32
    %get3A_368 = arith.index_cast %mul3A_367 : i32 to index
    %get3A_369 = tpu.vector_load %arg7[%get3A_368] {strides = array<i32>} : memref<12304xi32, #tpu.memory_space<vmem>>, vector<16xi32>,
    %sub3A_370 = arith.subi %sub3A_341, %mul3A_367 : i32
    %eq3A_371 = vector.broadcast %sub3A_370 : i32 to vector<16xi32>
    %eq3A_372 = arith.cmpi eq, %iota3A, %eq3A_371 : vector<16xi32>
    %jit3A_373 = arith.constant 0 : i32
    %broadcast_in_dim3A_374 = vector.broadcast %jit3A_373 : i32 to vector<16xi32>
    %select_n3A_375 = arith.select %eq3A_372, %get3A_369, %broadcast_in_dim3A_374 : vector<16xi1>, vector<16xi32>
    %reduce_sum3A_376 = arith.constant true
    %reduce_sum3A_377 = vector.broadcast %reduce_sum3A_376 : i1 to vector<16xi1>
    %reduce_sum3A_378 = tpu.scan <sum>, %select_n3A_375 masked %reduce_sum3A_377 : vector<16xi32>, vector<16xi1> -> vector<16xi32>
    %reduce_sum3A_379 = vector.extract %reduce_sum3A_378[15] : i32 from vector<16xi32>
    %lt3A_380 = arith.cmpi slt, %reduce_sum3A_379, %mul3A_15 : i32
    %and3A_381 = arith.andi %le3A_339, %lt3A_380 : i1
    %select_n3A_382 = arith.select %and3A_381, %add3A_337, %select_n3A_335 : i32
    %add3A_383 = arith.constant 32 : i32
    %add3A_384 = arith.addi %select_n3A_382, %add3A_383 : i32
    %le3A_385 = arith.constant 12288 : i32
    %le3A_386 = arith.cmpi sle, %add3A_384, %le3A_385 : i32
    %sub3A_387 = arith.constant 1 : i32
    %sub3A_388 = arith.subi %add3A_384, %sub3A_387 : i32
    %jit3A_389 = arith.constant 16 : i32
    %div3A_390 = arith.divsi %sub3A_388, %jit3A_389 : i32
    %sign3A_391 = arith.constant 0 : i32
    %sign3A_392 = arith.cmpi sgt, %sub3A_388, %sign3A_391 : i32
    %sign3A_393 = arith.extui %sign3A_392 : i1 to i32
    %sign3A_394 = arith.constant 0 : i32
    %sign3A_395 = arith.cmpi slt, %sub3A_388, %sign3A_394 : i32
    %sign3A_396 = arith.extui %sign3A_395 : i1 to i32
    %sign3A_397 = arith.subi %sign3A_393, %sign3A_396 : i32
    %sign3A_398 = arith.constant 0 : i32
    %sign3A_399 = arith.cmpi sgt, %jit3A_389, %sign3A_398 : i32
    %sign3A_400 = arith.extui %sign3A_399 : i1 to i32
    %sign3A_401 = arith.constant 0 : i32
    %sign3A_402 = arith.cmpi slt, %jit3A_389, %sign3A_401 : i32
    %sign3A_403 = arith.extui %sign3A_402 : i1 to i32
    %sign3A_404 = arith.subi %sign3A_400, %sign3A_403 : i32
    %ne3A_405 = arith.cmpi ne, %sign3A_397, %sign3A_404 : i32
    %rem3A_406 = arith.remsi %sub3A_388, %jit3A_389 : i32
    %ne3A_407 = arith.constant 0 : i32
    %ne3A_408 = arith.cmpi ne, %rem3A_406, %ne3A_407 : i32
    %and3A_409 = arith.andi %ne3A_405, %ne3A_408 : i1
    %sub3A_410 = arith.constant 1 : i32
    %sub3A_411 = arith.subi %div3A_390, %sub3A_410 : i32
    %select_n3A_412 = arith.select %and3A_409, %sub3A_411, %div3A_390 : i32
    %mul3A_413 = arith.constant 16 : i32
    %mul3A_414 = arith.muli %select_n3A_412, %mul3A_413 : i32
    %get3A_415 = arith.index_cast %mul3A_414 : i32 to index
    %get3A_416 = tpu.vector_load %arg7[%get3A_415] {strides = array<i32>} : memref<12304xi32, #tpu.memory_space<vmem>>, vector<16xi32>,
    %sub3A_417 = arith.subi %sub3A_388, %mul3A_414 : i32
    %eq3A_418 = vector.broadcast %sub3A_417 : i32 to vector<16xi32>
    %eq3A_419 = arith.cmpi eq, %iota3A, %eq3A_418 : vector<16xi32>
    %jit3A_420 = arith.constant 0 : i32
    %broadcast_in_dim3A_421 = vector.broadcast %jit3A_420 : i32 to vector<16xi32>
    %select_n3A_422 = arith.select %eq3A_419, %get3A_416, %broadcast_in_dim3A_421 : vector<16xi1>, vector<16xi32>
    %reduce_sum3A_423 = arith.constant true
    %reduce_sum3A_424 = vector.broadcast %reduce_sum3A_423 : i1 to vector<16xi1>
    %reduce_sum3A_425 = tpu.scan <sum>, %select_n3A_422 masked %reduce_sum3A_424 : vector<16xi32>, vector<16xi1> -> vector<16xi32>
    %reduce_sum3A_426 = vector.extract %reduce_sum3A_425[15] : i32 from vector<16xi32>
    %lt3A_427 = arith.cmpi slt, %reduce_sum3A_426, %mul3A_15 : i32
    %and3A_428 = arith.andi %le3A_386, %lt3A_427 : i1
    %select_n3A_429 = arith.select %and3A_428, %add3A_384, %select_n3A_382 : i32
    %add3A_430 = arith.constant 16 : i32
    %add3A_431 = arith.addi %select_n3A_429, %add3A_430 : i32
    %le3A_432 = arith.constant 12288 : i32
    %le3A_433 = arith.cmpi sle, %add3A_431, %le3A_432 : i32
    %sub3A_434 = arith.constant 1 : i32
    %sub3A_435 = arith.subi %add3A_431, %sub3A_434 : i32
    %jit3A_436 = arith.constant 16 : i32
    %div3A_437 = arith.divsi %sub3A_435, %jit3A_436 : i32
    %sign3A_438 = arith.constant 0 : i32
    %sign3A_439 = arith.cmpi sgt, %sub3A_435, %sign3A_438 : i32
    %sign3A_440 = arith.extui %sign3A_439 : i1 to i32
    %sign3A_441 = arith.constant 0 : i32
    %sign3A_442 = arith.cmpi slt, %sub3A_435, %sign3A_441 : i32
    %sign3A_443 = arith.extui %sign3A_442 : i1 to i32
    %sign3A_444 = arith.subi %sign3A_440, %sign3A_443 : i32
    %sign3A_445 = arith.constant 0 : i32
    %sign3A_446 = arith.cmpi sgt, %jit3A_436, %sign3A_445 : i32
    %sign3A_447 = arith.extui %sign3A_446 : i1 to i32
    %sign3A_448 = arith.constant 0 : i32
    %sign3A_449 = arith.cmpi slt, %jit3A_436, %sign3A_448 : i32
    %sign3A_450 = arith.extui %sign3A_449 : i1 to i32
    %sign3A_451 = arith.subi %sign3A_447, %sign3A_450 : i32
    %ne3A_452 = arith.cmpi ne, %sign3A_444, %sign3A_451 : i32
    %rem3A_453 = arith.remsi %sub3A_435, %jit3A_436 : i32
    %ne3A_454 = arith.constant 0 : i32
    %ne3A_455 = arith.cmpi ne, %rem3A_453, %ne3A_454 : i32
    %and3A_456 = arith.andi %ne3A_452, %ne3A_455 : i1
    %sub3A_457 = arith.constant 1 : i32
    %sub3A_458 = arith.subi %div3A_437, %sub3A_457 : i32
    %select_n3A_459 = arith.select %and3A_456, %sub3A_458, %div3A_437 : i32
    %mul3A_460 = arith.constant 16 : i32
    %mul3A_461 = arith.muli %select_n3A_459, %mul3A_460 : i32
    %get3A_462 = arith.index_cast %mul3A_461 : i32 to index
    %get3A_463 = tpu.vector_load %arg7[%get3A_462] {strides = array<i32>} : memref<12304xi32, #tpu.memory_space<vmem>>, vector<16xi32>,
    %sub3A_464 = arith.subi %sub3A_435, %mul3A_461 : i32
    %eq3A_465 = vector.broadcast %sub3A_464 : i32 to vector<16xi32>
    %eq3A_466 = arith.cmpi eq, %iota3A, %eq3A_465 : vector<16xi32>
    %jit3A_467 = arith.constant 0 : i32
    %broadcast_in_dim3A_468 = vector.broadcast %jit3A_467 : i32 to vector<16xi32>
    %select_n3A_469 = arith.select %eq3A_466, %get3A_463, %broadcast_in_dim3A_468 : vector<16xi1>, vector<16xi32>
    %reduce_sum3A_470 = arith.constant true
    %reduce_sum3A_471 = vector.broadcast %reduce_sum3A_470 : i1 to vector<16xi1>
    %reduce_sum3A_472 = tpu.scan <sum>, %select_n3A_469 masked %reduce_sum3A_471 : vector<16xi32>, vector<16xi1> -> vector<16xi32>
    %reduce_sum3A_473 = vector.extract %reduce_sum3A_472[15] : i32 from vector<16xi32>
    %lt3A_474 = arith.cmpi slt, %reduce_sum3A_473, %mul3A_15 : i32
    %and3A_475 = arith.andi %le3A_433, %lt3A_474 : i1
    %select_n3A_476 = arith.select %and3A_475, %add3A_431, %select_n3A_429 : i32
    %add3A_477 = arith.constant 8 : i32
    %add3A_478 = arith.addi %select_n3A_476, %add3A_477 : i32
    %le3A_479 = arith.constant 12288 : i32
    %le3A_480 = arith.cmpi sle, %add3A_478, %le3A_479 : i32
    %sub3A_481 = arith.constant 1 : i32
    %sub3A_482 = arith.subi %add3A_478, %sub3A_481 : i32
    %jit3A_483 = arith.constant 16 : i32
    %div3A_484 = arith.divsi %sub3A_482, %jit3A_483 : i32
    %sign3A_485 = arith.constant 0 : i32
    %sign3A_486 = arith.cmpi sgt, %sub3A_482, %sign3A_485 : i32
    %sign3A_487 = arith.extui %sign3A_486 : i1 to i32
    %sign3A_488 = arith.constant 0 : i32
    %sign3A_489 = arith.cmpi slt, %sub3A_482, %sign3A_488 : i32
    %sign3A_490 = arith.extui %sign3A_489 : i1 to i32
    %sign3A_491 = arith.subi %sign3A_487, %sign3A_490 : i32
    %sign3A_492 = arith.constant 0 : i32
    %sign3A_493 = arith.cmpi sgt, %jit3A_483, %sign3A_492 : i32
    %sign3A_494 = arith.extui %sign3A_493 : i1 to i32
    %sign3A_495 = arith.constant 0 : i32
    %sign3A_496 = arith.cmpi slt, %jit3A_483, %sign3A_495 : i32
    %sign3A_497 = arith.extui %sign3A_496 : i1 to i32
    %sign3A_498 = arith.subi %sign3A_494, %sign3A_497 : i32
    %ne3A_499 = arith.cmpi ne, %sign3A_491, %sign3A_498 : i32
    %rem3A_500 = arith.remsi %sub3A_482, %jit3A_483 : i32
    %ne3A_501 = arith.constant 0 : i32
    %ne3A_502 = arith.cmpi ne, %rem3A_500, %ne3A_501 : i32
    %and3A_503 = arith.andi %ne3A_499, %ne3A_502 : i1
    %sub3A_504 = arith.constant 1 : i32
    %sub3A_505 = arith.subi %div3A_484, %sub3A_504 : i32
    %select_n3A_506 = arith.select %and3A_503, %sub3A_505, %div3A_484 : i32
    %mul3A_507 = arith.constant 16 : i32
    %mul3A_508 = arith.muli %select_n3A_506, %mul3A_507 : i32
    %get3A_509 = arith.index_cast %mul3A_508 : i32 to index
    %get3A_510 = tpu.vector_load %arg7[%get3A_509] {strides = array<i32>} : memref<12304xi32, #tpu.memory_space<vmem>>, vector<16xi32>,
    %sub3A_511 = arith.subi %sub3A_482, %mul3A_508 : i32
    %eq3A_512 = vector.broadcast %sub3A_511 : i32 to vector<16xi32>
    %eq3A_513 = arith.cmpi eq, %iota3A, %eq3A_512 : vector<16xi32>
    %jit3A_514 = arith.constant 0 : i32
    %broadcast_in_dim3A_515 = vector.broadcast %jit3A_514 : i32 to vector<16xi32>
    %select_n3A_516 = arith.select %eq3A_513, %get3A_510, %broadcast_in_dim3A_515 : vector<16xi1>, vector<16xi32>
    %reduce_sum3A_517 = arith.constant true
    %reduce_sum3A_518 = vector.broadcast %reduce_sum3A_517 : i1 to vector<16xi1>
    %reduce_sum3A_519 = tpu.scan <sum>, %select_n3A_516 masked %reduce_sum3A_518 : vector<16xi32>, vector<16xi1> -> vector<16xi32>
    %reduce_sum3A_520 = vector.extract %reduce_sum3A_519[15] : i32 from vector<16xi32>
    %lt3A_521 = arith.cmpi slt, %reduce_sum3A_520, %mul3A_15 : i32
    %and3A_522 = arith.andi %le3A_480, %lt3A_521 : i1
    %select_n3A_523 = arith.select %and3A_522, %add3A_478, %select_n3A_476 : i32
    %add3A_524 = arith.constant 4 : i32
    %add3A_525 = arith.addi %select_n3A_523, %add3A_524 : i32
    %le3A_526 = arith.constant 12288 : i32
    %le3A_527 = arith.cmpi sle, %add3A_525, %le3A_526 : i32
    %sub3A_528 = arith.constant 1 : i32
    %sub3A_529 = arith.subi %add3A_525, %sub3A_528 : i32
    %jit3A_530 = arith.constant 16 : i32
    %div3A_531 = arith.divsi %sub3A_529, %jit3A_530 : i32
    %sign3A_532 = arith.constant 0 : i32
    %sign3A_533 = arith.cmpi sgt, %sub3A_529, %sign3A_532 : i32
    %sign3A_534 = arith.extui %sign3A_533 : i1 to i32
    %sign3A_535 = arith.constant 0 : i32
    %sign3A_536 = arith.cmpi slt, %sub3A_529, %sign3A_535 : i32
    %sign3A_537 = arith.extui %sign3A_536 : i1 to i32
    %sign3A_538 = arith.subi %sign3A_534, %sign3A_537 : i32
    %sign3A_539 = arith.constant 0 : i32
    %sign3A_540 = arith.cmpi sgt, %jit3A_530, %sign3A_539 : i32
    %sign3A_541 = arith.extui %sign3A_540 : i1 to i32
    %sign3A_542 = arith.constant 0 : i32
    %sign3A_543 = arith.cmpi slt, %jit3A_530, %sign3A_542 : i32
    %sign3A_544 = arith.extui %sign3A_543 : i1 to i32
    %sign3A_545 = arith.subi %sign3A_541, %sign3A_544 : i32
    %ne3A_546 = arith.cmpi ne, %sign3A_538, %sign3A_545 : i32
    %rem3A_547 = arith.remsi %sub3A_529, %jit3A_530 : i32
    %ne3A_548 = arith.constant 0 : i32
    %ne3A_549 = arith.cmpi ne, %rem3A_547, %ne3A_548 : i32
    %and3A_550 = arith.andi %ne3A_546, %ne3A_549 : i1
    %sub3A_551 = arith.constant 1 : i32
    %sub3A_552 = arith.subi %div3A_531, %sub3A_551 : i32
    %select_n3A_553 = arith.select %and3A_550, %sub3A_552, %div3A_531 : i32
    %mul3A_554 = arith.constant 16 : i32
    %mul3A_555 = arith.muli %select_n3A_553, %mul3A_554 : i32
    %get3A_556 = arith.index_cast %mul3A_555 : i32 to index
    %get3A_557 = tpu.vector_load %arg7[%get3A_556] {strides = array<i32>} : memref<12304xi32, #tpu.memory_space<vmem>>, vector<16xi32>,
    %sub3A_558 = arith.subi %sub3A_529, %mul3A_555 : i32
    %eq3A_559 = vector.broadcast %sub3A_558 : i32 to vector<16xi32>
    %eq3A_560 = arith.cmpi eq, %iota3A, %eq3A_559 : vector<16xi32>
    %jit3A_561 = arith.constant 0 : i32
    %broadcast_in_dim3A_562 = vector.broadcast %jit3A_561 : i32 to vector<16xi32>
    %select_n3A_563 = arith.select %eq3A_560, %get3A_557, %broadcast_in_dim3A_562 : vector<16xi1>, vector<16xi32>
    %reduce_sum3A_564 = arith.constant true
    %reduce_sum3A_565 = vector.broadcast %reduce_sum3A_564 : i1 to vector<16xi1>
    %reduce_sum3A_566 = tpu.scan <sum>, %select_n3A_563 masked %reduce_sum3A_565 : vector<16xi32>, vector<16xi1> -> vector<16xi32>
    %reduce_sum3A_567 = vector.extract %reduce_sum3A_566[15] : i32 from vector<16xi32>
    %lt3A_568 = arith.cmpi slt, %reduce_sum3A_567, %mul3A_15 : i32
    %and3A_569 = arith.andi %le3A_527, %lt3A_568 : i1
    %select_n3A_570 = arith.select %and3A_569, %add3A_525, %select_n3A_523 : i32
    %add3A_571 = arith.constant 2 : i32
    %add3A_572 = arith.addi %select_n3A_570, %add3A_571 : i32
    %le3A_573 = arith.constant 12288 : i32
    %le3A_574 = arith.cmpi sle, %add3A_572, %le3A_573 : i32
    %sub3A_575 = arith.constant 1 : i32
    %sub3A_576 = arith.subi %add3A_572, %sub3A_575 : i32
    %jit3A_577 = arith.constant 16 : i32
    %div3A_578 = arith.divsi %sub3A_576, %jit3A_577 : i32
    %sign3A_579 = arith.constant 0 : i32
    %sign3A_580 = arith.cmpi sgt, %sub3A_576, %sign3A_579 : i32
    %sign3A_581 = arith.extui %sign3A_580 : i1 to i32
    %sign3A_582 = arith.constant 0 : i32
    %sign3A_583 = arith.cmpi slt, %sub3A_576, %sign3A_582 : i32
    %sign3A_584 = arith.extui %sign3A_583 : i1 to i32
    %sign3A_585 = arith.subi %sign3A_581, %sign3A_584 : i32
    %sign3A_586 = arith.constant 0 : i32
    %sign3A_587 = arith.cmpi sgt, %jit3A_577, %sign3A_586 : i32
    %sign3A_588 = arith.extui %sign3A_587 : i1 to i32
    %sign3A_589 = arith.constant 0 : i32
    %sign3A_590 = arith.cmpi slt, %jit3A_577, %sign3A_589 : i32
    %sign3A_591 = arith.extui %sign3A_590 : i1 to i32
    %sign3A_592 = arith.subi %sign3A_588, %sign3A_591 : i32
    %ne3A_593 = arith.cmpi ne, %sign3A_585, %sign3A_592 : i32
    %rem3A_594 = arith.remsi %sub3A_576, %jit3A_577 : i32
    %ne3A_595 = arith.constant 0 : i32
    %ne3A_596 = arith.cmpi ne, %rem3A_594, %ne3A_595 : i32
    %and3A_597 = arith.andi %ne3A_593, %ne3A_596 : i1
    %sub3A_598 = arith.constant 1 : i32
    %sub3A_599 = arith.subi %div3A_578, %sub3A_598 : i32
    %select_n3A_600 = arith.select %and3A_597, %sub3A_599, %div3A_578 : i32
    %mul3A_601 = arith.constant 16 : i32
    %mul3A_602 = arith.muli %select_n3A_600, %mul3A_601 : i32
    %get3A_603 = arith.index_cast %mul3A_602 : i32 to index
    %get3A_604 = tpu.vector_load %arg7[%get3A_603] {strides = array<i32>} : memref<12304xi32, #tpu.memory_space<vmem>>, vector<16xi32>,
    %sub3A_605 = arith.subi %sub3A_576, %mul3A_602 : i32
    %eq3A_606 = vector.broadcast %sub3A_605 : i32 to vector<16xi32>
    %eq3A_607 = arith.cmpi eq, %iota3A, %eq3A_606 : vector<16xi32>
    %jit3A_608 = arith.constant 0 : i32
    %broadcast_in_dim3A_609 = vector.broadcast %jit3A_608 : i32 to vector<16xi32>
    %select_n3A_610 = arith.select %eq3A_607, %get3A_604, %broadcast_in_dim3A_609 : vector<16xi1>, vector<16xi32>
    %reduce_sum3A_611 = arith.constant true
    %reduce_sum3A_612 = vector.broadcast %reduce_sum3A_611 : i1 to vector<16xi1>
    %reduce_sum3A_613 = tpu.scan <sum>, %select_n3A_610 masked %reduce_sum3A_612 : vector<16xi32>, vector<16xi1> -> vector<16xi32>
    %reduce_sum3A_614 = vector.extract %reduce_sum3A_613[15] : i32 from vector<16xi32>
    %lt3A_615 = arith.cmpi slt, %reduce_sum3A_614, %mul3A_15 : i32
    %and3A_616 = arith.andi %le3A_574, %lt3A_615 : i1
    %select_n3A_617 = arith.select %and3A_616, %add3A_572, %select_n3A_570 : i32
    %add3A_618 = arith.constant 1 : i32
    %add3A_619 = arith.addi %select_n3A_617, %add3A_618 : i32
    %le3A_620 = arith.constant 12288 : i32
    %le3A_621 = arith.cmpi sle, %add3A_619, %le3A_620 : i32
    %sub3A_622 = arith.constant 1 : i32
    %sub3A_623 = arith.subi %add3A_619, %sub3A_622 : i32
    %jit3A_624 = arith.constant 16 : i32
    %div3A_625 = arith.divsi %sub3A_623, %jit3A_624 : i32
    %sign3A_626 = arith.constant 0 : i32
    %sign3A_627 = arith.cmpi sgt, %sub3A_623, %sign3A_626 : i32
    %sign3A_628 = arith.extui %sign3A_627 : i1 to i32
    %sign3A_629 = arith.constant 0 : i32
    %sign3A_630 = arith.cmpi slt, %sub3A_623, %sign3A_629 : i32
    %sign3A_631 = arith.extui %sign3A_630 : i1 to i32
    %sign3A_632 = arith.subi %sign3A_628, %sign3A_631 : i32
    %sign3A_633 = arith.constant 0 : i32
    %sign3A_634 = arith.cmpi sgt, %jit3A_624, %sign3A_633 : i32
    %sign3A_635 = arith.extui %sign3A_634 : i1 to i32
    %sign3A_636 = arith.constant 0 : i32
    %sign3A_637 = arith.cmpi slt, %jit3A_624, %sign3A_636 : i32
    %sign3A_638 = arith.extui %sign3A_637 : i1 to i32
    %sign3A_639 = arith.subi %sign3A_635, %sign3A_638 : i32
    %ne3A_640 = arith.cmpi ne, %sign3A_632, %sign3A_639 : i32
    %rem3A_641 = arith.remsi %sub3A_623, %jit3A_624 : i32
    %ne3A_642 = arith.constant 0 : i32
    %ne3A_643 = arith.cmpi ne, %rem3A_641, %ne3A_642 : i32
    %and3A_644 = arith.andi %ne3A_640, %ne3A_643 : i1
    %sub3A_645 = arith.constant 1 : i32
    %sub3A_646 = arith.subi %div3A_625, %sub3A_645 : i32
    %select_n3A_647 = arith.select %and3A_644, %sub3A_646, %div3A_625 : i32
    %mul3A_648 = arith.constant 16 : i32
    %mul3A_649 = arith.muli %select_n3A_647, %mul3A_648 : i32
    %get3A_650 = arith.index_cast %mul3A_649 : i32 to index
    %get3A_651 = tpu.vector_load %arg7[%get3A_650] {strides = array<i32>} : memref<12304xi32, #tpu.memory_space<vmem>>, vector<16xi32>,
    %sub3A_652 = arith.subi %sub3A_623, %mul3A_649 : i32
    %eq3A_653 = vector.broadcast %sub3A_652 : i32 to vector<16xi32>
    %eq3A_654 = arith.cmpi eq, %iota3A, %eq3A_653 : vector<16xi32>
    %jit3A_655 = arith.constant 0 : i32
    %broadcast_in_dim3A_656 = vector.broadcast %jit3A_655 : i32 to vector<16xi32>
    %select_n3A_657 = arith.select %eq3A_654, %get3A_651, %broadcast_in_dim3A_656 : vector<16xi1>, vector<16xi32>
    %reduce_sum3A_658 = arith.constant true
    %reduce_sum3A_659 = vector.broadcast %reduce_sum3A_658 : i1 to vector<16xi1>
    %reduce_sum3A_660 = tpu.scan <sum>, %select_n3A_657 masked %reduce_sum3A_659 : vector<16xi32>, vector<16xi1> -> vector<16xi32>
    %reduce_sum3A_661 = vector.extract %reduce_sum3A_660[15] : i32 from vector<16xi32>
    %lt3A_662 = arith.cmpi slt, %reduce_sum3A_661, %mul3A_15 : i32
    %and3A_663 = arith.andi %le3A_621, %lt3A_662 : i1
    %select_n3A_664 = arith.select %and3A_663, %add3A_619, %select_n3A_617 : i32
    %swap3A = arith.constant 0 : i32
    %swap3A_665 = arith.constant 0 : i32
    %swap3A_666 = arith.index_cast %swap3A_665 : i32 to index
    %swap3A_667 = memref.load %arg16[%swap3A_666] : memref<8xi32, #tpu.memory_space<smem>>
    memref.store %swap3A, %arg16[%swap3A_666] : memref<8xi32, #tpu.memory_space<smem>>
    %swap3A_668 = arith.constant 1 : i32
    %swap3A_669 = arith.index_cast %swap3A_668 : i32 to index
    %swap3A_670 = memref.load %arg16[%swap3A_669] : memref<8xi32, #tpu.memory_space<smem>>
    memref.store %select_n3A_664, %arg16[%swap3A_669] : memref<8xi32, #tpu.memory_space<smem>>
    %add3A_671 = arith.constant 0 : i32
    %add3A_672 = arith.addi %add3A_4, %add3A_671 : i32
    %lt3A_673 = arith.cmpi slt, %add3A_672, %add3A_9 : i32
    %convert_element_type3A = arith.extui %lt3A_673 : i1 to i32
    %cond3A = arith.constant 0 : i32
    %cond3A_674 = arith.cmpi ne, %convert_element_type3A, %cond3A : i32
    scf.if %cond3A_674 {
      %add3A_713 = arith.constant 0 : i32
      %add3A_714 = arith.addi %add3A_4, %add3A_713 : i32
      %mul3A_715 = arith.constant 256 : i32
      %mul3A_716 = arith.muli %add3A_714, %mul3A_715 : i32
      %multiple_of3A = tpu.assume_multiple %mul3A_716, 256 : i32
      %eq3A_717 = arith.constant 3906 : i32
      %eq3A_718 = arith.cmpi eq, %add3A_714, %eq3A_717 : i32
      %not3A = arith.constant true
      %not3A_719 = arith.xori %eq3A_718, %not3A : i1
      %convert_element_type3A_720 = arith.extui %not3A_719 : i1 to i32
      %cond3A_721 = arith.constant 0 : i32
      %cond3A_722 = arith.cmpi ne, %convert_element_type3A_720, %cond3A_721 : i32
      scf.if %cond3A_722 {
        %dma_start3A_726 = arith.constant 0 : i32
        %dma_start3A_727 = tpu.memref_slice %arg2[%dma_start3A_726, %multiple_of3A] : memref<64x1000000xf32, #tpu.memory_space<hbm>> -> memref<64x256xf32, #tpu.memory_space<hbm>>
        %dma_start3A_728 = arith.constant 0 : i32
        %dma_start3A_729 = tpu.memref_slice %arg2[%dma_start3A_728, %multiple_of3A] : memref<64x1000000xf32, #tpu.memory_space<hbm>> -> memref<64x256xf32, #tpu.memory_space<hbm>>
        tpu.enqueue_dma source(%dma_start3A_729 : memref<64x256xf32, #tpu.memory_space<hbm>>) target(%arg9 : memref<64x256xf32, #tpu.memory_space<vmem>>) target_semaphore(%arg17 : memref<!tpu.dma_semaphore, #tpu.memory_space<semaphore_mem>>)
      } else {
      }
      %convert_element_type3A_723 = arith.extui %eq3A_718 : i1 to i32
      %cond3A_724 = arith.constant 0 : i32
      %cond3A_725 = arith.cmpi ne, %convert_element_type3A_723, %cond3A_724 : i32
      scf.if %cond3A_725 {
        %dma_start3A_726 = arith.constant 0 : i32
        %dma_start3A_727 = arith.constant 0 : i32
        %dma_start3A_728 = tpu.memref_slice %arg9[%dma_start3A_726, %dma_start3A_727] : memref<64x256xf32, #tpu.memory_space<vmem>> -> memref<64x128xf32, #tpu.memory_space<vmem>>
        %dma_start3A_729 = arith.constant 0 : i32
        %dma_start3A_730 = arith.constant 0 : i32
        %dma_start3A_731 = tpu.memref_slice %arg9[%dma_start3A_729, %dma_start3A_730] : memref<64x256xf32, #tpu.memory_space<vmem>> -> memref<64x128xf32, #tpu.memory_space<vmem>>
        tpu.enqueue_dma source(%arg3 : memref<64x128xf32, #tpu.memory_space<hbm>>) target(%dma_start3A_731 : memref<64x128xf32, #tpu.memory_space<vmem>>) target_semaphore(%arg17 : memref<!tpu.dma_semaphore, #tpu.memory_space<semaphore_mem>>)
      } else {
      }
    } else {
    }
    %add3A_675 = arith.constant 1 : i32
    %add3A_676 = arith.addi %add3A_4, %add3A_675 : i32
    %lt3A_677 = arith.cmpi slt, %add3A_676, %add3A_9 : i32
    %convert_element_type3A_678 = arith.extui %lt3A_677 : i1 to i32
    %cond3A_679 = arith.constant 0 : i32
    %cond3A_680 = arith.cmpi ne, %convert_element_type3A_678, %cond3A_679 : i32
    scf.if %cond3A_680 {
      %add3A_713 = arith.constant 1 : i32
      %add3A_714 = arith.addi %add3A_4, %add3A_713 : i32
      %mul3A_715 = arith.constant 256 : i32
      %mul3A_716 = arith.muli %add3A_714, %mul3A_715 : i32
      %multiple_of3A = tpu.assume_multiple %mul3A_716, 256 : i32
      %eq3A_717 = arith.constant 3906 : i32
      %eq3A_718 = arith.cmpi eq, %add3A_714, %eq3A_717 : i32
      %not3A = arith.constant true
      %not3A_719 = arith.xori %eq3A_718, %not3A : i1
      %convert_element_type3A_720 = arith.extui %not3A_719 : i1 to i32
      %cond3A_721 = arith.constant 0 : i32
      %cond3A_722 = arith.cmpi ne, %convert_element_type3A_720, %cond3A_721 : i32
      scf.if %cond3A_722 {
        %dma_start3A_726 = arith.constant 0 : i32
        %dma_start3A_727 = tpu.memref_slice %arg2[%dma_start3A_726, %multiple_of3A] : memref<64x1000000xf32, #tpu.memory_space<hbm>> -> memref<64x256xf32, #tpu.memory_space<hbm>>
        %dma_start3A_728 = arith.constant 0 : i32
        %dma_start3A_729 = tpu.memref_slice %arg2[%dma_start3A_728, %multiple_of3A] : memref<64x1000000xf32, #tpu.memory_space<hbm>> -> memref<64x256xf32, #tpu.memory_space<hbm>>
        tpu.enqueue_dma source(%dma_start3A_729 : memref<64x256xf32, #tpu.memory_space<hbm>>) target(%arg10 : memref<64x256xf32, #tpu.memory_space<vmem>>) target_semaphore(%arg18 : memref<!tpu.dma_semaphore, #tpu.memory_space<semaphore_mem>>)
      } else {
      }
      %convert_element_type3A_723 = arith.extui %eq3A_718 : i1 to i32
      %cond3A_724 = arith.constant 0 : i32
      %cond3A_725 = arith.cmpi ne, %convert_element_type3A_723, %cond3A_724 : i32
      scf.if %cond3A_725 {
        %dma_start3A_726 = arith.constant 0 : i32
        %dma_start3A_727 = arith.constant 0 : i32
        %dma_start3A_728 = tpu.memref_slice %arg10[%dma_start3A_726, %dma_start3A_727] : memref<64x256xf32, #tpu.memory_space<vmem>> -> memref<64x128xf32, #tpu.memory_space<vmem>>
        %dma_start3A_729 = arith.constant 0 : i32
        %dma_start3A_730 = arith.constant 0 : i32
        %dma_start3A_731 = tpu.memref_slice %arg10[%dma_start3A_729, %dma_start3A_730] : memref<64x256xf32, #tpu.memory_space<vmem>> -> memref<64x128xf32, #tpu.memory_space<vmem>>
        tpu.enqueue_dma source(%arg3 : memref<64x128xf32, #tpu.memory_space<hbm>>) target(%dma_start3A_731 : memref<64x128xf32, #tpu.memory_space<vmem>>) target_semaphore(%arg18 : memref<!tpu.dma_semaphore, #tpu.memory_space<semaphore_mem>>)
      } else {
      }
    } else {
    }
    %add3A_681 = arith.constant 2 : i32
    %add3A_682 = arith.addi %add3A_4, %add3A_681 : i32
    %lt3A_683 = arith.cmpi slt, %add3A_682, %add3A_9 : i32
    %convert_element_type3A_684 = arith.extui %lt3A_683 : i1 to i32
    %cond3A_685 = arith.constant 0 : i32
    %cond3A_686 = arith.cmpi ne, %convert_element_type3A_684, %cond3A_685 : i32
    scf.if %cond3A_686 {
      %add3A_713 = arith.constant 2 : i32
      %add3A_714 = arith.addi %add3A_4, %add3A_713 : i32
      %mul3A_715 = arith.constant 256 : i32
      %mul3A_716 = arith.muli %add3A_714, %mul3A_715 : i32
      %multiple_of3A = tpu.assume_multiple %mul3A_716, 256 : i32
      %eq3A_717 = arith.constant 3906 : i32
      %eq3A_718 = arith.cmpi eq, %add3A_714, %eq3A_717 : i32
      %not3A = arith.constant true
      %not3A_719 = arith.xori %eq3A_718, %not3A : i1
      %convert_element_type3A_720 = arith.extui %not3A_719 : i1 to i32
      %cond3A_721 = arith.constant 0 : i32
      %cond3A_722 = arith.cmpi ne, %convert_element_type3A_720, %cond3A_721 : i32
      scf.if %cond3A_722 {
        %dma_start3A_726 = arith.constant 0 : i32
        %dma_start3A_727 = tpu.memref_slice %arg2[%dma_start3A_726, %multiple_of3A] : memref<64x1000000xf32, #tpu.memory_space<hbm>> -> memref<64x256xf32, #tpu.memory_space<hbm>>
        %dma_start3A_728 = arith.constant 0 : i32
        %dma_start3A_729 = tpu.memref_slice %arg2[%dma_start3A_728, %multiple_of3A] : memref<64x1000000xf32, #tpu.memory_space<hbm>> -> memref<64x256xf32, #tpu.memory_space<hbm>>
        tpu.enqueue_dma source(%dma_start3A_729 : memref<64x256xf32, #tpu.memory_space<hbm>>) target(%arg11 : memref<64x256xf32, #tpu.memory_space<vmem>>) target_semaphore(%arg19 : memref<!tpu.dma_semaphore, #tpu.memory_space<semaphore_mem>>)
      } else {
      }
      %convert_element_type3A_723 = arith.extui %eq3A_718 : i1 to i32
      %cond3A_724 = arith.constant 0 : i32
      %cond3A_725 = arith.cmpi ne, %convert_element_type3A_723, %cond3A_724 : i32
      scf.if %cond3A_725 {
        %dma_start3A_726 = arith.constant 0 : i32
        %dma_start3A_727 = arith.constant 0 : i32
        %dma_start3A_728 = tpu.memref_slice %arg11[%dma_start3A_726, %dma_start3A_727] : memref<64x256xf32, #tpu.memory_space<vmem>> -> memref<64x128xf32, #tpu.memory_space<vmem>>
        %dma_start3A_729 = arith.constant 0 : i32
        %dma_start3A_730 = arith.constant 0 : i32
        %dma_start3A_731 = tpu.memref_slice %arg11[%dma_start3A_729, %dma_start3A_730] : memref<64x256xf32, #tpu.memory_space<vmem>> -> memref<64x128xf32, #tpu.memory_space<vmem>>
        tpu.enqueue_dma source(%arg3 : memref<64x128xf32, #tpu.memory_space<hbm>>) target(%dma_start3A_731 : memref<64x128xf32, #tpu.memory_space<vmem>>) target_semaphore(%arg19 : memref<!tpu.dma_semaphore, #tpu.memory_space<semaphore_mem>>)
      } else {
      }
    } else {
    }
    %add3A_687 = arith.constant 3 : i32
    %add3A_688 = arith.addi %add3A_4, %add3A_687 : i32
    %lt3A_689 = arith.cmpi slt, %add3A_688, %add3A_9 : i32
    %convert_element_type3A_690 = arith.extui %lt3A_689 : i1 to i32
    %cond3A_691 = arith.constant 0 : i32
    %cond3A_692 = arith.cmpi ne, %convert_element_type3A_690, %cond3A_691 : i32
    scf.if %cond3A_692 {
      %add3A_713 = arith.constant 3 : i32
      %add3A_714 = arith.addi %add3A_4, %add3A_713 : i32
      %mul3A_715 = arith.constant 256 : i32
      %mul3A_716 = arith.muli %add3A_714, %mul3A_715 : i32
      %multiple_of3A = tpu.assume_multiple %mul3A_716, 256 : i32
      %eq3A_717 = arith.constant 3906 : i32
      %eq3A_718 = arith.cmpi eq, %add3A_714, %eq3A_717 : i32
      %not3A = arith.constant true
      %not3A_719 = arith.xori %eq3A_718, %not3A : i1
      %convert_element_type3A_720 = arith.extui %not3A_719 : i1 to i32
      %cond3A_721 = arith.constant 0 : i32
      %cond3A_722 = arith.cmpi ne, %convert_element_type3A_720, %cond3A_721 : i32
      scf.if %cond3A_722 {
        %dma_start3A_726 = arith.constant 0 : i32
        %dma_start3A_727 = tpu.memref_slice %arg2[%dma_start3A_726, %multiple_of3A] : memref<64x1000000xf32, #tpu.memory_space<hbm>> -> memref<64x256xf32, #tpu.memory_space<hbm>>
        %dma_start3A_728 = arith.constant 0 : i32
        %dma_start3A_729 = tpu.memref_slice %arg2[%dma_start3A_728, %multiple_of3A] : memref<64x1000000xf32, #tpu.memory_space<hbm>> -> memref<64x256xf32, #tpu.memory_space<hbm>>
        tpu.enqueue_dma source(%dma_start3A_729 : memref<64x256xf32, #tpu.memory_space<hbm>>) target(%arg12 : memref<64x256xf32, #tpu.memory_space<vmem>>) target_semaphore(%arg20 : memref<!tpu.dma_semaphore, #tpu.memory_space<semaphore_mem>>)
      } else {
      }
      %convert_element_type3A_723 = arith.extui %eq3A_718 : i1 to i32
      %cond3A_724 = arith.constant 0 : i32
      %cond3A_725 = arith.cmpi ne, %convert_element_type3A_723, %cond3A_724 : i32
      scf.if %cond3A_725 {
        %dma_start3A_726 = arith.constant 0 : i32
        %dma_start3A_727 = arith.constant 0 : i32
        %dma_start3A_728 = tpu.memref_slice %arg12[%dma_start3A_726, %dma_start3A_727] : memref<64x256xf32, #tpu.memory_space<vmem>> -> memref<64x128xf32, #tpu.memory_space<vmem>>
        %dma_start3A_729 = arith.constant 0 : i32
        %dma_start3A_730 = arith.constant 0 : i32
        %dma_start3A_731 = tpu.memref_slice %arg12[%dma_start3A_729, %dma_start3A_730] : memref<64x256xf32, #tpu.memory_space<vmem>> -> memref<64x128xf32, #tpu.memory_space<vmem>>
        tpu.enqueue_dma source(%arg3 : memref<64x128xf32, #tpu.memory_space<hbm>>) target(%dma_start3A_731 : memref<64x128xf32, #tpu.memory_space<vmem>>) target_semaphore(%arg20 : memref<!tpu.dma_semaphore, #tpu.memory_space<semaphore_mem>>)
      } else {
      }
    } else {
    }
    %add3A_693 = arith.constant 4 : i32
    %add3A_694 = arith.addi %add3A_4, %add3A_693 : i32
    %lt3A_695 = arith.cmpi slt, %add3A_694, %add3A_9 : i32
    %convert_element_type3A_696 = arith.extui %lt3A_695 : i1 to i32
    %cond3A_697 = arith.constant 0 : i32
    %cond3A_698 = arith.cmpi ne, %convert_element_type3A_696, %cond3A_697 : i32
    scf.if %cond3A_698 {
      %add3A_713 = arith.constant 4 : i32
      %add3A_714 = arith.addi %add3A_4, %add3A_713 : i32
      %mul3A_715 = arith.constant 256 : i32
      %mul3A_716 = arith.muli %add3A_714, %mul3A_715 : i32
      %multiple_of3A = tpu.assume_multiple %mul3A_716, 256 : i32
      %eq3A_717 = arith.constant 3906 : i32
      %eq3A_718 = arith.cmpi eq, %add3A_714, %eq3A_717 : i32
      %not3A = arith.constant true
      %not3A_719 = arith.xori %eq3A_718, %not3A : i1
      %convert_element_type3A_720 = arith.extui %not3A_719 : i1 to i32
      %cond3A_721 = arith.constant 0 : i32
      %cond3A_722 = arith.cmpi ne, %convert_element_type3A_720, %cond3A_721 : i32
      scf.if %cond3A_722 {
        %dma_start3A_726 = arith.constant 0 : i32
        %dma_start3A_727 = tpu.memref_slice %arg2[%dma_start3A_726, %multiple_of3A] : memref<64x1000000xf32, #tpu.memory_space<hbm>> -> memref<64x256xf32, #tpu.memory_space<hbm>>
        %dma_start3A_728 = arith.constant 0 : i32
        %dma_start3A_729 = tpu.memref_slice %arg2[%dma_start3A_728, %multiple_of3A] : memref<64x1000000xf32, #tpu.memory_space<hbm>> -> memref<64x256xf32, #tpu.memory_space<hbm>>
        tpu.enqueue_dma source(%dma_start3A_729 : memref<64x256xf32, #tpu.memory_space<hbm>>) target(%arg13 : memref<64x256xf32, #tpu.memory_space<vmem>>) target_semaphore(%arg21 : memref<!tpu.dma_semaphore, #tpu.memory_space<semaphore_mem>>)
      } else {
      }
      %convert_element_type3A_723 = arith.extui %eq3A_718 : i1 to i32
      %cond3A_724 = arith.constant 0 : i32
      %cond3A_725 = arith.cmpi ne, %convert_element_type3A_723, %cond3A_724 : i32
      scf.if %cond3A_725 {
        %dma_start3A_726 = arith.constant 0 : i32
        %dma_start3A_727 = arith.constant 0 : i32
        %dma_start3A_728 = tpu.memref_slice %arg13[%dma_start3A_726, %dma_start3A_727] : memref<64x256xf32, #tpu.memory_space<vmem>> -> memref<64x128xf32, #tpu.memory_space<vmem>>
        %dma_start3A_729 = arith.constant 0 : i32
        %dma_start3A_730 = arith.constant 0 : i32
        %dma_start3A_731 = tpu.memref_slice %arg13[%dma_start3A_729, %dma_start3A_730] : memref<64x256xf32, #tpu.memory_space<vmem>> -> memref<64x128xf32, #tpu.memory_space<vmem>>
        tpu.enqueue_dma source(%arg3 : memref<64x128xf32, #tpu.memory_space<hbm>>) target(%dma_start3A_731 : memref<64x128xf32, #tpu.memory_space<vmem>>) target_semaphore(%arg21 : memref<!tpu.dma_semaphore, #tpu.memory_space<semaphore_mem>>)
      } else {
      }
    } else {
    }
    %scan3A_699 = arith.constant 0 : i32
    %scan3A_700 = arith.constant 25 : i32
    %scan3A_701 = arith.addi %scan3A_699, %scan3A_700 : i32
    %scan3A_702 = arith.constant 1 : i32
    scf.for %scan3A_713 = %scan3A_699 to %scan3A_701 step %scan3A_702  : i32 {
      %mul3A_714 = arith.constant 1 : i32
      %mul3A_715 = arith.muli %scan3A_713, %mul3A_714 : i32
      %add3A_716 = arith.constant 0 : i32
      %add3A_717 = arith.addi %add3A_716, %mul3A_715 : i32
      %mul3A_718 = arith.constant 5 : i32
      %mul3A_719 = arith.muli %mul3A_718, %add3A_717 : i32
      %add3A_720 = arith.addi %add3A_4, %mul3A_719 : i32
      %add3A_721 = arith.constant 0 : i32
      %add3A_722 = arith.addi %add3A_720, %add3A_721 : i32
      %lt3A_723 = arith.cmpi slt, %add3A_722, %add3A_9 : i32
      %convert_element_type3A_724 = arith.extui %lt3A_723 : i1 to i32
      %cond3A_725 = arith.constant 0 : i32
      %cond3A_726 = arith.cmpi ne, %convert_element_type3A_724, %cond3A_725 : i32
      scf.if %cond3A_726 {
        %eq3A_751 = arith.constant 3906 : i32
        %eq3A_752 = arith.cmpi eq, %add3A_722, %eq3A_751 : i32
        %not3A = arith.constant true
        %not3A_753 = arith.xori %eq3A_752, %not3A : i1
        %convert_element_type3A_754 = arith.extui %not3A_753 : i1 to i32
        %cond3A_755 = arith.constant 0 : i32
        %cond3A_756 = arith.cmpi ne, %convert_element_type3A_754, %cond3A_755 : i32
        scf.if %cond3A_756 {
          %dma_wait3A_777 = arith.constant 0 : i32
          %dma_wait3A_778 = arith.constant 0 : i32
          %dma_wait3A_779 = tpu.memref_slice %arg2[%dma_wait3A_777, %dma_wait3A_778] : memref<64x1000000xf32, #tpu.memory_space<hbm>> -> memref<64x256xf32, #tpu.memory_space<hbm>>
          %dma_wait3A_780 = arith.constant 0 : i32
          %dma_wait3A_781 = arith.constant 0 : i32
          %dma_wait3A_782 = tpu.memref_slice %arg2[%dma_wait3A_780, %dma_wait3A_781] : memref<64x1000000xf32, #tpu.memory_space<hbm>> -> memref<64x256xf32, #tpu.memory_space<hbm>>
          tpu.wait_dma2 semaphore(%arg17 : memref<!tpu.dma_semaphore, #tpu.memory_space<semaphore_mem>>) src(%dma_wait3A_782 : memref<64x256xf32, #tpu.memory_space<hbm>>) dst(%arg9 : memref<64x256xf32, #tpu.memory_space<vmem>>)
        } else {
        }
        %convert_element_type3A_757 = arith.extui %eq3A_752 : i1 to i32
        %cond3A_758 = arith.constant 0 : i32
        %cond3A_759 = arith.cmpi ne, %convert_element_type3A_757, %cond3A_758 : i32
        scf.if %cond3A_759 {
          %dma_wait3A_777 = arith.constant 0 : i32
          %dma_wait3A_778 = arith.constant 0 : i32
          %dma_wait3A_779 = tpu.memref_slice %arg9[%dma_wait3A_777, %dma_wait3A_778] : memref<64x256xf32, #tpu.memory_space<vmem>> -> memref<64x128xf32, #tpu.memory_space<vmem>>
          %dma_wait3A_780 = arith.constant 0 : i32
          %dma_wait3A_781 = arith.constant 0 : i32
          %dma_wait3A_782 = tpu.memref_slice %arg9[%dma_wait3A_780, %dma_wait3A_781] : memref<64x256xf32, #tpu.memory_space<vmem>> -> memref<64x128xf32, #tpu.memory_space<vmem>>
          tpu.wait_dma2 semaphore(%arg17 : memref<!tpu.dma_semaphore, #tpu.memory_space<semaphore_mem>>) src(%arg3 : memref<64x128xf32, #tpu.memory_space<hbm>>) dst(%dma_wait3A_782 : memref<64x128xf32, #tpu.memory_space<vmem>>)
        } else {
        }
        %mul3A_760 = arith.constant 256 : i32
        %mul3A_761 = arith.muli %add3A_722, %mul3A_760 : i32
        %add3A_762 = arith.constant 256 : i32
        %add3A_763 = arith.addi %mul3A_761, %add3A_762 : i32
        %get3A_764 = arith.constant 1 : i32
        %get3A_765 = arith.index_cast %get3A_764 : i32 to index
        %get3A_766 = memref.load %arg16[%get3A_765] : memref<8xi32, #tpu.memory_space<smem>>
        %while3A = arith.constant 0 : i32
        %while3A_767:2 = scf.while (%while3A_777 = %get3A_766, %while3A_778 = %while3A) : (i32, i32) -> (i32, i32) {
          %eq3A_779 = arith.constant 0 : i32
          %eq3A_780 = arith.cmpi eq, %while3A_778, %eq3A_779 : i32
          %lt3A_781 = arith.constant 12288 : i32
          %lt3A_782 = arith.cmpi slt, %while3A_777, %lt3A_781 : i32
          %and3A_783 = arith.andi %eq3A_780, %lt3A_782 : i1
          scf.condition(%and3A_783) %while3A_777, %while3A_778 : i32, i32
        } do {
        ^bb0(%while3A_777: i32, %while3A_778: i32):
          %jit3A_779 = arith.constant 16 : i32
          %div3A_780 = arith.divsi %while3A_777, %jit3A_779 : i32
          %sign3A_781 = arith.constant 0 : i32
          %sign3A_782 = arith.cmpi sgt, %while3A_777, %sign3A_781 : i32
          %sign3A_783 = arith.extui %sign3A_782 : i1 to i32
          %sign3A_784 = arith.constant 0 : i32
          %sign3A_785 = arith.cmpi slt, %while3A_777, %sign3A_784 : i32
          %sign3A_786 = arith.extui %sign3A_785 : i1 to i32
          %sign3A_787 = arith.subi %sign3A_783, %sign3A_786 : i32
          %sign3A_788 = arith.constant 0 : i32
          %sign3A_789 = arith.cmpi sgt, %jit3A_779, %sign3A_788 : i32
          %sign3A_790 = arith.extui %sign3A_789 : i1 to i32
          %sign3A_791 = arith.constant 0 : i32
          %sign3A_792 = arith.cmpi slt, %jit3A_779, %sign3A_791 : i32
          %sign3A_793 = arith.extui %sign3A_792 : i1 to i32
          %sign3A_794 = arith.subi %sign3A_790, %sign3A_793 : i32
          %ne3A_795 = arith.cmpi ne, %sign3A_787, %sign3A_794 : i32
          %rem3A_796 = arith.remsi %while3A_777, %jit3A_779 : i32
          %ne3A_797 = arith.constant 0 : i32
          %ne3A_798 = arith.cmpi ne, %rem3A_796, %ne3A_797 : i32
          %and3A_799 = arith.andi %ne3A_795, %ne3A_798 : i1
          %sub3A_800 = arith.constant 1 : i32
          %sub3A_801 = arith.subi %div3A_780, %sub3A_800 : i32
          %select_n3A_802 = arith.select %and3A_799, %sub3A_801, %div3A_780 : i32
          %mul3A_803 = arith.constant 16 : i32
          %mul3A_804 = arith.muli %select_n3A_802, %mul3A_803 : i32
          %get3A_805 = arith.index_cast %mul3A_804 : i32 to index
          %get3A_806 = tpu.vector_load %arg7[%get3A_805] {strides = array<i32>} : memref<12304xi32, #tpu.memory_space<vmem>>, vector<16xi32>,
          %get3A_807 = arith.index_cast %mul3A_804 : i32 to index
          %get3A_808 = tpu.vector_load %arg8[%get3A_807] {strides = array<i32>} : memref<12304xi32, #tpu.memory_space<vmem>>, vector<16xi32>,
          %add3A_809 = vector.broadcast %mul3A_804 : i32 to vector<16xi32>
          %add3A_810 = arith.addi %add3A_809, %iota3A : vector<16xi32>
          %ge3A = vector.broadcast %while3A_777 : i32 to vector<16xi32>
          %ge3A_811 = arith.cmpi sge, %add3A_810, %ge3A : vector<16xi32>
          %lt3A_812 = vector.broadcast %add3A_763 : i32 to vector<16xi32>
          %lt3A_813 = arith.cmpi slt, %get3A_806, %lt3A_812 : vector<16xi32>
          %and3A_814 = arith.andi %ge3A_811, %lt3A_813 : vector<16xi1>
          %convert_element_type3A_815 = arith.extui %and3A_814 : vector<16xi1> to vector<16xi32>
          %reduce_sum3A_816 = arith.constant true
          %reduce_sum3A_817 = vector.broadcast %reduce_sum3A_816 : i1 to vector<16xi1>
          %reduce_sum3A_818 = tpu.scan <sum>, %convert_element_type3A_815 masked %reduce_sum3A_817 : vector<16xi32>, vector<16xi1> -> vector<16xi32>
          %reduce_sum3A_819 = vector.extract %reduce_sum3A_818[15] : i32 from vector<16xi32>
          %get3A_820 = arith.constant 0 : i32
          %get3A_821 = arith.index_cast %get3A_820 : i32 to index
          %get3A_822 = memref.load %arg16[%get3A_821] : memref<8xi32, #tpu.memory_space<smem>>
          %broadcast_in_dim3A_823 = arith.constant true
          %broadcast_in_dim3A_824 = vector.broadcast %broadcast_in_dim3A_823 : i1 to vector<16xi1>
          %masked_cumsum3A = tpu.scan <sum>, %convert_element_type3A_815 masked %broadcast_in_dim3A_824 : vector<16xi32>, vector<16xi1> -> vector<16xi32>
          %add3A_825 = vector.broadcast %get3A_822 : i32 to vector<16xi32>
          %add3A_826 = arith.addi %add3A_825, %masked_cumsum3A : vector<16xi32>
          %sub3A_827 = arith.constant 1 : i32
          %sub3A_828 = vector.broadcast %sub3A_827 : i32 to vector<16xi32>
          %sub3A_829 = arith.subi %add3A_826, %sub3A_828 : vector<16xi32>
          %jit3A_830 = arith.constant 0 : i32
          %jit3A_831 = arith.constant 159 : i32
          %max3A = vector.broadcast %jit3A_830 : i32 to vector<16xi32>
          %max3A_832 = arith.maxsi %max3A, %sub3A_829 : vector<16xi32>
          %min3A_833 = vector.broadcast %jit3A_831 : i32 to vector<16xi32>
          %min3A_834 = arith.minsi %min3A_833, %max3A_832 : vector<16xi32>
          %sub3A_835 = vector.broadcast %mul3A_761 : i32 to vector<16xi32>
          %sub3A_836 = arith.subi %get3A_806, %sub3A_835 : vector<16xi32>
          %jit3A_837 = arith.constant 0 : i32
          %jit3A_838 = arith.constant 255 : i32
          %max3A_839 = vector.broadcast %jit3A_837 : i32 to vector<16xi32>
          %max3A_840 = arith.maxsi %max3A_839, %sub3A_836 : vector<16xi32>
          %min3A_841 = vector.broadcast %jit3A_838 : i32 to vector<16xi32>
          %min3A_842 = arith.minsi %min3A_841, %max3A_840 : vector<16xi32>
          tpu.vector_store_idx %arg15[%min3A_834], %get3A_808 masked %and3A_814 : memref<160xi32, #tpu.memory_space<vmem>>[vector<16xi32>], vector<16xi32>, vector<16xi1>
          %scan3A_843 = arith.constant 0 : i32
          %scan3A_844 = arith.constant 64 : i32
          %scan3A_845 = arith.addi %scan3A_843, %scan3A_844 : i32
          %scan3A_846 = arith.constant 1 : i32
          scf.for %scan3A_873 = %scan3A_843 to %scan3A_845 step %scan3A_846  : i32 {
            %mul3A_874 = arith.constant 1 : i32
            %mul3A_875 = arith.muli %scan3A_873, %mul3A_874 : i32
            %add3A_876 = arith.constant 0 : i32
            %add3A_877 = arith.addi %add3A_876, %mul3A_875 : i32
            %broadcast_in_dim3A_878 = arith.constant 0 : i32
            %broadcast_in_dim3A_879 = vector.broadcast %broadcast_in_dim3A_878 : i32 to vector<16xi32>
            %add3A_880 = vector.broadcast %add3A_877 : i32 to vector<16xi32>
            %add3A_881 = arith.addi %broadcast_in_dim3A_879, %add3A_880 : vector<16xi32>
            %gather3A = tpu.vector_load_idx %arg9[%add3A_881, %min3A_842] masked %and3A_814 : memref<64x256xf32, #tpu.memory_space<vmem>>[vector<16xi32>, vector<16xi32>], vector<16xf32>, vector<16xi1>
            tpu.vector_store_idx %arg14[%min3A_834, %add3A_881], %gather3A masked %and3A_814 : memref<160x128xf32, #tpu.memory_space<vmem>>[vector<16xi32>, vector<16xi32>], vector<16xf32>, vector<16xi1>
          }
          %scan3A_847 = arith.constant 64 : i32
          %add3A_848 = arith.addi %get3A_822, %reduce_sum3A_819 : i32
          %swap3A_849 = arith.constant 0 : i32
          %swap3A_850 = arith.index_cast %swap3A_849 : i32 to index
          %swap3A_851 = memref.load %arg16[%swap3A_850] : memref<8xi32, #tpu.memory_space<smem>>
          memref.store %add3A_848, %arg16[%swap3A_850] : memref<8xi32, #tpu.memory_space<smem>>
          %gt3A = arith.constant 144 : i32
          %gt3A_852 = arith.cmpi sgt, %add3A_848, %gt3A : i32
          %convert_element_type3A_853 = arith.extui %gt3A_852 : i1 to i32
          %cond3A_854 = arith.constant 0 : i32
          %cond3A_855 = arith.cmpi ne, %convert_element_type3A_853, %cond3A_854 : i32
          scf.if %cond3A_855 {
            %dma_start3A_873 = arith.constant 0 : i32
            %dma_start3A_874 = arith.constant 0 : i32
            %dma_start3A_875 = tpu.memref_slice %arg6[%dma_start3A_873, %dma_start3A_874] : memref<12448x128xf32, #tpu.memory_space<hbm>> -> memref<12448x128xf32, #tpu.memory_space<hbm>>
            tpu.enqueue_indirect_dma source(%arg14 : memref<160x128xf32, #tpu.memory_space<vmem>>) target(%dma_start3A_875 : memref<12448x128xf32, #tpu.memory_space<hbm>>) offsets(%arg15 : memref<160xi32, #tpu.memory_space<vmem>>) semaphore(%arg22 : memref<!tpu.dma_semaphore, #tpu.memory_space<semaphore_mem>>)
            %dma_wait3A_876 = arith.constant 0 : i32
            %dma_wait3A_877 = arith.constant 0 : i32
            %dma_wait3A_878 = tpu.memref_slice %arg6[%dma_wait3A_876, %dma_wait3A_877] : memref<12448x128xf32, #tpu.memory_space<hbm>> -> memref<12448x128xf32, #tpu.memory_space<hbm>>
            tpu.wait_indirect_dma semaphore(%arg22 : memref<!tpu.dma_semaphore, #tpu.memory_space<semaphore_mem>>) src(%arg14 : memref<160x128xf32, #tpu.memory_space<vmem>>) dst(%dma_wait3A_878 : memref<12448x128xf32, #tpu.memory_space<hbm>>)
            %scan3A_879 = arith.constant 0 : i32
            %scan3A_880 = arith.constant 10 : i32
            %scan3A_881 = arith.addi %scan3A_879, %scan3A_880 : i32
            %scan3A_882 = arith.constant 1 : i32
            scf.for %scan3A_888 = %scan3A_879 to %scan3A_881 step %scan3A_882  : i32 {
              %mul3A_889 = arith.constant 1 : i32
              %mul3A_890 = arith.muli %scan3A_888, %mul3A_889 : i32
              %add3A_891 = arith.constant 0 : i32
              %add3A_892 = arith.addi %add3A_891, %mul3A_890 : i32
              %mul3A_893 = arith.constant 16 : i32
              %mul3A_894 = arith.muli %add3A_892, %mul3A_893 : i32
              %add3A_895 = arith.constant 12288 : i32
              %add3A_896 = arith.addi %add3A_895, %mul3A_894 : i32
              %add3A_897 = vector.broadcast %add3A_896 : i32 to vector<16xi32>
              %add3A_898 = arith.addi %add3A_897, %iota3A : vector<16xi32>
              %mul3A_899 = arith.constant 16 : i32
              %mul3A_900 = arith.muli %add3A_892, %mul3A_899 : i32
              %swap3A_901 = arith.index_cast %mul3A_900 : i32 to index
              %swap3A_902 = tpu.vector_load %arg15[%swap3A_901] {strides = array<i32>} : memref<160xi32, #tpu.memory_space<vmem>>, vector<16xi32>,
              tpu.vector_store %arg15[%swap3A_901], %add3A_898 {strides = array<i32>} : memref<160xi32, #tpu.memory_space<vmem>>, vector<16xi32>,
            }
            %scan3A_883 = arith.constant 10 : i32
            %swap3A_884 = arith.constant 0 : i32
            %swap3A_885 = arith.constant 0 : i32
            %swap3A_886 = arith.index_cast %swap3A_885 : i32 to index
            %swap3A_887 = memref.load %arg16[%swap3A_886] : memref<8xi32, #tpu.memory_space<smem>>
            memref.store %swap3A_884, %arg16[%swap3A_886] : memref<8xi32, #tpu.memory_space<smem>>
          } else {
          }
          %ge3A_856 = vector.broadcast %add3A_763 : i32 to vector<16xi32>
          %ge3A_857 = arith.cmpi sge, %get3A_806, %ge3A_856 : vector<16xi32>
          %jit3A_858 = arith.constant 1 : i32
          %jit3A_859 = arith.constant 0 : i32
          %broadcast_in_dim3A_860 = vector.broadcast %jit3A_858 : i32 to vector<16xi32>
          %broadcast_in_dim3A_861 = vector.broadcast %jit3A_859 : i32 to vector<16xi32>
          %select_n3A_862 = arith.select %ge3A_857, %broadcast_in_dim3A_860, %broadcast_in_dim3A_861 : vector<16xi1>, vector<16xi32>
          %reduce_sum3A_863 = arith.constant true
          %reduce_sum3A_864 = vector.broadcast %reduce_sum3A_863 : i1 to vector<16xi1>
          %reduce_sum3A_865 = tpu.scan <sum>, %select_n3A_862 masked %reduce_sum3A_864 : vector<16xi32>, vector<16xi1> -> vector<16xi32>
          %reduce_sum3A_866 = vector.extract %reduce_sum3A_865[15] : i32 from vector<16xi32>
          %add3A_867 = arith.addi %while3A_777, %reduce_sum3A_819 : i32
          %gt3A_868 = arith.constant 0 : i32
          %gt3A_869 = arith.cmpi sgt, %reduce_sum3A_866, %gt3A_868 : i32
          %jit3A_870 = arith.constant 1 : i32
          %jit3A_871 = arith.constant 0 : i32
          %select_n3A_872 = arith.select %gt3A_869, %jit3A_870, %jit3A_871 : i32
          scf.yield %add3A_867, %select_n3A_872 : i32, i32
        }
        %swap3A_768 = arith.constant 1 : i32
        %swap3A_769 = arith.index_cast %swap3A_768 : i32 to index
        %swap3A_770 = memref.load %arg16[%swap3A_769] : memref<8xi32, #tpu.memory_space<smem>>
        memref.store %while3A_767#0, %arg16[%swap3A_769] : memref<8xi32, #tpu.memory_space<smem>>
        %add3A_771 = arith.constant 5 : i32
        %add3A_772 = arith.addi %add3A_722, %add3A_771 : i32
        %lt3A_773 = arith.cmpi slt, %add3A_772, %add3A_9 : i32
        %convert_element_type3A_774 = arith.extui %lt3A_773 : i1 to i32
        %cond3A_775 = arith.constant 0 : i32
        %cond3A_776 = arith.cmpi ne, %convert_element_type3A_774, %cond3A_775 : i32
        scf.if %cond3A_776 {
          %add3A_777 = arith.constant 5 : i32
          %add3A_778 = arith.addi %add3A_722, %add3A_777 : i32
          %mul3A_779 = arith.constant 256 : i32
          %mul3A_780 = arith.muli %add3A_778, %mul3A_779 : i32
          %multiple_of3A = tpu.assume_multiple %mul3A_780, 256 : i32
          %eq3A_781 = arith.constant 3906 : i32
          %eq3A_782 = arith.cmpi eq, %add3A_778, %eq3A_781 : i32
          %not3A_783 = arith.constant true
          %not3A_784 = arith.xori %eq3A_782, %not3A_783 : i1
          %convert_element_type3A_785 = arith.extui %not3A_784 : i1 to i32
          %cond3A_786 = arith.constant 0 : i32
          %cond3A_787 = arith.cmpi ne, %convert_element_type3A_785, %cond3A_786 : i32
          scf.if %cond3A_787 {
            %dma_start3A_791 = arith.constant 0 : i32
            %dma_start3A_792 = tpu.memref_slice %arg2[%dma_start3A_791, %multiple_of3A] : memref<64x1000000xf32, #tpu.memory_space<hbm>> -> memref<64x256xf32, #tpu.memory_space<hbm>>
            %dma_start3A_793 = arith.constant 0 : i32
            %dma_start3A_794 = tpu.memref_slice %arg2[%dma_start3A_793, %multiple_of3A] : memref<64x1000000xf32, #tpu.memory_space<hbm>> -> memref<64x256xf32, #tpu.memory_space<hbm>>
            tpu.enqueue_dma source(%dma_start3A_794 : memref<64x256xf32, #tpu.memory_space<hbm>>) target(%arg9 : memref<64x256xf32, #tpu.memory_space<vmem>>) target_semaphore(%arg17 : memref<!tpu.dma_semaphore, #tpu.memory_space<semaphore_mem>>)
          } else {
          }
          %convert_element_type3A_788 = arith.extui %eq3A_782 : i1 to i32
          %cond3A_789 = arith.constant 0 : i32
          %cond3A_790 = arith.cmpi ne, %convert_element_type3A_788, %cond3A_789 : i32
          scf.if %cond3A_790 {
            %dma_start3A_791 = arith.constant 0 : i32
            %dma_start3A_792 = arith.constant 0 : i32
            %dma_start3A_793 = tpu.memref_slice %arg9[%dma_start3A_791, %dma_start3A_792] : memref<64x256xf32, #tpu.memory_space<vmem>> -> memref<64x128xf32, #tpu.memory_space<vmem>>
            %dma_start3A_794 = arith.constant 0 : i32
            %dma_start3A_795 = arith.constant 0 : i32
            %dma_start3A_796 = tpu.memref_slice %arg9[%dma_start3A_794, %dma_start3A_795] : memref<64x256xf32, #tpu.memory_space<vmem>> -> memref<64x128xf32, #tpu.memory_space<vmem>>
            tpu.enqueue_dma source(%arg3 : memref<64x128xf32, #tpu.memory_space<hbm>>) target(%dma_start3A_796 : memref<64x128xf32, #tpu.memory_space<vmem>>) target_semaphore(%arg17 : memref<!tpu.dma_semaphore, #tpu.memory_space<semaphore_mem>>)
          } else {
          }
        } else {
        }
      } else {
      }
      %add3A_727 = arith.constant 1 : i32
      %add3A_728 = arith.addi %add3A_720, %add3A_727 : i32
      %lt3A_729 = arith.cmpi slt, %add3A_728, %add3A_9 : i32
      %convert_element_type3A_730 = arith.extui %lt3A_729 : i1 to i32
      %cond3A_731 = arith.constant 0 : i32
      %cond3A_732 = arith.cmpi ne, %convert_element_type3A_730, %cond3A_731 : i32
      scf.if %cond3A_732 {
        %eq3A_751 = arith.constant 3906 : i32
        %eq3A_752 = arith.cmpi eq, %add3A_728, %eq3A_751 : i32
        %not3A = arith.constant true
        %not3A_753 = arith.xori %eq3A_752, %not3A : i1
        %convert_element_type3A_754 = arith.extui %not3A_753 : i1 to i32
        %cond3A_755 = arith.constant 0 : i32
        %cond3A_756 = arith.cmpi ne, %convert_element_type3A_754, %cond3A_755 : i32
        scf.if %cond3A_756 {
          %dma_wait3A_777 = arith.constant 0 : i32
          %dma_wait3A_778 = arith.constant 0 : i32
          %dma_wait3A_779 = tpu.memref_slice %arg2[%dma_wait3A_777, %dma_wait3A_778] : memref<64x1000000xf32, #tpu.memory_space<hbm>> -> memref<64x256xf32, #tpu.memory_space<hbm>>
          %dma_wait3A_780 = arith.constant 0 : i32
          %dma_wait3A_781 = arith.constant 0 : i32
          %dma_wait3A_782 = tpu.memref_slice %arg2[%dma_wait3A_780, %dma_wait3A_781] : memref<64x1000000xf32, #tpu.memory_space<hbm>> -> memref<64x256xf32, #tpu.memory_space<hbm>>
          tpu.wait_dma2 semaphore(%arg18 : memref<!tpu.dma_semaphore, #tpu.memory_space<semaphore_mem>>) src(%dma_wait3A_782 : memref<64x256xf32, #tpu.memory_space<hbm>>) dst(%arg10 : memref<64x256xf32, #tpu.memory_space<vmem>>)
        } else {
        }
        %convert_element_type3A_757 = arith.extui %eq3A_752 : i1 to i32
        %cond3A_758 = arith.constant 0 : i32
        %cond3A_759 = arith.cmpi ne, %convert_element_type3A_757, %cond3A_758 : i32
        scf.if %cond3A_759 {
          %dma_wait3A_777 = arith.constant 0 : i32
          %dma_wait3A_778 = arith.constant 0 : i32
          %dma_wait3A_779 = tpu.memref_slice %arg10[%dma_wait3A_777, %dma_wait3A_778] : memref<64x256xf32, #tpu.memory_space<vmem>> -> memref<64x128xf32, #tpu.memory_space<vmem>>
          %dma_wait3A_780 = arith.constant 0 : i32
          %dma_wait3A_781 = arith.constant 0 : i32
          %dma_wait3A_782 = tpu.memref_slice %arg10[%dma_wait3A_780, %dma_wait3A_781] : memref<64x256xf32, #tpu.memory_space<vmem>> -> memref<64x128xf32, #tpu.memory_space<vmem>>
          tpu.wait_dma2 semaphore(%arg18 : memref<!tpu.dma_semaphore, #tpu.memory_space<semaphore_mem>>) src(%arg3 : memref<64x128xf32, #tpu.memory_space<hbm>>) dst(%dma_wait3A_782 : memref<64x128xf32, #tpu.memory_space<vmem>>)
        } else {
        }
        %mul3A_760 = arith.constant 256 : i32
        %mul3A_761 = arith.muli %add3A_728, %mul3A_760 : i32
        %add3A_762 = arith.constant 256 : i32
        %add3A_763 = arith.addi %mul3A_761, %add3A_762 : i32
        %get3A_764 = arith.constant 1 : i32
        %get3A_765 = arith.index_cast %get3A_764 : i32 to index
        %get3A_766 = memref.load %arg16[%get3A_765] : memref<8xi32, #tpu.memory_space<smem>>
        %while3A = arith.constant 0 : i32
        %while3A_767:2 = scf.while (%while3A_777 = %get3A_766, %while3A_778 = %while3A) : (i32, i32) -> (i32, i32) {
          %eq3A_779 = arith.constant 0 : i32
          %eq3A_780 = arith.cmpi eq, %while3A_778, %eq3A_779 : i32
          %lt3A_781 = arith.constant 12288 : i32
          %lt3A_782 = arith.cmpi slt, %while3A_777, %lt3A_781 : i32
          %and3A_783 = arith.andi %eq3A_780, %lt3A_782 : i1
          scf.condition(%and3A_783) %while3A_777, %while3A_778 : i32, i32
        } do {
        ^bb0(%while3A_777: i32, %while3A_778: i32):
          %jit3A_779 = arith.constant 16 : i32
          %div3A_780 = arith.divsi %while3A_777, %jit3A_779 : i32
          %sign3A_781 = arith.constant 0 : i32
          %sign3A_782 = arith.cmpi sgt, %while3A_777, %sign3A_781 : i32
          %sign3A_783 = arith.extui %sign3A_782 : i1 to i32
          %sign3A_784 = arith.constant 0 : i32
          %sign3A_785 = arith.cmpi slt, %while3A_777, %sign3A_784 : i32
          %sign3A_786 = arith.extui %sign3A_785 : i1 to i32
          %sign3A_787 = arith.subi %sign3A_783, %sign3A_786 : i32
          %sign3A_788 = arith.constant 0 : i32
          %sign3A_789 = arith.cmpi sgt, %jit3A_779, %sign3A_788 : i32
          %sign3A_790 = arith.extui %sign3A_789 : i1 to i32
          %sign3A_791 = arith.constant 0 : i32
          %sign3A_792 = arith.cmpi slt, %jit3A_779, %sign3A_791 : i32
          %sign3A_793 = arith.extui %sign3A_792 : i1 to i32
          %sign3A_794 = arith.subi %sign3A_790, %sign3A_793 : i32
          %ne3A_795 = arith.cmpi ne, %sign3A_787, %sign3A_794 : i32
          %rem3A_796 = arith.remsi %while3A_777, %jit3A_779 : i32
          %ne3A_797 = arith.constant 0 : i32
          %ne3A_798 = arith.cmpi ne, %rem3A_796, %ne3A_797 : i32
          %and3A_799 = arith.andi %ne3A_795, %ne3A_798 : i1
          %sub3A_800 = arith.constant 1 : i32
          %sub3A_801 = arith.subi %div3A_780, %sub3A_800 : i32
          %select_n3A_802 = arith.select %and3A_799, %sub3A_801, %div3A_780 : i32
          %mul3A_803 = arith.constant 16 : i32
          %mul3A_804 = arith.muli %select_n3A_802, %mul3A_803 : i32
          %get3A_805 = arith.index_cast %mul3A_804 : i32 to index
          %get3A_806 = tpu.vector_load %arg7[%get3A_805] {strides = array<i32>} : memref<12304xi32, #tpu.memory_space<vmem>>, vector<16xi32>,
          %get3A_807 = arith.index_cast %mul3A_804 : i32 to index
          %get3A_808 = tpu.vector_load %arg8[%get3A_807] {strides = array<i32>} : memref<12304xi32, #tpu.memory_space<vmem>>, vector<16xi32>,
          %add3A_809 = vector.broadcast %mul3A_804 : i32 to vector<16xi32>
          %add3A_810 = arith.addi %add3A_809, %iota3A : vector<16xi32>
          %ge3A = vector.broadcast %while3A_777 : i32 to vector<16xi32>
          %ge3A_811 = arith.cmpi sge, %add3A_810, %ge3A : vector<16xi32>
          %lt3A_812 = vector.broadcast %add3A_763 : i32 to vector<16xi32>
          %lt3A_813 = arith.cmpi slt, %get3A_806, %lt3A_812 : vector<16xi32>
          %and3A_814 = arith.andi %ge3A_811, %lt3A_813 : vector<16xi1>
          %convert_element_type3A_815 = arith.extui %and3A_814 : vector<16xi1> to vector<16xi32>
          %reduce_sum3A_816 = arith.constant true
          %reduce_sum3A_817 = vector.broadcast %reduce_sum3A_816 : i1 to vector<16xi1>
          %reduce_sum3A_818 = tpu.scan <sum>, %convert_element_type3A_815 masked %reduce_sum3A_817 : vector<16xi32>, vector<16xi1> -> vector<16xi32>
          %reduce_sum3A_819 = vector.extract %reduce_sum3A_818[15] : i32 from vector<16xi32>
          %get3A_820 = arith.constant 0 : i32
          %get3A_821 = arith.index_cast %get3A_820 : i32 to index
          %get3A_822 = memref.load %arg16[%get3A_821] : memref<8xi32, #tpu.memory_space<smem>>
          %broadcast_in_dim3A_823 = arith.constant true
          %broadcast_in_dim3A_824 = vector.broadcast %broadcast_in_dim3A_823 : i1 to vector<16xi1>
          %masked_cumsum3A = tpu.scan <sum>, %convert_element_type3A_815 masked %broadcast_in_dim3A_824 : vector<16xi32>, vector<16xi1> -> vector<16xi32>
          %add3A_825 = vector.broadcast %get3A_822 : i32 to vector<16xi32>
          %add3A_826 = arith.addi %add3A_825, %masked_cumsum3A : vector<16xi32>
          %sub3A_827 = arith.constant 1 : i32
          %sub3A_828 = vector.broadcast %sub3A_827 : i32 to vector<16xi32>
          %sub3A_829 = arith.subi %add3A_826, %sub3A_828 : vector<16xi32>
          %jit3A_830 = arith.constant 0 : i32
          %jit3A_831 = arith.constant 159 : i32
          %max3A = vector.broadcast %jit3A_830 : i32 to vector<16xi32>
          %max3A_832 = arith.maxsi %max3A, %sub3A_829 : vector<16xi32>
          %min3A_833 = vector.broadcast %jit3A_831 : i32 to vector<16xi32>
          %min3A_834 = arith.minsi %min3A_833, %max3A_832 : vector<16xi32>
          %sub3A_835 = vector.broadcast %mul3A_761 : i32 to vector<16xi32>
          %sub3A_836 = arith.subi %get3A_806, %sub3A_835 : vector<16xi32>
          %jit3A_837 = arith.constant 0 : i32
          %jit3A_838 = arith.constant 255 : i32
          %max3A_839 = vector.broadcast %jit3A_837 : i32 to vector<16xi32>
          %max3A_840 = arith.maxsi %max3A_839, %sub3A_836 : vector<16xi32>
          %min3A_841 = vector.broadcast %jit3A_838 : i32 to vector<16xi32>
          %min3A_842 = arith.minsi %min3A_841, %max3A_840 : vector<16xi32>
          tpu.vector_store_idx %arg15[%min3A_834], %get3A_808 masked %and3A_814 : memref<160xi32, #tpu.memory_space<vmem>>[vector<16xi32>], vector<16xi32>, vector<16xi1>
          %scan3A_843 = arith.constant 0 : i32
          %scan3A_844 = arith.constant 64 : i32
          %scan3A_845 = arith.addi %scan3A_843, %scan3A_844 : i32
          %scan3A_846 = arith.constant 1 : i32
          scf.for %scan3A_873 = %scan3A_843 to %scan3A_845 step %scan3A_846  : i32 {
            %mul3A_874 = arith.constant 1 : i32
            %mul3A_875 = arith.muli %scan3A_873, %mul3A_874 : i32
            %add3A_876 = arith.constant 0 : i32
            %add3A_877 = arith.addi %add3A_876, %mul3A_875 : i32
            %broadcast_in_dim3A_878 = arith.constant 0 : i32
            %broadcast_in_dim3A_879 = vector.broadcast %broadcast_in_dim3A_878 : i32 to vector<16xi32>
            %add3A_880 = vector.broadcast %add3A_877 : i32 to vector<16xi32>
            %add3A_881 = arith.addi %broadcast_in_dim3A_879, %add3A_880 : vector<16xi32>
            %gather3A = tpu.vector_load_idx %arg10[%add3A_881, %min3A_842] masked %and3A_814 : memref<64x256xf32, #tpu.memory_space<vmem>>[vector<16xi32>, vector<16xi32>], vector<16xf32>, vector<16xi1>
            tpu.vector_store_idx %arg14[%min3A_834, %add3A_881], %gather3A masked %and3A_814 : memref<160x128xf32, #tpu.memory_space<vmem>>[vector<16xi32>, vector<16xi32>], vector<16xf32>, vector<16xi1>
          }
          %scan3A_847 = arith.constant 64 : i32
          %add3A_848 = arith.addi %get3A_822, %reduce_sum3A_819 : i32
          %swap3A_849 = arith.constant 0 : i32
          %swap3A_850 = arith.index_cast %swap3A_849 : i32 to index
          %swap3A_851 = memref.load %arg16[%swap3A_850] : memref<8xi32, #tpu.memory_space<smem>>
          memref.store %add3A_848, %arg16[%swap3A_850] : memref<8xi32, #tpu.memory_space<smem>>
          %gt3A = arith.constant 144 : i32
          %gt3A_852 = arith.cmpi sgt, %add3A_848, %gt3A : i32
          %convert_element_type3A_853 = arith.extui %gt3A_852 : i1 to i32
          %cond3A_854 = arith.constant 0 : i32
          %cond3A_855 = arith.cmpi ne, %convert_element_type3A_853, %cond3A_854 : i32
          scf.if %cond3A_855 {
            %dma_start3A_873 = arith.constant 0 : i32
            %dma_start3A_874 = arith.constant 0 : i32
            %dma_start3A_875 = tpu.memref_slice %arg6[%dma_start3A_873, %dma_start3A_874] : memref<12448x128xf32, #tpu.memory_space<hbm>> -> memref<12448x128xf32, #tpu.memory_space<hbm>>
            tpu.enqueue_indirect_dma source(%arg14 : memref<160x128xf32, #tpu.memory_space<vmem>>) target(%dma_start3A_875 : memref<12448x128xf32, #tpu.memory_space<hbm>>) offsets(%arg15 : memref<160xi32, #tpu.memory_space<vmem>>) semaphore(%arg22 : memref<!tpu.dma_semaphore, #tpu.memory_space<semaphore_mem>>)
            %dma_wait3A_876 = arith.constant 0 : i32
            %dma_wait3A_877 = arith.constant 0 : i32
            %dma_wait3A_878 = tpu.memref_slice %arg6[%dma_wait3A_876, %dma_wait3A_877] : memref<12448x128xf32, #tpu.memory_space<hbm>> -> memref<12448x128xf32, #tpu.memory_space<hbm>>
            tpu.wait_indirect_dma semaphore(%arg22 : memref<!tpu.dma_semaphore, #tpu.memory_space<semaphore_mem>>) src(%arg14 : memref<160x128xf32, #tpu.memory_space<vmem>>) dst(%dma_wait3A_878 : memref<12448x128xf32, #tpu.memory_space<hbm>>)
            %scan3A_879 = arith.constant 0 : i32
            %scan3A_880 = arith.constant 10 : i32
            %scan3A_881 = arith.addi %scan3A_879, %scan3A_880 : i32
            %scan3A_882 = arith.constant 1 : i32
            scf.for %scan3A_888 = %scan3A_879 to %scan3A_881 step %scan3A_882  : i32 {
              %mul3A_889 = arith.constant 1 : i32
              %mul3A_890 = arith.muli %scan3A_888, %mul3A_889 : i32
              %add3A_891 = arith.constant 0 : i32
              %add3A_892 = arith.addi %add3A_891, %mul3A_890 : i32
              %mul3A_893 = arith.constant 16 : i32
              %mul3A_894 = arith.muli %add3A_892, %mul3A_893 : i32
              %add3A_895 = arith.constant 12288 : i32
              %add3A_896 = arith.addi %add3A_895, %mul3A_894 : i32
              %add3A_897 = vector.broadcast %add3A_896 : i32 to vector<16xi32>
              %add3A_898 = arith.addi %add3A_897, %iota3A : vector<16xi32>
              %mul3A_899 = arith.constant 16 : i32
              %mul3A_900 = arith.muli %add3A_892, %mul3A_899 : i32
              %swap3A_901 = arith.index_cast %mul3A_900 : i32 to index
              %swap3A_902 = tpu.vector_load %arg15[%swap3A_901] {strides = array<i32>} : memref<160xi32, #tpu.memory_space<vmem>>, vector<16xi32>,
              tpu.vector_store %arg15[%swap3A_901], %add3A_898 {strides = array<i32>} : memref<160xi32, #tpu.memory_space<vmem>>, vector<16xi32>,
            }
            %scan3A_883 = arith.constant 10 : i32
            %swap3A_884 = arith.constant 0 : i32
            %swap3A_885 = arith.constant 0 : i32
            %swap3A_886 = arith.index_cast %swap3A_885 : i32 to index
            %swap3A_887 = memref.load %arg16[%swap3A_886] : memref<8xi32, #tpu.memory_space<smem>>
            memref.store %swap3A_884, %arg16[%swap3A_886] : memref<8xi32, #tpu.memory_space<smem>>
          } else {
          }
          %ge3A_856 = vector.broadcast %add3A_763 : i32 to vector<16xi32>
          %ge3A_857 = arith.cmpi sge, %get3A_806, %ge3A_856 : vector<16xi32>
          %jit3A_858 = arith.constant 1 : i32
          %jit3A_859 = arith.constant 0 : i32
          %broadcast_in_dim3A_860 = vector.broadcast %jit3A_858 : i32 to vector<16xi32>
          %broadcast_in_dim3A_861 = vector.broadcast %jit3A_859 : i32 to vector<16xi32>
          %select_n3A_862 = arith.select %ge3A_857, %broadcast_in_dim3A_860, %broadcast_in_dim3A_861 : vector<16xi1>, vector<16xi32>
          %reduce_sum3A_863 = arith.constant true
          %reduce_sum3A_864 = vector.broadcast %reduce_sum3A_863 : i1 to vector<16xi1>
          %reduce_sum3A_865 = tpu.scan <sum>, %select_n3A_862 masked %reduce_sum3A_864 : vector<16xi32>, vector<16xi1> -> vector<16xi32>
          %reduce_sum3A_866 = vector.extract %reduce_sum3A_865[15] : i32 from vector<16xi32>
          %add3A_867 = arith.addi %while3A_777, %reduce_sum3A_819 : i32
          %gt3A_868 = arith.constant 0 : i32
          %gt3A_869 = arith.cmpi sgt, %reduce_sum3A_866, %gt3A_868 : i32
          %jit3A_870 = arith.constant 1 : i32
          %jit3A_871 = arith.constant 0 : i32
          %select_n3A_872 = arith.select %gt3A_869, %jit3A_870, %jit3A_871 : i32
          scf.yield %add3A_867, %select_n3A_872 : i32, i32
        }
        %swap3A_768 = arith.constant 1 : i32
        %swap3A_769 = arith.index_cast %swap3A_768 : i32 to index
        %swap3A_770 = memref.load %arg16[%swap3A_769] : memref<8xi32, #tpu.memory_space<smem>>
        memref.store %while3A_767#0, %arg16[%swap3A_769] : memref<8xi32, #tpu.memory_space<smem>>
        %add3A_771 = arith.constant 5 : i32
        %add3A_772 = arith.addi %add3A_728, %add3A_771 : i32
        %lt3A_773 = arith.cmpi slt, %add3A_772, %add3A_9 : i32
        %convert_element_type3A_774 = arith.extui %lt3A_773 : i1 to i32
        %cond3A_775 = arith.constant 0 : i32
        %cond3A_776 = arith.cmpi ne, %convert_element_type3A_774, %cond3A_775 : i32
        scf.if %cond3A_776 {
          %add3A_777 = arith.constant 5 : i32
          %add3A_778 = arith.addi %add3A_728, %add3A_777 : i32
          %mul3A_779 = arith.constant 256 : i32
          %mul3A_780 = arith.muli %add3A_778, %mul3A_779 : i32
          %multiple_of3A = tpu.assume_multiple %mul3A_780, 256 : i32
          %eq3A_781 = arith.constant 3906 : i32
          %eq3A_782 = arith.cmpi eq, %add3A_778, %eq3A_781 : i32
          %not3A_783 = arith.constant true
          %not3A_784 = arith.xori %eq3A_782, %not3A_783 : i1
          %convert_element_type3A_785 = arith.extui %not3A_784 : i1 to i32
          %cond3A_786 = arith.constant 0 : i32
          %cond3A_787 = arith.cmpi ne, %convert_element_type3A_785, %cond3A_786 : i32
          scf.if %cond3A_787 {
            %dma_start3A_791 = arith.constant 0 : i32
            %dma_start3A_792 = tpu.memref_slice %arg2[%dma_start3A_791, %multiple_of3A] : memref<64x1000000xf32, #tpu.memory_space<hbm>> -> memref<64x256xf32, #tpu.memory_space<hbm>>
            %dma_start3A_793 = arith.constant 0 : i32
            %dma_start3A_794 = tpu.memref_slice %arg2[%dma_start3A_793, %multiple_of3A] : memref<64x1000000xf32, #tpu.memory_space<hbm>> -> memref<64x256xf32, #tpu.memory_space<hbm>>
            tpu.enqueue_dma source(%dma_start3A_794 : memref<64x256xf32, #tpu.memory_space<hbm>>) target(%arg10 : memref<64x256xf32, #tpu.memory_space<vmem>>) target_semaphore(%arg18 : memref<!tpu.dma_semaphore, #tpu.memory_space<semaphore_mem>>)
          } else {
          }
          %convert_element_type3A_788 = arith.extui %eq3A_782 : i1 to i32
          %cond3A_789 = arith.constant 0 : i32
          %cond3A_790 = arith.cmpi ne, %convert_element_type3A_788, %cond3A_789 : i32
          scf.if %cond3A_790 {
            %dma_start3A_791 = arith.constant 0 : i32
            %dma_start3A_792 = arith.constant 0 : i32
            %dma_start3A_793 = tpu.memref_slice %arg10[%dma_start3A_791, %dma_start3A_792] : memref<64x256xf32, #tpu.memory_space<vmem>> -> memref<64x128xf32, #tpu.memory_space<vmem>>
            %dma_start3A_794 = arith.constant 0 : i32
            %dma_start3A_795 = arith.constant 0 : i32
            %dma_start3A_796 = tpu.memref_slice %arg10[%dma_start3A_794, %dma_start3A_795] : memref<64x256xf32, #tpu.memory_space<vmem>> -> memref<64x128xf32, #tpu.memory_space<vmem>>
            tpu.enqueue_dma source(%arg3 : memref<64x128xf32, #tpu.memory_space<hbm>>) target(%dma_start3A_796 : memref<64x128xf32, #tpu.memory_space<vmem>>) target_semaphore(%arg18 : memref<!tpu.dma_semaphore, #tpu.memory_space<semaphore_mem>>)
          } else {
          }
        } else {
        }
      } else {
      }
      %add3A_733 = arith.constant 2 : i32
      %add3A_734 = arith.addi %add3A_720, %add3A_733 : i32
      %lt3A_735 = arith.cmpi slt, %add3A_734, %add3A_9 : i32
      %convert_element_type3A_736 = arith.extui %lt3A_735 : i1 to i32
      %cond3A_737 = arith.constant 0 : i32
      %cond3A_738 = arith.cmpi ne, %convert_element_type3A_736, %cond3A_737 : i32
      scf.if %cond3A_738 {
        %eq3A_751 = arith.constant 3906 : i32
        %eq3A_752 = arith.cmpi eq, %add3A_734, %eq3A_751 : i32
        %not3A = arith.constant true
        %not3A_753 = arith.xori %eq3A_752, %not3A : i1
        %convert_element_type3A_754 = arith.extui %not3A_753 : i1 to i32
        %cond3A_755 = arith.constant 0 : i32
        %cond3A_756 = arith.cmpi ne, %convert_element_type3A_754, %cond3A_755 : i32
        scf.if %cond3A_756 {
          %dma_wait3A_777 = arith.constant 0 : i32
          %dma_wait3A_778 = arith.constant 0 : i32
          %dma_wait3A_779 = tpu.memref_slice %arg2[%dma_wait3A_777, %dma_wait3A_778] : memref<64x1000000xf32, #tpu.memory_space<hbm>> -> memref<64x256xf32, #tpu.memory_space<hbm>>
          %dma_wait3A_780 = arith.constant 0 : i32
          %dma_wait3A_781 = arith.constant 0 : i32
          %dma_wait3A_782 = tpu.memref_slice %arg2[%dma_wait3A_780, %dma_wait3A_781] : memref<64x1000000xf32, #tpu.memory_space<hbm>> -> memref<64x256xf32, #tpu.memory_space<hbm>>
          tpu.wait_dma2 semaphore(%arg19 : memref<!tpu.dma_semaphore, #tpu.memory_space<semaphore_mem>>) src(%dma_wait3A_782 : memref<64x256xf32, #tpu.memory_space<hbm>>) dst(%arg11 : memref<64x256xf32, #tpu.memory_space<vmem>>)
        } else {
        }
        %convert_element_type3A_757 = arith.extui %eq3A_752 : i1 to i32
        %cond3A_758 = arith.constant 0 : i32
        %cond3A_759 = arith.cmpi ne, %convert_element_type3A_757, %cond3A_758 : i32
        scf.if %cond3A_759 {
          %dma_wait3A_777 = arith.constant 0 : i32
          %dma_wait3A_778 = arith.constant 0 : i32
          %dma_wait3A_779 = tpu.memref_slice %arg11[%dma_wait3A_777, %dma_wait3A_778] : memref<64x256xf32, #tpu.memory_space<vmem>> -> memref<64x128xf32, #tpu.memory_space<vmem>>
          %dma_wait3A_780 = arith.constant 0 : i32
          %dma_wait3A_781 = arith.constant 0 : i32
          %dma_wait3A_782 = tpu.memref_slice %arg11[%dma_wait3A_780, %dma_wait3A_781] : memref<64x256xf32, #tpu.memory_space<vmem>> -> memref<64x128xf32, #tpu.memory_space<vmem>>
          tpu.wait_dma2 semaphore(%arg19 : memref<!tpu.dma_semaphore, #tpu.memory_space<semaphore_mem>>) src(%arg3 : memref<64x128xf32, #tpu.memory_space<hbm>>) dst(%dma_wait3A_782 : memref<64x128xf32, #tpu.memory_space<vmem>>)
        } else {
        }
        %mul3A_760 = arith.constant 256 : i32
        %mul3A_761 = arith.muli %add3A_734, %mul3A_760 : i32
        %add3A_762 = arith.constant 256 : i32
        %add3A_763 = arith.addi %mul3A_761, %add3A_762 : i32
        %get3A_764 = arith.constant 1 : i32
        %get3A_765 = arith.index_cast %get3A_764 : i32 to index
        %get3A_766 = memref.load %arg16[%get3A_765] : memref<8xi32, #tpu.memory_space<smem>>
        %while3A = arith.constant 0 : i32
        %while3A_767:2 = scf.while (%while3A_777 = %get3A_766, %while3A_778 = %while3A) : (i32, i32) -> (i32, i32) {
          %eq3A_779 = arith.constant 0 : i32
          %eq3A_780 = arith.cmpi eq, %while3A_778, %eq3A_779 : i32
          %lt3A_781 = arith.constant 12288 : i32
          %lt3A_782 = arith.cmpi slt, %while3A_777, %lt3A_781 : i32
          %and3A_783 = arith.andi %eq3A_780, %lt3A_782 : i1
          scf.condition(%and3A_783) %while3A_777, %while3A_778 : i32, i32
        } do {
        ^bb0(%while3A_777: i32, %while3A_778: i32):
          %jit3A_779 = arith.constant 16 : i32
          %div3A_780 = arith.divsi %while3A_777, %jit3A_779 : i32
          %sign3A_781 = arith.constant 0 : i32
          %sign3A_782 = arith.cmpi sgt, %while3A_777, %sign3A_781 : i32
          %sign3A_783 = arith.extui %sign3A_782 : i1 to i32
          %sign3A_784 = arith.constant 0 : i32
          %sign3A_785 = arith.cmpi slt, %while3A_777, %sign3A_784 : i32
          %sign3A_786 = arith.extui %sign3A_785 : i1 to i32
          %sign3A_787 = arith.subi %sign3A_783, %sign3A_786 : i32
          %sign3A_788 = arith.constant 0 : i32
          %sign3A_789 = arith.cmpi sgt, %jit3A_779, %sign3A_788 : i32
          %sign3A_790 = arith.extui %sign3A_789 : i1 to i32
          %sign3A_791 = arith.constant 0 : i32
          %sign3A_792 = arith.cmpi slt, %jit3A_779, %sign3A_791 : i32
          %sign3A_793 = arith.extui %sign3A_792 : i1 to i32
          %sign3A_794 = arith.subi %sign3A_790, %sign3A_793 : i32
          %ne3A_795 = arith.cmpi ne, %sign3A_787, %sign3A_794 : i32
          %rem3A_796 = arith.remsi %while3A_777, %jit3A_779 : i32
          %ne3A_797 = arith.constant 0 : i32
          %ne3A_798 = arith.cmpi ne, %rem3A_796, %ne3A_797 : i32
          %and3A_799 = arith.andi %ne3A_795, %ne3A_798 : i1
          %sub3A_800 = arith.constant 1 : i32
          %sub3A_801 = arith.subi %div3A_780, %sub3A_800 : i32
          %select_n3A_802 = arith.select %and3A_799, %sub3A_801, %div3A_780 : i32
          %mul3A_803 = arith.constant 16 : i32
          %mul3A_804 = arith.muli %select_n3A_802, %mul3A_803 : i32
          %get3A_805 = arith.index_cast %mul3A_804 : i32 to index
          %get3A_806 = tpu.vector_load %arg7[%get3A_805] {strides = array<i32>} : memref<12304xi32, #tpu.memory_space<vmem>>, vector<16xi32>,
          %get3A_807 = arith.index_cast %mul3A_804 : i32 to index
          %get3A_808 = tpu.vector_load %arg8[%get3A_807] {strides = array<i32>} : memref<12304xi32, #tpu.memory_space<vmem>>, vector<16xi32>,
          %add3A_809 = vector.broadcast %mul3A_804 : i32 to vector<16xi32>
          %add3A_810 = arith.addi %add3A_809, %iota3A : vector<16xi32>
          %ge3A = vector.broadcast %while3A_777 : i32 to vector<16xi32>
          %ge3A_811 = arith.cmpi sge, %add3A_810, %ge3A : vector<16xi32>
          %lt3A_812 = vector.broadcast %add3A_763 : i32 to vector<16xi32>
          %lt3A_813 = arith.cmpi slt, %get3A_806, %lt3A_812 : vector<16xi32>
          %and3A_814 = arith.andi %ge3A_811, %lt3A_813 : vector<16xi1>
          %convert_element_type3A_815 = arith.extui %and3A_814 : vector<16xi1> to vector<16xi32>
          %reduce_sum3A_816 = arith.constant true
          %reduce_sum3A_817 = vector.broadcast %reduce_sum3A_816 : i1 to vector<16xi1>
          %reduce_sum3A_818 = tpu.scan <sum>, %convert_element_type3A_815 masked %reduce_sum3A_817 : vector<16xi32>, vector<16xi1> -> vector<16xi32>
          %reduce_sum3A_819 = vector.extract %reduce_sum3A_818[15] : i32 from vector<16xi32>
          %get3A_820 = arith.constant 0 : i32
          %get3A_821 = arith.index_cast %get3A_820 : i32 to index
          %get3A_822 = memref.load %arg16[%get3A_821] : memref<8xi32, #tpu.memory_space<smem>>
          %broadcast_in_dim3A_823 = arith.constant true
          %broadcast_in_dim3A_824 = vector.broadcast %broadcast_in_dim3A_823 : i1 to vector<16xi1>
          %masked_cumsum3A = tpu.scan <sum>, %convert_element_type3A_815 masked %broadcast_in_dim3A_824 : vector<16xi32>, vector<16xi1> -> vector<16xi32>
          %add3A_825 = vector.broadcast %get3A_822 : i32 to vector<16xi32>
          %add3A_826 = arith.addi %add3A_825, %masked_cumsum3A : vector<16xi32>
          %sub3A_827 = arith.constant 1 : i32
          %sub3A_828 = vector.broadcast %sub3A_827 : i32 to vector<16xi32>
          %sub3A_829 = arith.subi %add3A_826, %sub3A_828 : vector<16xi32>
          %jit3A_830 = arith.constant 0 : i32
          %jit3A_831 = arith.constant 159 : i32
          %max3A = vector.broadcast %jit3A_830 : i32 to vector<16xi32>
          %max3A_832 = arith.maxsi %max3A, %sub3A_829 : vector<16xi32>
          %min3A_833 = vector.broadcast %jit3A_831 : i32 to vector<16xi32>
          %min3A_834 = arith.minsi %min3A_833, %max3A_832 : vector<16xi32>
          %sub3A_835 = vector.broadcast %mul3A_761 : i32 to vector<16xi32>
          %sub3A_836 = arith.subi %get3A_806, %sub3A_835 : vector<16xi32>
          %jit3A_837 = arith.constant 0 : i32
          %jit3A_838 = arith.constant 255 : i32
          %max3A_839 = vector.broadcast %jit3A_837 : i32 to vector<16xi32>
          %max3A_840 = arith.maxsi %max3A_839, %sub3A_836 : vector<16xi32>
          %min3A_841 = vector.broadcast %jit3A_838 : i32 to vector<16xi32>
          %min3A_842 = arith.minsi %min3A_841, %max3A_840 : vector<16xi32>
          tpu.vector_store_idx %arg15[%min3A_834], %get3A_808 masked %and3A_814 : memref<160xi32, #tpu.memory_space<vmem>>[vector<16xi32>], vector<16xi32>, vector<16xi1>
          %scan3A_843 = arith.constant 0 : i32
          %scan3A_844 = arith.constant 64 : i32
          %scan3A_845 = arith.addi %scan3A_843, %scan3A_844 : i32
          %scan3A_846 = arith.constant 1 : i32
          scf.for %scan3A_873 = %scan3A_843 to %scan3A_845 step %scan3A_846  : i32 {
            %mul3A_874 = arith.constant 1 : i32
            %mul3A_875 = arith.muli %scan3A_873, %mul3A_874 : i32
            %add3A_876 = arith.constant 0 : i32
            %add3A_877 = arith.addi %add3A_876, %mul3A_875 : i32
            %broadcast_in_dim3A_878 = arith.constant 0 : i32
            %broadcast_in_dim3A_879 = vector.broadcast %broadcast_in_dim3A_878 : i32 to vector<16xi32>
            %add3A_880 = vector.broadcast %add3A_877 : i32 to vector<16xi32>
            %add3A_881 = arith.addi %broadcast_in_dim3A_879, %add3A_880 : vector<16xi32>
            %gather3A = tpu.vector_load_idx %arg11[%add3A_881, %min3A_842] masked %and3A_814 : memref<64x256xf32, #tpu.memory_space<vmem>>[vector<16xi32>, vector<16xi32>], vector<16xf32>, vector<16xi1>
            tpu.vector_store_idx %arg14[%min3A_834, %add3A_881], %gather3A masked %and3A_814 : memref<160x128xf32, #tpu.memory_space<vmem>>[vector<16xi32>, vector<16xi32>], vector<16xf32>, vector<16xi1>
          }
          %scan3A_847 = arith.constant 64 : i32
          %add3A_848 = arith.addi %get3A_822, %reduce_sum3A_819 : i32
          %swap3A_849 = arith.constant 0 : i32
          %swap3A_850 = arith.index_cast %swap3A_849 : i32 to index
          %swap3A_851 = memref.load %arg16[%swap3A_850] : memref<8xi32, #tpu.memory_space<smem>>
          memref.store %add3A_848, %arg16[%swap3A_850] : memref<8xi32, #tpu.memory_space<smem>>
          %gt3A = arith.constant 144 : i32
          %gt3A_852 = arith.cmpi sgt, %add3A_848, %gt3A : i32
          %convert_element_type3A_853 = arith.extui %gt3A_852 : i1 to i32
          %cond3A_854 = arith.constant 0 : i32
          %cond3A_855 = arith.cmpi ne, %convert_element_type3A_853, %cond3A_854 : i32
          scf.if %cond3A_855 {
            %dma_start3A_873 = arith.constant 0 : i32
            %dma_start3A_874 = arith.constant 0 : i32
            %dma_start3A_875 = tpu.memref_slice %arg6[%dma_start3A_873, %dma_start3A_874] : memref<12448x128xf32, #tpu.memory_space<hbm>> -> memref<12448x128xf32, #tpu.memory_space<hbm>>
            tpu.enqueue_indirect_dma source(%arg14 : memref<160x128xf32, #tpu.memory_space<vmem>>) target(%dma_start3A_875 : memref<12448x128xf32, #tpu.memory_space<hbm>>) offsets(%arg15 : memref<160xi32, #tpu.memory_space<vmem>>) semaphore(%arg22 : memref<!tpu.dma_semaphore, #tpu.memory_space<semaphore_mem>>)
            %dma_wait3A_876 = arith.constant 0 : i32
            %dma_wait3A_877 = arith.constant 0 : i32
            %dma_wait3A_878 = tpu.memref_slice %arg6[%dma_wait3A_876, %dma_wait3A_877] : memref<12448x128xf32, #tpu.memory_space<hbm>> -> memref<12448x128xf32, #tpu.memory_space<hbm>>
            tpu.wait_indirect_dma semaphore(%arg22 : memref<!tpu.dma_semaphore, #tpu.memory_space<semaphore_mem>>) src(%arg14 : memref<160x128xf32, #tpu.memory_space<vmem>>) dst(%dma_wait3A_878 : memref<12448x128xf32, #tpu.memory_space<hbm>>)
            %scan3A_879 = arith.constant 0 : i32
            %scan3A_880 = arith.constant 10 : i32
            %scan3A_881 = arith.addi %scan3A_879, %scan3A_880 : i32
            %scan3A_882 = arith.constant 1 : i32
            scf.for %scan3A_888 = %scan3A_879 to %scan3A_881 step %scan3A_882  : i32 {
              %mul3A_889 = arith.constant 1 : i32
              %mul3A_890 = arith.muli %scan3A_888, %mul3A_889 : i32
              %add3A_891 = arith.constant 0 : i32
              %add3A_892 = arith.addi %add3A_891, %mul3A_890 : i32
              %mul3A_893 = arith.constant 16 : i32
              %mul3A_894 = arith.muli %add3A_892, %mul3A_893 : i32
              %add3A_895 = arith.constant 12288 : i32
              %add3A_896 = arith.addi %add3A_895, %mul3A_894 : i32
              %add3A_897 = vector.broadcast %add3A_896 : i32 to vector<16xi32>
              %add3A_898 = arith.addi %add3A_897, %iota3A : vector<16xi32>
              %mul3A_899 = arith.constant 16 : i32
              %mul3A_900 = arith.muli %add3A_892, %mul3A_899 : i32
              %swap3A_901 = arith.index_cast %mul3A_900 : i32 to index
              %swap3A_902 = tpu.vector_load %arg15[%swap3A_901] {strides = array<i32>} : memref<160xi32, #tpu.memory_space<vmem>>, vector<16xi32>,
              tpu.vector_store %arg15[%swap3A_901], %add3A_898 {strides = array<i32>} : memref<160xi32, #tpu.memory_space<vmem>>, vector<16xi32>,
            }
            %scan3A_883 = arith.constant 10 : i32
            %swap3A_884 = arith.constant 0 : i32
            %swap3A_885 = arith.constant 0 : i32
            %swap3A_886 = arith.index_cast %swap3A_885 : i32 to index
            %swap3A_887 = memref.load %arg16[%swap3A_886] : memref<8xi32, #tpu.memory_space<smem>>
            memref.store %swap3A_884, %arg16[%swap3A_886] : memref<8xi32, #tpu.memory_space<smem>>
          } else {
          }
          %ge3A_856 = vector.broadcast %add3A_763 : i32 to vector<16xi32>
          %ge3A_857 = arith.cmpi sge, %get3A_806, %ge3A_856 : vector<16xi32>
          %jit3A_858 = arith.constant 1 : i32
          %jit3A_859 = arith.constant 0 : i32
          %broadcast_in_dim3A_860 = vector.broadcast %jit3A_858 : i32 to vector<16xi32>
          %broadcast_in_dim3A_861 = vector.broadcast %jit3A_859 : i32 to vector<16xi32>
          %select_n3A_862 = arith.select %ge3A_857, %broadcast_in_dim3A_860, %broadcast_in_dim3A_861 : vector<16xi1>, vector<16xi32>
          %reduce_sum3A_863 = arith.constant true
          %reduce_sum3A_864 = vector.broadcast %reduce_sum3A_863 : i1 to vector<16xi1>
          %reduce_sum3A_865 = tpu.scan <sum>, %select_n3A_862 masked %reduce_sum3A_864 : vector<16xi32>, vector<16xi1> -> vector<16xi32>
          %reduce_sum3A_866 = vector.extract %reduce_sum3A_865[15] : i32 from vector<16xi32>
          %add3A_867 = arith.addi %while3A_777, %reduce_sum3A_819 : i32
          %gt3A_868 = arith.constant 0 : i32
          %gt3A_869 = arith.cmpi sgt, %reduce_sum3A_866, %gt3A_868 : i32
          %jit3A_870 = arith.constant 1 : i32
          %jit3A_871 = arith.constant 0 : i32
          %select_n3A_872 = arith.select %gt3A_869, %jit3A_870, %jit3A_871 : i32
          scf.yield %add3A_867, %select_n3A_872 : i32, i32
        }
        %swap3A_768 = arith.constant 1 : i32
        %swap3A_769 = arith.index_cast %swap3A_768 : i32 to index
        %swap3A_770 = memref.load %arg16[%swap3A_769] : memref<8xi32, #tpu.memory_space<smem>>
        memref.store %while3A_767#0, %arg16[%swap3A_769] : memref<8xi32, #tpu.memory_space<smem>>
        %add3A_771 = arith.constant 5 : i32
        %add3A_772 = arith.addi %add3A_734, %add3A_771 : i32
        %lt3A_773 = arith.cmpi slt, %add3A_772, %add3A_9 : i32
        %convert_element_type3A_774 = arith.extui %lt3A_773 : i1 to i32
        %cond3A_775 = arith.constant 0 : i32
        %cond3A_776 = arith.cmpi ne, %convert_element_type3A_774, %cond3A_775 : i32
        scf.if %cond3A_776 {
          %add3A_777 = arith.constant 5 : i32
          %add3A_778 = arith.addi %add3A_734, %add3A_777 : i32
          %mul3A_779 = arith.constant 256 : i32
          %mul3A_780 = arith.muli %add3A_778, %mul3A_779 : i32
          %multiple_of3A = tpu.assume_multiple %mul3A_780, 256 : i32
          %eq3A_781 = arith.constant 3906 : i32
          %eq3A_782 = arith.cmpi eq, %add3A_778, %eq3A_781 : i32
          %not3A_783 = arith.constant true
          %not3A_784 = arith.xori %eq3A_782, %not3A_783 : i1
          %convert_element_type3A_785 = arith.extui %not3A_784 : i1 to i32
          %cond3A_786 = arith.constant 0 : i32
          %cond3A_787 = arith.cmpi ne, %convert_element_type3A_785, %cond3A_786 : i32
          scf.if %cond3A_787 {
            %dma_start3A_791 = arith.constant 0 : i32
            %dma_start3A_792 = tpu.memref_slice %arg2[%dma_start3A_791, %multiple_of3A] : memref<64x1000000xf32, #tpu.memory_space<hbm>> -> memref<64x256xf32, #tpu.memory_space<hbm>>
            %dma_start3A_793 = arith.constant 0 : i32
            %dma_start3A_794 = tpu.memref_slice %arg2[%dma_start3A_793, %multiple_of3A] : memref<64x1000000xf32, #tpu.memory_space<hbm>> -> memref<64x256xf32, #tpu.memory_space<hbm>>
            tpu.enqueue_dma source(%dma_start3A_794 : memref<64x256xf32, #tpu.memory_space<hbm>>) target(%arg11 : memref<64x256xf32, #tpu.memory_space<vmem>>) target_semaphore(%arg19 : memref<!tpu.dma_semaphore, #tpu.memory_space<semaphore_mem>>)
          } else {
          }
          %convert_element_type3A_788 = arith.extui %eq3A_782 : i1 to i32
          %cond3A_789 = arith.constant 0 : i32
          %cond3A_790 = arith.cmpi ne, %convert_element_type3A_788, %cond3A_789 : i32
          scf.if %cond3A_790 {
            %dma_start3A_791 = arith.constant 0 : i32
            %dma_start3A_792 = arith.constant 0 : i32
            %dma_start3A_793 = tpu.memref_slice %arg11[%dma_start3A_791, %dma_start3A_792] : memref<64x256xf32, #tpu.memory_space<vmem>> -> memref<64x128xf32, #tpu.memory_space<vmem>>
            %dma_start3A_794 = arith.constant 0 : i32
            %dma_start3A_795 = arith.constant 0 : i32
            %dma_start3A_796 = tpu.memref_slice %arg11[%dma_start3A_794, %dma_start3A_795] : memref<64x256xf32, #tpu.memory_space<vmem>> -> memref<64x128xf32, #tpu.memory_space<vmem>>
            tpu.enqueue_dma source(%arg3 : memref<64x128xf32, #tpu.memory_space<hbm>>) target(%dma_start3A_796 : memref<64x128xf32, #tpu.memory_space<vmem>>) target_semaphore(%arg19 : memref<!tpu.dma_semaphore, #tpu.memory_space<semaphore_mem>>)
          } else {
          }
        } else {
        }
      } else {
      }
      %add3A_739 = arith.constant 3 : i32
      %add3A_740 = arith.addi %add3A_720, %add3A_739 : i32
      %lt3A_741 = arith.cmpi slt, %add3A_740, %add3A_9 : i32
      %convert_element_type3A_742 = arith.extui %lt3A_741 : i1 to i32
      %cond3A_743 = arith.constant 0 : i32
      %cond3A_744 = arith.cmpi ne, %convert_element_type3A_742, %cond3A_743 : i32
      scf.if %cond3A_744 {
        %eq3A_751 = arith.constant 3906 : i32
        %eq3A_752 = arith.cmpi eq, %add3A_740, %eq3A_751 : i32
        %not3A = arith.constant true
        %not3A_753 = arith.xori %eq3A_752, %not3A : i1
        %convert_element_type3A_754 = arith.extui %not3A_753 : i1 to i32
        %cond3A_755 = arith.constant 0 : i32
        %cond3A_756 = arith.cmpi ne, %convert_element_type3A_754, %cond3A_755 : i32
        scf.if %cond3A_756 {
          %dma_wait3A_777 = arith.constant 0 : i32
          %dma_wait3A_778 = arith.constant 0 : i32
          %dma_wait3A_779 = tpu.memref_slice %arg2[%dma_wait3A_777, %dma_wait3A_778] : memref<64x1000000xf32, #tpu.memory_space<hbm>> -> memref<64x256xf32, #tpu.memory_space<hbm>>
          %dma_wait3A_780 = arith.constant 0 : i32
          %dma_wait3A_781 = arith.constant 0 : i32
          %dma_wait3A_782 = tpu.memref_slice %arg2[%dma_wait3A_780, %dma_wait3A_781] : memref<64x1000000xf32, #tpu.memory_space<hbm>> -> memref<64x256xf32, #tpu.memory_space<hbm>>
          tpu.wait_dma2 semaphore(%arg20 : memref<!tpu.dma_semaphore, #tpu.memory_space<semaphore_mem>>) src(%dma_wait3A_782 : memref<64x256xf32, #tpu.memory_space<hbm>>) dst(%arg12 : memref<64x256xf32, #tpu.memory_space<vmem>>)
        } else {
        }
        %convert_element_type3A_757 = arith.extui %eq3A_752 : i1 to i32
        %cond3A_758 = arith.constant 0 : i32
        %cond3A_759 = arith.cmpi ne, %convert_element_type3A_757, %cond3A_758 : i32
        scf.if %cond3A_759 {
          %dma_wait3A_777 = arith.constant 0 : i32
          %dma_wait3A_778 = arith.constant 0 : i32
          %dma_wait3A_779 = tpu.memref_slice %arg12[%dma_wait3A_777, %dma_wait3A_778] : memref<64x256xf32, #tpu.memory_space<vmem>> -> memref<64x128xf32, #tpu.memory_space<vmem>>
          %dma_wait3A_780 = arith.constant 0 : i32
          %dma_wait3A_781 = arith.constant 0 : i32
          %dma_wait3A_782 = tpu.memref_slice %arg12[%dma_wait3A_780, %dma_wait3A_781] : memref<64x256xf32, #tpu.memory_space<vmem>> -> memref<64x128xf32, #tpu.memory_space<vmem>>
          tpu.wait_dma2 semaphore(%arg20 : memref<!tpu.dma_semaphore, #tpu.memory_space<semaphore_mem>>) src(%arg3 : memref<64x128xf32, #tpu.memory_space<hbm>>) dst(%dma_wait3A_782 : memref<64x128xf32, #tpu.memory_space<vmem>>)
        } else {
        }
        %mul3A_760 = arith.constant 256 : i32
        %mul3A_761 = arith.muli %add3A_740, %mul3A_760 : i32
        %add3A_762 = arith.constant 256 : i32
        %add3A_763 = arith.addi %mul3A_761, %add3A_762 : i32
        %get3A_764 = arith.constant 1 : i32
        %get3A_765 = arith.index_cast %get3A_764 : i32 to index
        %get3A_766 = memref.load %arg16[%get3A_765] : memref<8xi32, #tpu.memory_space<smem>>
        %while3A = arith.constant 0 : i32
        %while3A_767:2 = scf.while (%while3A_777 = %get3A_766, %while3A_778 = %while3A) : (i32, i32) -> (i32, i32) {
          %eq3A_779 = arith.constant 0 : i32
          %eq3A_780 = arith.cmpi eq, %while3A_778, %eq3A_779 : i32
          %lt3A_781 = arith.constant 12288 : i32
          %lt3A_782 = arith.cmpi slt, %while3A_777, %lt3A_781 : i32
          %and3A_783 = arith.andi %eq3A_780, %lt3A_782 : i1
          scf.condition(%and3A_783) %while3A_777, %while3A_778 : i32, i32
        } do {
        ^bb0(%while3A_777: i32, %while3A_778: i32):
          %jit3A_779 = arith.constant 16 : i32
          %div3A_780 = arith.divsi %while3A_777, %jit3A_779 : i32
          %sign3A_781 = arith.constant 0 : i32
          %sign3A_782 = arith.cmpi sgt, %while3A_777, %sign3A_781 : i32
          %sign3A_783 = arith.extui %sign3A_782 : i1 to i32
          %sign3A_784 = arith.constant 0 : i32
          %sign3A_785 = arith.cmpi slt, %while3A_777, %sign3A_784 : i32
          %sign3A_786 = arith.extui %sign3A_785 : i1 to i32
          %sign3A_787 = arith.subi %sign3A_783, %sign3A_786 : i32
          %sign3A_788 = arith.constant 0 : i32
          %sign3A_789 = arith.cmpi sgt, %jit3A_779, %sign3A_788 : i32
          %sign3A_790 = arith.extui %sign3A_789 : i1 to i32
          %sign3A_791 = arith.constant 0 : i32
          %sign3A_792 = arith.cmpi slt, %jit3A_779, %sign3A_791 : i32
          %sign3A_793 = arith.extui %sign3A_792 : i1 to i32
          %sign3A_794 = arith.subi %sign3A_790, %sign3A_793 : i32
          %ne3A_795 = arith.cmpi ne, %sign3A_787, %sign3A_794 : i32
          %rem3A_796 = arith.remsi %while3A_777, %jit3A_779 : i32
          %ne3A_797 = arith.constant 0 : i32
          %ne3A_798 = arith.cmpi ne, %rem3A_796, %ne3A_797 : i32
          %and3A_799 = arith.andi %ne3A_795, %ne3A_798 : i1
          %sub3A_800 = arith.constant 1 : i32
          %sub3A_801 = arith.subi %div3A_780, %sub3A_800 : i32
          %select_n3A_802 = arith.select %and3A_799, %sub3A_801, %div3A_780 : i32
          %mul3A_803 = arith.constant 16 : i32
          %mul3A_804 = arith.muli %select_n3A_802, %mul3A_803 : i32
          %get3A_805 = arith.index_cast %mul3A_804 : i32 to index
          %get3A_806 = tpu.vector_load %arg7[%get3A_805] {strides = array<i32>} : memref<12304xi32, #tpu.memory_space<vmem>>, vector<16xi32>,
          %get3A_807 = arith.index_cast %mul3A_804 : i32 to index
          %get3A_808 = tpu.vector_load %arg8[%get3A_807] {strides = array<i32>} : memref<12304xi32, #tpu.memory_space<vmem>>, vector<16xi32>,
          %add3A_809 = vector.broadcast %mul3A_804 : i32 to vector<16xi32>
          %add3A_810 = arith.addi %add3A_809, %iota3A : vector<16xi32>
          %ge3A = vector.broadcast %while3A_777 : i32 to vector<16xi32>
          %ge3A_811 = arith.cmpi sge, %add3A_810, %ge3A : vector<16xi32>
          %lt3A_812 = vector.broadcast %add3A_763 : i32 to vector<16xi32>
          %lt3A_813 = arith.cmpi slt, %get3A_806, %lt3A_812 : vector<16xi32>
          %and3A_814 = arith.andi %ge3A_811, %lt3A_813 : vector<16xi1>
          %convert_element_type3A_815 = arith.extui %and3A_814 : vector<16xi1> to vector<16xi32>
          %reduce_sum3A_816 = arith.constant true
          %reduce_sum3A_817 = vector.broadcast %reduce_sum3A_816 : i1 to vector<16xi1>
          %reduce_sum3A_818 = tpu.scan <sum>, %convert_element_type3A_815 masked %reduce_sum3A_817 : vector<16xi32>, vector<16xi1> -> vector<16xi32>
          %reduce_sum3A_819 = vector.extract %reduce_sum3A_818[15] : i32 from vector<16xi32>
          %get3A_820 = arith.constant 0 : i32
          %get3A_821 = arith.index_cast %get3A_820 : i32 to index
          %get3A_822 = memref.load %arg16[%get3A_821] : memref<8xi32, #tpu.memory_space<smem>>
          %broadcast_in_dim3A_823 = arith.constant true
          %broadcast_in_dim3A_824 = vector.broadcast %broadcast_in_dim3A_823 : i1 to vector<16xi1>
          %masked_cumsum3A = tpu.scan <sum>, %convert_element_type3A_815 masked %broadcast_in_dim3A_824 : vector<16xi32>, vector<16xi1> -> vector<16xi32>
          %add3A_825 = vector.broadcast %get3A_822 : i32 to vector<16xi32>
          %add3A_826 = arith.addi %add3A_825, %masked_cumsum3A : vector<16xi32>
          %sub3A_827 = arith.constant 1 : i32
          %sub3A_828 = vector.broadcast %sub3A_827 : i32 to vector<16xi32>
          %sub3A_829 = arith.subi %add3A_826, %sub3A_828 : vector<16xi32>
          %jit3A_830 = arith.constant 0 : i32
          %jit3A_831 = arith.constant 159 : i32
          %max3A = vector.broadcast %jit3A_830 : i32 to vector<16xi32>
          %max3A_832 = arith.maxsi %max3A, %sub3A_829 : vector<16xi32>
          %min3A_833 = vector.broadcast %jit3A_831 : i32 to vector<16xi32>
          %min3A_834 = arith.minsi %min3A_833, %max3A_832 : vector<16xi32>
          %sub3A_835 = vector.broadcast %mul3A_761 : i32 to vector<16xi32>
          %sub3A_836 = arith.subi %get3A_806, %sub3A_835 : vector<16xi32>
          %jit3A_837 = arith.constant 0 : i32
          %jit3A_838 = arith.constant 255 : i32
          %max3A_839 = vector.broadcast %jit3A_837 : i32 to vector<16xi32>
          %max3A_840 = arith.maxsi %max3A_839, %sub3A_836 : vector<16xi32>
          %min3A_841 = vector.broadcast %jit3A_838 : i32 to vector<16xi32>
          %min3A_842 = arith.minsi %min3A_841, %max3A_840 : vector<16xi32>
          tpu.vector_store_idx %arg15[%min3A_834], %get3A_808 masked %and3A_814 : memref<160xi32, #tpu.memory_space<vmem>>[vector<16xi32>], vector<16xi32>, vector<16xi1>
          %scan3A_843 = arith.constant 0 : i32
          %scan3A_844 = arith.constant 64 : i32
          %scan3A_845 = arith.addi %scan3A_843, %scan3A_844 : i32
          %scan3A_846 = arith.constant 1 : i32
          scf.for %scan3A_873 = %scan3A_843 to %scan3A_845 step %scan3A_846  : i32 {
            %mul3A_874 = arith.constant 1 : i32
            %mul3A_875 = arith.muli %scan3A_873, %mul3A_874 : i32
            %add3A_876 = arith.constant 0 : i32
            %add3A_877 = arith.addi %add3A_876, %mul3A_875 : i32
            %broadcast_in_dim3A_878 = arith.constant 0 : i32
            %broadcast_in_dim3A_879 = vector.broadcast %broadcast_in_dim3A_878 : i32 to vector<16xi32>
            %add3A_880 = vector.broadcast %add3A_877 : i32 to vector<16xi32>
            %add3A_881 = arith.addi %broadcast_in_dim3A_879, %add3A_880 : vector<16xi32>
            %gather3A = tpu.vector_load_idx %arg12[%add3A_881, %min3A_842] masked %and3A_814 : memref<64x256xf32, #tpu.memory_space<vmem>>[vector<16xi32>, vector<16xi32>], vector<16xf32>, vector<16xi1>
            tpu.vector_store_idx %arg14[%min3A_834, %add3A_881], %gather3A masked %and3A_814 : memref<160x128xf32, #tpu.memory_space<vmem>>[vector<16xi32>, vector<16xi32>], vector<16xf32>, vector<16xi1>
          }
          %scan3A_847 = arith.constant 64 : i32
          %add3A_848 = arith.addi %get3A_822, %reduce_sum3A_819 : i32
          %swap3A_849 = arith.constant 0 : i32
          %swap3A_850 = arith.index_cast %swap3A_849 : i32 to index
          %swap3A_851 = memref.load %arg16[%swap3A_850] : memref<8xi32, #tpu.memory_space<smem>>
          memref.store %add3A_848, %arg16[%swap3A_850] : memref<8xi32, #tpu.memory_space<smem>>
          %gt3A = arith.constant 144 : i32
          %gt3A_852 = arith.cmpi sgt, %add3A_848, %gt3A : i32
          %convert_element_type3A_853 = arith.extui %gt3A_852 : i1 to i32
          %cond3A_854 = arith.constant 0 : i32
          %cond3A_855 = arith.cmpi ne, %convert_element_type3A_853, %cond3A_854 : i32
          scf.if %cond3A_855 {
            %dma_start3A_873 = arith.constant 0 : i32
            %dma_start3A_874 = arith.constant 0 : i32
            %dma_start3A_875 = tpu.memref_slice %arg6[%dma_start3A_873, %dma_start3A_874] : memref<12448x128xf32, #tpu.memory_space<hbm>> -> memref<12448x128xf32, #tpu.memory_space<hbm>>
            tpu.enqueue_indirect_dma source(%arg14 : memref<160x128xf32, #tpu.memory_space<vmem>>) target(%dma_start3A_875 : memref<12448x128xf32, #tpu.memory_space<hbm>>) offsets(%arg15 : memref<160xi32, #tpu.memory_space<vmem>>) semaphore(%arg22 : memref<!tpu.dma_semaphore, #tpu.memory_space<semaphore_mem>>)
            %dma_wait3A_876 = arith.constant 0 : i32
            %dma_wait3A_877 = arith.constant 0 : i32
            %dma_wait3A_878 = tpu.memref_slice %arg6[%dma_wait3A_876, %dma_wait3A_877] : memref<12448x128xf32, #tpu.memory_space<hbm>> -> memref<12448x128xf32, #tpu.memory_space<hbm>>
            tpu.wait_indirect_dma semaphore(%arg22 : memref<!tpu.dma_semaphore, #tpu.memory_space<semaphore_mem>>) src(%arg14 : memref<160x128xf32, #tpu.memory_space<vmem>>) dst(%dma_wait3A_878 : memref<12448x128xf32, #tpu.memory_space<hbm>>)
            %scan3A_879 = arith.constant 0 : i32
            %scan3A_880 = arith.constant 10 : i32
            %scan3A_881 = arith.addi %scan3A_879, %scan3A_880 : i32
            %scan3A_882 = arith.constant 1 : i32
            scf.for %scan3A_888 = %scan3A_879 to %scan3A_881 step %scan3A_882  : i32 {
              %mul3A_889 = arith.constant 1 : i32
              %mul3A_890 = arith.muli %scan3A_888, %mul3A_889 : i32
              %add3A_891 = arith.constant 0 : i32
              %add3A_892 = arith.addi %add3A_891, %mul3A_890 : i32
              %mul3A_893 = arith.constant 16 : i32
              %mul3A_894 = arith.muli %add3A_892, %mul3A_893 : i32
              %add3A_895 = arith.constant 12288 : i32
              %add3A_896 = arith.addi %add3A_895, %mul3A_894 : i32
              %add3A_897 = vector.broadcast %add3A_896 : i32 to vector<16xi32>
              %add3A_898 = arith.addi %add3A_897, %iota3A : vector<16xi32>
              %mul3A_899 = arith.constant 16 : i32
              %mul3A_900 = arith.muli %add3A_892, %mul3A_899 : i32
              %swap3A_901 = arith.index_cast %mul3A_900 : i32 to index
              %swap3A_902 = tpu.vector_load %arg15[%swap3A_901] {strides = array<i32>} : memref<160xi32, #tpu.memory_space<vmem>>, vector<16xi32>,
              tpu.vector_store %arg15[%swap3A_901], %add3A_898 {strides = array<i32>} : memref<160xi32, #tpu.memory_space<vmem>>, vector<16xi32>,
            }
            %scan3A_883 = arith.constant 10 : i32
            %swap3A_884 = arith.constant 0 : i32
            %swap3A_885 = arith.constant 0 : i32
            %swap3A_886 = arith.index_cast %swap3A_885 : i32 to index
            %swap3A_887 = memref.load %arg16[%swap3A_886] : memref<8xi32, #tpu.memory_space<smem>>
            memref.store %swap3A_884, %arg16[%swap3A_886] : memref<8xi32, #tpu.memory_space<smem>>
          } else {
          }
          %ge3A_856 = vector.broadcast %add3A_763 : i32 to vector<16xi32>
          %ge3A_857 = arith.cmpi sge, %get3A_806, %ge3A_856 : vector<16xi32>
          %jit3A_858 = arith.constant 1 : i32
          %jit3A_859 = arith.constant 0 : i32
          %broadcast_in_dim3A_860 = vector.broadcast %jit3A_858 : i32 to vector<16xi32>
          %broadcast_in_dim3A_861 = vector.broadcast %jit3A_859 : i32 to vector<16xi32>
          %select_n3A_862 = arith.select %ge3A_857, %broadcast_in_dim3A_860, %broadcast_in_dim3A_861 : vector<16xi1>, vector<16xi32>
          %reduce_sum3A_863 = arith.constant true
          %reduce_sum3A_864 = vector.broadcast %reduce_sum3A_863 : i1 to vector<16xi1>
          %reduce_sum3A_865 = tpu.scan <sum>, %select_n3A_862 masked %reduce_sum3A_864 : vector<16xi32>, vector<16xi1> -> vector<16xi32>
          %reduce_sum3A_866 = vector.extract %reduce_sum3A_865[15] : i32 from vector<16xi32>
          %add3A_867 = arith.addi %while3A_777, %reduce_sum3A_819 : i32
          %gt3A_868 = arith.constant 0 : i32
          %gt3A_869 = arith.cmpi sgt, %reduce_sum3A_866, %gt3A_868 : i32
          %jit3A_870 = arith.constant 1 : i32
          %jit3A_871 = arith.constant 0 : i32
          %select_n3A_872 = arith.select %gt3A_869, %jit3A_870, %jit3A_871 : i32
          scf.yield %add3A_867, %select_n3A_872 : i32, i32
        }
        %swap3A_768 = arith.constant 1 : i32
        %swap3A_769 = arith.index_cast %swap3A_768 : i32 to index
        %swap3A_770 = memref.load %arg16[%swap3A_769] : memref<8xi32, #tpu.memory_space<smem>>
        memref.store %while3A_767#0, %arg16[%swap3A_769] : memref<8xi32, #tpu.memory_space<smem>>
        %add3A_771 = arith.constant 5 : i32
        %add3A_772 = arith.addi %add3A_740, %add3A_771 : i32
        %lt3A_773 = arith.cmpi slt, %add3A_772, %add3A_9 : i32
        %convert_element_type3A_774 = arith.extui %lt3A_773 : i1 to i32
        %cond3A_775 = arith.constant 0 : i32
        %cond3A_776 = arith.cmpi ne, %convert_element_type3A_774, %cond3A_775 : i32
        scf.if %cond3A_776 {
          %add3A_777 = arith.constant 5 : i32
          %add3A_778 = arith.addi %add3A_740, %add3A_777 : i32
          %mul3A_779 = arith.constant 256 : i32
          %mul3A_780 = arith.muli %add3A_778, %mul3A_779 : i32
          %multiple_of3A = tpu.assume_multiple %mul3A_780, 256 : i32
          %eq3A_781 = arith.constant 3906 : i32
          %eq3A_782 = arith.cmpi eq, %add3A_778, %eq3A_781 : i32
          %not3A_783 = arith.constant true
          %not3A_784 = arith.xori %eq3A_782, %not3A_783 : i1
          %convert_element_type3A_785 = arith.extui %not3A_784 : i1 to i32
          %cond3A_786 = arith.constant 0 : i32
          %cond3A_787 = arith.cmpi ne, %convert_element_type3A_785, %cond3A_786 : i32
          scf.if %cond3A_787 {
            %dma_start3A_791 = arith.constant 0 : i32
            %dma_start3A_792 = tpu.memref_slice %arg2[%dma_start3A_791, %multiple_of3A] : memref<64x1000000xf32, #tpu.memory_space<hbm>> -> memref<64x256xf32, #tpu.memory_space<hbm>>
            %dma_start3A_793 = arith.constant 0 : i32
            %dma_start3A_794 = tpu.memref_slice %arg2[%dma_start3A_793, %multiple_of3A] : memref<64x1000000xf32, #tpu.memory_space<hbm>> -> memref<64x256xf32, #tpu.memory_space<hbm>>
            tpu.enqueue_dma source(%dma_start3A_794 : memref<64x256xf32, #tpu.memory_space<hbm>>) target(%arg12 : memref<64x256xf32, #tpu.memory_space<vmem>>) target_semaphore(%arg20 : memref<!tpu.dma_semaphore, #tpu.memory_space<semaphore_mem>>)
          } else {
          }
          %convert_element_type3A_788 = arith.extui %eq3A_782 : i1 to i32
          %cond3A_789 = arith.constant 0 : i32
          %cond3A_790 = arith.cmpi ne, %convert_element_type3A_788, %cond3A_789 : i32
          scf.if %cond3A_790 {
            %dma_start3A_791 = arith.constant 0 : i32
            %dma_start3A_792 = arith.constant 0 : i32
            %dma_start3A_793 = tpu.memref_slice %arg12[%dma_start3A_791, %dma_start3A_792] : memref<64x256xf32, #tpu.memory_space<vmem>> -> memref<64x128xf32, #tpu.memory_space<vmem>>
            %dma_start3A_794 = arith.constant 0 : i32
            %dma_start3A_795 = arith.constant 0 : i32
            %dma_start3A_796 = tpu.memref_slice %arg12[%dma_start3A_794, %dma_start3A_795] : memref<64x256xf32, #tpu.memory_space<vmem>> -> memref<64x128xf32, #tpu.memory_space<vmem>>
            tpu.enqueue_dma source(%arg3 : memref<64x128xf32, #tpu.memory_space<hbm>>) target(%dma_start3A_796 : memref<64x128xf32, #tpu.memory_space<vmem>>) target_semaphore(%arg20 : memref<!tpu.dma_semaphore, #tpu.memory_space<semaphore_mem>>)
          } else {
          }
        } else {
        }
      } else {
      }
      %add3A_745 = arith.constant 4 : i32
      %add3A_746 = arith.addi %add3A_720, %add3A_745 : i32
      %lt3A_747 = arith.cmpi slt, %add3A_746, %add3A_9 : i32
      %convert_element_type3A_748 = arith.extui %lt3A_747 : i1 to i32
      %cond3A_749 = arith.constant 0 : i32
      %cond3A_750 = arith.cmpi ne, %convert_element_type3A_748, %cond3A_749 : i32
      scf.if %cond3A_750 {
        %eq3A_751 = arith.constant 3906 : i32
        %eq3A_752 = arith.cmpi eq, %add3A_746, %eq3A_751 : i32
        %not3A = arith.constant true
        %not3A_753 = arith.xori %eq3A_752, %not3A : i1
        %convert_element_type3A_754 = arith.extui %not3A_753 : i1 to i32
        %cond3A_755 = arith.constant 0 : i32
        %cond3A_756 = arith.cmpi ne, %convert_element_type3A_754, %cond3A_755 : i32
        scf.if %cond3A_756 {
          %dma_wait3A_777 = arith.constant 0 : i32
          %dma_wait3A_778 = arith.constant 0 : i32
          %dma_wait3A_779 = tpu.memref_slice %arg2[%dma_wait3A_777, %dma_wait3A_778] : memref<64x1000000xf32, #tpu.memory_space<hbm>> -> memref<64x256xf32, #tpu.memory_space<hbm>>
          %dma_wait3A_780 = arith.constant 0 : i32
          %dma_wait3A_781 = arith.constant 0 : i32
          %dma_wait3A_782 = tpu.memref_slice %arg2[%dma_wait3A_780, %dma_wait3A_781] : memref<64x1000000xf32, #tpu.memory_space<hbm>> -> memref<64x256xf32, #tpu.memory_space<hbm>>
          tpu.wait_dma2 semaphore(%arg21 : memref<!tpu.dma_semaphore, #tpu.memory_space<semaphore_mem>>) src(%dma_wait3A_782 : memref<64x256xf32, #tpu.memory_space<hbm>>) dst(%arg13 : memref<64x256xf32, #tpu.memory_space<vmem>>)
        } else {
        }
        %convert_element_type3A_757 = arith.extui %eq3A_752 : i1 to i32
        %cond3A_758 = arith.constant 0 : i32
        %cond3A_759 = arith.cmpi ne, %convert_element_type3A_757, %cond3A_758 : i32
        scf.if %cond3A_759 {
          %dma_wait3A_777 = arith.constant 0 : i32
          %dma_wait3A_778 = arith.constant 0 : i32
          %dma_wait3A_779 = tpu.memref_slice %arg13[%dma_wait3A_777, %dma_wait3A_778] : memref<64x256xf32, #tpu.memory_space<vmem>> -> memref<64x128xf32, #tpu.memory_space<vmem>>
          %dma_wait3A_780 = arith.constant 0 : i32
          %dma_wait3A_781 = arith.constant 0 : i32
          %dma_wait3A_782 = tpu.memref_slice %arg13[%dma_wait3A_780, %dma_wait3A_781] : memref<64x256xf32, #tpu.memory_space<vmem>> -> memref<64x128xf32, #tpu.memory_space<vmem>>
          tpu.wait_dma2 semaphore(%arg21 : memref<!tpu.dma_semaphore, #tpu.memory_space<semaphore_mem>>) src(%arg3 : memref<64x128xf32, #tpu.memory_space<hbm>>) dst(%dma_wait3A_782 : memref<64x128xf32, #tpu.memory_space<vmem>>)
        } else {
        }
        %mul3A_760 = arith.constant 256 : i32
        %mul3A_761 = arith.muli %add3A_746, %mul3A_760 : i32
        %add3A_762 = arith.constant 256 : i32
        %add3A_763 = arith.addi %mul3A_761, %add3A_762 : i32
        %get3A_764 = arith.constant 1 : i32
        %get3A_765 = arith.index_cast %get3A_764 : i32 to index
        %get3A_766 = memref.load %arg16[%get3A_765] : memref<8xi32, #tpu.memory_space<smem>>
        %while3A = arith.constant 0 : i32
        %while3A_767:2 = scf.while (%while3A_777 = %get3A_766, %while3A_778 = %while3A) : (i32, i32) -> (i32, i32) {
          %eq3A_779 = arith.constant 0 : i32
          %eq3A_780 = arith.cmpi eq, %while3A_778, %eq3A_779 : i32
          %lt3A_781 = arith.constant 12288 : i32
          %lt3A_782 = arith.cmpi slt, %while3A_777, %lt3A_781 : i32
          %and3A_783 = arith.andi %eq3A_780, %lt3A_782 : i1
          scf.condition(%and3A_783) %while3A_777, %while3A_778 : i32, i32
        } do {
        ^bb0(%while3A_777: i32, %while3A_778: i32):
          %jit3A_779 = arith.constant 16 : i32
          %div3A_780 = arith.divsi %while3A_777, %jit3A_779 : i32
          %sign3A_781 = arith.constant 0 : i32
          %sign3A_782 = arith.cmpi sgt, %while3A_777, %sign3A_781 : i32
          %sign3A_783 = arith.extui %sign3A_782 : i1 to i32
          %sign3A_784 = arith.constant 0 : i32
          %sign3A_785 = arith.cmpi slt, %while3A_777, %sign3A_784 : i32
          %sign3A_786 = arith.extui %sign3A_785 : i1 to i32
          %sign3A_787 = arith.subi %sign3A_783, %sign3A_786 : i32
          %sign3A_788 = arith.constant 0 : i32
          %sign3A_789 = arith.cmpi sgt, %jit3A_779, %sign3A_788 : i32
          %sign3A_790 = arith.extui %sign3A_789 : i1 to i32
          %sign3A_791 = arith.constant 0 : i32
          %sign3A_792 = arith.cmpi slt, %jit3A_779, %sign3A_791 : i32
          %sign3A_793 = arith.extui %sign3A_792 : i1 to i32
          %sign3A_794 = arith.subi %sign3A_790, %sign3A_793 : i32
          %ne3A_795 = arith.cmpi ne, %sign3A_787, %sign3A_794 : i32
          %rem3A_796 = arith.remsi %while3A_777, %jit3A_779 : i32
          %ne3A_797 = arith.constant 0 : i32
          %ne3A_798 = arith.cmpi ne, %rem3A_796, %ne3A_797 : i32
          %and3A_799 = arith.andi %ne3A_795, %ne3A_798 : i1
          %sub3A_800 = arith.constant 1 : i32
          %sub3A_801 = arith.subi %div3A_780, %sub3A_800 : i32
          %select_n3A_802 = arith.select %and3A_799, %sub3A_801, %div3A_780 : i32
          %mul3A_803 = arith.constant 16 : i32
          %mul3A_804 = arith.muli %select_n3A_802, %mul3A_803 : i32
          %get3A_805 = arith.index_cast %mul3A_804 : i32 to index
          %get3A_806 = tpu.vector_load %arg7[%get3A_805] {strides = array<i32>} : memref<12304xi32, #tpu.memory_space<vmem>>, vector<16xi32>,
          %get3A_807 = arith.index_cast %mul3A_804 : i32 to index
          %get3A_808 = tpu.vector_load %arg8[%get3A_807] {strides = array<i32>} : memref<12304xi32, #tpu.memory_space<vmem>>, vector<16xi32>,
          %add3A_809 = vector.broadcast %mul3A_804 : i32 to vector<16xi32>
          %add3A_810 = arith.addi %add3A_809, %iota3A : vector<16xi32>
          %ge3A = vector.broadcast %while3A_777 : i32 to vector<16xi32>
          %ge3A_811 = arith.cmpi sge, %add3A_810, %ge3A : vector<16xi32>
          %lt3A_812 = vector.broadcast %add3A_763 : i32 to vector<16xi32>
          %lt3A_813 = arith.cmpi slt, %get3A_806, %lt3A_812 : vector<16xi32>
          %and3A_814 = arith.andi %ge3A_811, %lt3A_813 : vector<16xi1>
          %convert_element_type3A_815 = arith.extui %and3A_814 : vector<16xi1> to vector<16xi32>
          %reduce_sum3A_816 = arith.constant true
          %reduce_sum3A_817 = vector.broadcast %reduce_sum3A_816 : i1 to vector<16xi1>
          %reduce_sum3A_818 = tpu.scan <sum>, %convert_element_type3A_815 masked %reduce_sum3A_817 : vector<16xi32>, vector<16xi1> -> vector<16xi32>
          %reduce_sum3A_819 = vector.extract %reduce_sum3A_818[15] : i32 from vector<16xi32>
          %get3A_820 = arith.constant 0 : i32
          %get3A_821 = arith.index_cast %get3A_820 : i32 to index
          %get3A_822 = memref.load %arg16[%get3A_821] : memref<8xi32, #tpu.memory_space<smem>>
          %broadcast_in_dim3A_823 = arith.constant true
          %broadcast_in_dim3A_824 = vector.broadcast %broadcast_in_dim3A_823 : i1 to vector<16xi1>
          %masked_cumsum3A = tpu.scan <sum>, %convert_element_type3A_815 masked %broadcast_in_dim3A_824 : vector<16xi32>, vector<16xi1> -> vector<16xi32>
          %add3A_825 = vector.broadcast %get3A_822 : i32 to vector<16xi32>
          %add3A_826 = arith.addi %add3A_825, %masked_cumsum3A : vector<16xi32>
          %sub3A_827 = arith.constant 1 : i32
          %sub3A_828 = vector.broadcast %sub3A_827 : i32 to vector<16xi32>
          %sub3A_829 = arith.subi %add3A_826, %sub3A_828 : vector<16xi32>
          %jit3A_830 = arith.constant 0 : i32
          %jit3A_831 = arith.constant 159 : i32
          %max3A = vector.broadcast %jit3A_830 : i32 to vector<16xi32>
          %max3A_832 = arith.maxsi %max3A, %sub3A_829 : vector<16xi32>
          %min3A_833 = vector.broadcast %jit3A_831 : i32 to vector<16xi32>
          %min3A_834 = arith.minsi %min3A_833, %max3A_832 : vector<16xi32>
          %sub3A_835 = vector.broadcast %mul3A_761 : i32 to vector<16xi32>
          %sub3A_836 = arith.subi %get3A_806, %sub3A_835 : vector<16xi32>
          %jit3A_837 = arith.constant 0 : i32
          %jit3A_838 = arith.constant 255 : i32
          %max3A_839 = vector.broadcast %jit3A_837 : i32 to vector<16xi32>
          %max3A_840 = arith.maxsi %max3A_839, %sub3A_836 : vector<16xi32>
          %min3A_841 = vector.broadcast %jit3A_838 : i32 to vector<16xi32>
          %min3A_842 = arith.minsi %min3A_841, %max3A_840 : vector<16xi32>
          tpu.vector_store_idx %arg15[%min3A_834], %get3A_808 masked %and3A_814 : memref<160xi32, #tpu.memory_space<vmem>>[vector<16xi32>], vector<16xi32>, vector<16xi1>
          %scan3A_843 = arith.constant 0 : i32
          %scan3A_844 = arith.constant 64 : i32
          %scan3A_845 = arith.addi %scan3A_843, %scan3A_844 : i32
          %scan3A_846 = arith.constant 1 : i32
          scf.for %scan3A_873 = %scan3A_843 to %scan3A_845 step %scan3A_846  : i32 {
            %mul3A_874 = arith.constant 1 : i32
            %mul3A_875 = arith.muli %scan3A_873, %mul3A_874 : i32
            %add3A_876 = arith.constant 0 : i32
            %add3A_877 = arith.addi %add3A_876, %mul3A_875 : i32
            %broadcast_in_dim3A_878 = arith.constant 0 : i32
            %broadcast_in_dim3A_879 = vector.broadcast %broadcast_in_dim3A_878 : i32 to vector<16xi32>
            %add3A_880 = vector.broadcast %add3A_877 : i32 to vector<16xi32>
            %add3A_881 = arith.addi %broadcast_in_dim3A_879, %add3A_880 : vector<16xi32>
            %gather3A = tpu.vector_load_idx %arg13[%add3A_881, %min3A_842] masked %and3A_814 : memref<64x256xf32, #tpu.memory_space<vmem>>[vector<16xi32>, vector<16xi32>], vector<16xf32>, vector<16xi1>
            tpu.vector_store_idx %arg14[%min3A_834, %add3A_881], %gather3A masked %and3A_814 : memref<160x128xf32, #tpu.memory_space<vmem>>[vector<16xi32>, vector<16xi32>], vector<16xf32>, vector<16xi1>
          }
          %scan3A_847 = arith.constant 64 : i32
          %add3A_848 = arith.addi %get3A_822, %reduce_sum3A_819 : i32
          %swap3A_849 = arith.constant 0 : i32
          %swap3A_850 = arith.index_cast %swap3A_849 : i32 to index
          %swap3A_851 = memref.load %arg16[%swap3A_850] : memref<8xi32, #tpu.memory_space<smem>>
          memref.store %add3A_848, %arg16[%swap3A_850] : memref<8xi32, #tpu.memory_space<smem>>
          %gt3A = arith.constant 144 : i32
          %gt3A_852 = arith.cmpi sgt, %add3A_848, %gt3A : i32
          %convert_element_type3A_853 = arith.extui %gt3A_852 : i1 to i32
          %cond3A_854 = arith.constant 0 : i32
          %cond3A_855 = arith.cmpi ne, %convert_element_type3A_853, %cond3A_854 : i32
          scf.if %cond3A_855 {
            %dma_start3A_873 = arith.constant 0 : i32
            %dma_start3A_874 = arith.constant 0 : i32
            %dma_start3A_875 = tpu.memref_slice %arg6[%dma_start3A_873, %dma_start3A_874] : memref<12448x128xf32, #tpu.memory_space<hbm>> -> memref<12448x128xf32, #tpu.memory_space<hbm>>
            tpu.enqueue_indirect_dma source(%arg14 : memref<160x128xf32, #tpu.memory_space<vmem>>) target(%dma_start3A_875 : memref<12448x128xf32, #tpu.memory_space<hbm>>) offsets(%arg15 : memref<160xi32, #tpu.memory_space<vmem>>) semaphore(%arg22 : memref<!tpu.dma_semaphore, #tpu.memory_space<semaphore_mem>>)
            %dma_wait3A_876 = arith.constant 0 : i32
            %dma_wait3A_877 = arith.constant 0 : i32
            %dma_wait3A_878 = tpu.memref_slice %arg6[%dma_wait3A_876, %dma_wait3A_877] : memref<12448x128xf32, #tpu.memory_space<hbm>> -> memref<12448x128xf32, #tpu.memory_space<hbm>>
            tpu.wait_indirect_dma semaphore(%arg22 : memref<!tpu.dma_semaphore, #tpu.memory_space<semaphore_mem>>) src(%arg14 : memref<160x128xf32, #tpu.memory_space<vmem>>) dst(%dma_wait3A_878 : memref<12448x128xf32, #tpu.memory_space<hbm>>)
            %scan3A_879 = arith.constant 0 : i32
            %scan3A_880 = arith.constant 10 : i32
            %scan3A_881 = arith.addi %scan3A_879, %scan3A_880 : i32
            %scan3A_882 = arith.constant 1 : i32
            scf.for %scan3A_888 = %scan3A_879 to %scan3A_881 step %scan3A_882  : i32 {
              %mul3A_889 = arith.constant 1 : i32
              %mul3A_890 = arith.muli %scan3A_888, %mul3A_889 : i32
              %add3A_891 = arith.constant 0 : i32
              %add3A_892 = arith.addi %add3A_891, %mul3A_890 : i32
              %mul3A_893 = arith.constant 16 : i32
              %mul3A_894 = arith.muli %add3A_892, %mul3A_893 : i32
              %add3A_895 = arith.constant 12288 : i32
              %add3A_896 = arith.addi %add3A_895, %mul3A_894 : i32
              %add3A_897 = vector.broadcast %add3A_896 : i32 to vector<16xi32>
              %add3A_898 = arith.addi %add3A_897, %iota3A : vector<16xi32>
              %mul3A_899 = arith.constant 16 : i32
              %mul3A_900 = arith.muli %add3A_892, %mul3A_899 : i32
              %swap3A_901 = arith.index_cast %mul3A_900 : i32 to index
              %swap3A_902 = tpu.vector_load %arg15[%swap3A_901] {strides = array<i32>} : memref<160xi32, #tpu.memory_space<vmem>>, vector<16xi32>,
              tpu.vector_store %arg15[%swap3A_901], %add3A_898 {strides = array<i32>} : memref<160xi32, #tpu.memory_space<vmem>>, vector<16xi32>,
            }
            %scan3A_883 = arith.constant 10 : i32
            %swap3A_884 = arith.constant 0 : i32
            %swap3A_885 = arith.constant 0 : i32
            %swap3A_886 = arith.index_cast %swap3A_885 : i32 to index
            %swap3A_887 = memref.load %arg16[%swap3A_886] : memref<8xi32, #tpu.memory_space<smem>>
            memref.store %swap3A_884, %arg16[%swap3A_886] : memref<8xi32, #tpu.memory_space<smem>>
          } else {
          }
          %ge3A_856 = vector.broadcast %add3A_763 : i32 to vector<16xi32>
          %ge3A_857 = arith.cmpi sge, %get3A_806, %ge3A_856 : vector<16xi32>
          %jit3A_858 = arith.constant 1 : i32
          %jit3A_859 = arith.constant 0 : i32
          %broadcast_in_dim3A_860 = vector.broadcast %jit3A_858 : i32 to vector<16xi32>
          %broadcast_in_dim3A_861 = vector.broadcast %jit3A_859 : i32 to vector<16xi32>
          %select_n3A_862 = arith.select %ge3A_857, %broadcast_in_dim3A_860, %broadcast_in_dim3A_861 : vector<16xi1>, vector<16xi32>
          %reduce_sum3A_863 = arith.constant true
          %reduce_sum3A_864 = vector.broadcast %reduce_sum3A_863 : i1 to vector<16xi1>
          %reduce_sum3A_865 = tpu.scan <sum>, %select_n3A_862 masked %reduce_sum3A_864 : vector<16xi32>, vector<16xi1> -> vector<16xi32>
          %reduce_sum3A_866 = vector.extract %reduce_sum3A_865[15] : i32 from vector<16xi32>
          %add3A_867 = arith.addi %while3A_777, %reduce_sum3A_819 : i32
          %gt3A_868 = arith.constant 0 : i32
          %gt3A_869 = arith.cmpi sgt, %reduce_sum3A_866, %gt3A_868 : i32
          %jit3A_870 = arith.constant 1 : i32
          %jit3A_871 = arith.constant 0 : i32
          %select_n3A_872 = arith.select %gt3A_869, %jit3A_870, %jit3A_871 : i32
          scf.yield %add3A_867, %select_n3A_872 : i32, i32
        }
        %swap3A_768 = arith.constant 1 : i32
        %swap3A_769 = arith.index_cast %swap3A_768 : i32 to index
        %swap3A_770 = memref.load %arg16[%swap3A_769] : memref<8xi32, #tpu.memory_space<smem>>
        memref.store %while3A_767#0, %arg16[%swap3A_769] : memref<8xi32, #tpu.memory_space<smem>>
        %add3A_771 = arith.constant 5 : i32
        %add3A_772 = arith.addi %add3A_746, %add3A_771 : i32
        %lt3A_773 = arith.cmpi slt, %add3A_772, %add3A_9 : i32
        %convert_element_type3A_774 = arith.extui %lt3A_773 : i1 to i32
        %cond3A_775 = arith.constant 0 : i32
        %cond3A_776 = arith.cmpi ne, %convert_element_type3A_774, %cond3A_775 : i32
        scf.if %cond3A_776 {
          %add3A_777 = arith.constant 5 : i32
          %add3A_778 = arith.addi %add3A_746, %add3A_777 : i32
          %mul3A_779 = arith.constant 256 : i32
          %mul3A_780 = arith.muli %add3A_778, %mul3A_779 : i32
          %multiple_of3A = tpu.assume_multiple %mul3A_780, 256 : i32
          %eq3A_781 = arith.constant 3906 : i32
          %eq3A_782 = arith.cmpi eq, %add3A_778, %eq3A_781 : i32
          %not3A_783 = arith.constant true
          %not3A_784 = arith.xori %eq3A_782, %not3A_783 : i1
          %convert_element_type3A_785 = arith.extui %not3A_784 : i1 to i32
          %cond3A_786 = arith.constant 0 : i32
          %cond3A_787 = arith.cmpi ne, %convert_element_type3A_785, %cond3A_786 : i32
          scf.if %cond3A_787 {
            %dma_start3A_791 = arith.constant 0 : i32
            %dma_start3A_792 = tpu.memref_slice %arg2[%dma_start3A_791, %multiple_of3A] : memref<64x1000000xf32, #tpu.memory_space<hbm>> -> memref<64x256xf32, #tpu.memory_space<hbm>>
            %dma_start3A_793 = arith.constant 0 : i32
            %dma_start3A_794 = tpu.memref_slice %arg2[%dma_start3A_793, %multiple_of3A] : memref<64x1000000xf32, #tpu.memory_space<hbm>> -> memref<64x256xf32, #tpu.memory_space<hbm>>
            tpu.enqueue_dma source(%dma_start3A_794 : memref<64x256xf32, #tpu.memory_space<hbm>>) target(%arg13 : memref<64x256xf32, #tpu.memory_space<vmem>>) target_semaphore(%arg21 : memref<!tpu.dma_semaphore, #tpu.memory_space<semaphore_mem>>)
          } else {
          }
          %convert_element_type3A_788 = arith.extui %eq3A_782 : i1 to i32
          %cond3A_789 = arith.constant 0 : i32
          %cond3A_790 = arith.cmpi ne, %convert_element_type3A_788, %cond3A_789 : i32
          scf.if %cond3A_790 {
            %dma_start3A_791 = arith.constant 0 : i32
            %dma_start3A_792 = arith.constant 0 : i32
            %dma_start3A_793 = tpu.memref_slice %arg13[%dma_start3A_791, %dma_start3A_792] : memref<64x256xf32, #tpu.memory_space<vmem>> -> memref<64x128xf32, #tpu.memory_space<vmem>>
            %dma_start3A_794 = arith.constant 0 : i32
            %dma_start3A_795 = arith.constant 0 : i32
            %dma_start3A_796 = tpu.memref_slice %arg13[%dma_start3A_794, %dma_start3A_795] : memref<64x256xf32, #tpu.memory_space<vmem>> -> memref<64x128xf32, #tpu.memory_space<vmem>>
            tpu.enqueue_dma source(%arg3 : memref<64x128xf32, #tpu.memory_space<hbm>>) target(%dma_start3A_796 : memref<64x128xf32, #tpu.memory_space<vmem>>) target_semaphore(%arg21 : memref<!tpu.dma_semaphore, #tpu.memory_space<semaphore_mem>>)
          } else {
          }
        } else {
        }
      } else {
      }
    }
    %scan3A_703 = arith.constant 25 : i32
    %dma_start3A = arith.constant 0 : i32
    %dma_start3A_704 = arith.constant 0 : i32
    %dma_start3A_705 = tpu.memref_slice %arg6[%dma_start3A, %dma_start3A_704] : memref<12448x128xf32, #tpu.memory_space<hbm>> -> memref<12448x128xf32, #tpu.memory_space<hbm>>
    tpu.enqueue_indirect_dma source(%arg14 : memref<160x128xf32, #tpu.memory_space<vmem>>) target(%dma_start3A_705 : memref<12448x128xf32, #tpu.memory_space<hbm>>) offsets(%arg15 : memref<160xi32, #tpu.memory_space<vmem>>) semaphore(%arg22 : memref<!tpu.dma_semaphore, #tpu.memory_space<semaphore_mem>>)
    %dma_wait3A = arith.constant 0 : i32
    %dma_wait3A_706 = arith.constant 0 : i32
    %dma_wait3A_707 = tpu.memref_slice %arg6[%dma_wait3A, %dma_wait3A_706] : memref<12448x128xf32, #tpu.memory_space<hbm>> -> memref<12448x128xf32, #tpu.memory_space<hbm>>
    tpu.wait_indirect_dma semaphore(%arg22 : memref<!tpu.dma_semaphore, #tpu.memory_space<semaphore_mem>>) src(%arg14 : memref<160x128xf32, #tpu.memory_space<vmem>>) dst(%dma_wait3A_707 : memref<12448x128xf32, #tpu.memory_space<hbm>>)
    %scan3A_708 = arith.constant 0 : i32
    %scan3A_709 = arith.constant 10 : i32
    %scan3A_710 = arith.addi %scan3A_708, %scan3A_709 : i32
    %scan3A_711 = arith.constant 1 : i32
    scf.for %scan3A_713 = %scan3A_708 to %scan3A_710 step %scan3A_711  : i32 {
      %mul3A_714 = arith.constant 1 : i32
      %mul3A_715 = arith.muli %scan3A_713, %mul3A_714 : i32
      %add3A_716 = arith.constant 0 : i32
      %add3A_717 = arith.addi %add3A_716, %mul3A_715 : i32
      %mul3A_718 = arith.constant 16 : i32
      %mul3A_719 = arith.muli %add3A_717, %mul3A_718 : i32
      %add3A_720 = arith.constant 12288 : i32
      %add3A_721 = arith.addi %add3A_720, %mul3A_719 : i32
      %add3A_722 = vector.broadcast %add3A_721 : i32 to vector<16xi32>
      %add3A_723 = arith.addi %add3A_722, %iota3A : vector<16xi32>
      %mul3A_724 = arith.constant 16 : i32
      %mul3A_725 = arith.muli %add3A_717, %mul3A_724 : i32
      %swap3A_726 = arith.index_cast %mul3A_725 : i32 to index
      %swap3A_727 = tpu.vector_load %arg15[%swap3A_726] {strides = array<i32>} : memref<160xi32, #tpu.memory_space<vmem>>, vector<16xi32>,
      tpu.vector_store %arg15[%swap3A_726], %add3A_723 {strides = array<i32>} : memref<160xi32, #tpu.memory_space<vmem>>, vector<16xi32>,
    }
    %scan3A_712 = arith.constant 10 : i32
    return
  }
}

module attributes {stable_mosaic.version = 14 : i64} {
  func.func @_loss_body(%arg0: i32, %arg1: memref<64x256xf32, #tpu.memory_space<vmem>>, %arg2: memref<8192x128xf32, #tpu.memory_space<vmem>>, %arg3: memref<256x128xf32, #tpu.memory_space<vmem>>, %arg4: memref<256x1xf32, #tpu.memory_space<vmem>>) attributes {dimension_semantics = [#tpu.dimension_semantics<arbitrary>], iteration_bounds = array<i64: 16>, scalar_prefetch = 0 : i64, scratch_operands = 0 : i64, tpu.core_type = #tpu.core_type<tc>, window_params = [{transform_indices = @transform_0, window_bounds = array<i64: 64, 256>}, {transform_indices = @transform_1, window_bounds = array<i64: 8192, 128>}, {transform_indices = @transform_2, window_bounds = array<i64: 256, 128>}, {transform_indices = @transform_3, window_bounds = array<i64: 256, 1>}]} {
    %get3A = arith.constant 0 : index
    %get3A_0 = arith.constant 0 : index
    %get3A_1 = vector.load %arg1[%get3A, %get3A_0] : memref<64x256xf32, #tpu.memory_space<vmem>>, vector<64x256xf32>
    %get3A_2 = arith.constant 0 : index
    %get3A_3 = arith.constant 0 : index
    %get3A_4 = vector.load %arg2[%get3A_2, %get3A_3] : memref<8192x128xf32, #tpu.memory_space<vmem>>, vector<8192x128xf32>
    %slice3A = vector.extract_strided_slice %get3A_4 {offsets = [0, 0], sizes = [8192, 64], strides = [1, 1]} : vector<8192x128xf32> to vector<8192x64xf32>
    %get3A_5 = arith.constant 0 : index
    %get3A_6 = arith.constant 0 : index
    %get3A_7 = vector.load %arg3[%get3A_5, %get3A_6] : memref<256x128xf32, #tpu.memory_space<vmem>>, vector<256x128xf32>
    %slice3A_8 = vector.extract_strided_slice %get3A_7 {offsets = [0, 0], sizes = [256, 64], strides = [1, 1]} : vector<256x128xf32> to vector<256x64xf32>
    %dot_general3A = arith.constant dense<0.000000e+00> : vector<256x8192xf32>
    %dot_general3A_9 = tpu.matmul %get3A_1, %slice3A, %dot_general3A {dimension_numbers = #tpu.dot_dimension_numbers<[0], [1], [1], [0], [0, 1, 1, 0], [], []>, transpose_lhs_hint = false} : vector<64x256xf32>, vector<8192x64xf32>, vector<256x8192xf32> -> vector<256x8192xf32>
    %exp3A = math.exp %dot_general3A_9 : vector<256x8192xf32>
    %reduce_sum3A = arith.constant dense<0.000000e+00> : vector<256xf32>
    %reduce_sum3A_10 = vector.multi_reduction <add>, %exp3A, %reduce_sum3A [1] : vector<256x8192xf32> to vector<256xf32>
    %broadcast_in_dim3A = vector.shape_cast %reduce_sum3A_10 : vector<256xf32> to vector<256x1xf32>
    %transpose3A = tpu.transpose %get3A_1, [1, 0] : vector<64x256xf32> -> vector<256x64xf32>
    %mul3A = arith.mulf %transpose3A, %slice3A_8 : vector<256x64xf32>
    %reduce_sum3A_11 = arith.constant dense<0.000000e+00> : vector<256xf32>
    %reduce_sum3A_12 = vector.multi_reduction <add>, %mul3A, %reduce_sum3A_11 [1] : vector<256x64xf32> to vector<256xf32>
    %broadcast_in_dim3A_13 = vector.shape_cast %reduce_sum3A_12 : vector<256xf32> to vector<256x1xf32>
    %log3A = math.log %broadcast_in_dim3A : vector<256x1xf32>
    %sub3A = arith.subf %log3A, %broadcast_in_dim3A_13 : vector<256x1xf32>
    %swap3A = arith.constant 0 : index
    %swap3A_14 = arith.constant 0 : index
    %swap3A_15 = vector.load %arg4[%swap3A, %swap3A_14] : memref<256x1xf32, #tpu.memory_space<vmem>>, vector<256x1xf32>
    tpu.vector_store %arg4[%swap3A, %swap3A_14], %sub3A {strides = array<i32>} : memref<256x1xf32, #tpu.memory_space<vmem>>, vector<256x1xf32>,
    return
  }
  func.func @transform_0(%arg0: i32) -> (i32, i32) {
    %c0_i32 = arith.constant 0 : i32
    %c0_i32_0 = arith.constant 0 : i32
    return %c0_i32, %arg0 : i32, i32
  }
  func.func @transform_1(%arg0: i32) -> (i32, i32) {
    %c0_i32 = arith.constant 0 : i32
    %c0_i32_0 = arith.constant 0 : i32
    %c0_i32_1 = arith.constant 0 : i32
    return %c0_i32, %c0_i32_0 : i32, i32
  }
  func.func @transform_2(%arg0: i32) -> (i32, i32) {
    %add3A = arith.constant 32 : i32
    %add3A_0 = arith.addi %arg0, %add3A : i32
    %c0_i32 = arith.constant 0 : i32
    %c0_i32_1 = arith.constant 0 : i32
    return %add3A_0, %c0_i32 : i32, i32
  }
  func.func @transform_3(%arg0: i32) -> (i32, i32) {
    %c0_i32 = arith.constant 0 : i32
    %c0_i32_0 = arith.constant 0 : i32
    return %arg0, %c0_i32 : i32, i32
  }
}

</mosaic_0001>

<sc_bundles>
// kernel: kernel.4.cloned.1.call-start
scs
__scs_entry_jumppad:
0x0: {  	(pc) =	sbr.rel $0x88, $3  }
0x1: {  	(tag) =	ssettag $0x0;
	lr =	simm.s32 $0x1  }
0x2: {  	[smem:$0x3F9D] =	sst lr;
	_ =	strace $0xD0000000  }
0x3: {  	_ = 	snop  }
0x4: {  	_ = 	snop  }
0x5: {  	_ = 	snop  }
0x6: {  	_ = 	snop  }
0x7: {  	_ = 	snop  }
__scs_overlays_trampoline_lowered:
0x8: {  	[smem:$0x3FAC] =	sst s0  }
0x9: {  	[smem:$0x3FAD] =	sst s1  }
0xa: {  	[smem:$0x3FAE] =	sst s2  }
0xb: {  	[smem:$0x3FAF] =	sst s3  }
0xc: {  	[smem:$0x3FB0] =	sst s4  }
0xd: {  	[smem:$0x3FB1] =	sst s5  }
0xe: {  	[smem:$0x3FB2] =	sst s6  }
0xf: {  	[smem:$0x3FB3] =	sst s7  }
0x10: {  	[smem:$0x3FB4] =	sst s8  }
0x11: {  	[smem:$0x3FB5] =	sst s9;
	s0 =	simm.s32 @!p0 $0x0  }
0x12: {  	s1 =	sld [smem:$0x3F9B];
	s0 =	simm.s32 @p0 $0x1  }
0x13: {  	[smem:$0x3FB6] =	sst s0;
	s0 =	simm.s32 @!p1 $0x0  }
0x14: {  	s2 =	sld [smem:$0x3F9A];
	s0 =	simm.s32 @p1 $0x1  }
0x15: {  	[smem:$0x3FB7] =	sst s0;
	s0 =	simm.s32 @!p2 $0x0  }
0x16: {  	s3 =	sld [smem:$0x3FDB];
	s0 =	simm.s32 @p2 $0x1  }
0x17: {  	s4 =	simm.s32 $0x1BF5;
	[smem:$0x3FB9] =	sst s0  }
0x18: {  	s0 =	sld [smem:$0x3F9C];
	_ =	swait.ge [sflag:s4], $0x0  }
0x19: {  	s7 =	sld [smem:$0x3F9D]  }
0x1a: {  	s8 =	sadd.s32 $0xFFFFE003, lr  }
0x1b: {  	s9 =	sadd.s32 $0xFFFFFEF7, lr;
	s5 =	simm.s32 $0xFFFFFFFF;
	p2 =	slt.u32 s8, $0xFFFFF086  }
0x1c: {  	p1 =	slt.u32 s9, $0xF7A;
	s5 =	simm.s32 @!p2 $0x0  }
0x1d: {  	s5 =	simm.s32 @p1 $0x1;
	p0 =	seq.s32 s7, s2  }
0x1e: {  	s7 =	smul.u32 @!p0 $0xF7A, s2;
	p2 =	seq.s32 @!p0 s5, $0x0  }
0x1f: {  	s9 =	smul.u32 $0xF7A, s1;
	s8 =	simm.s32 @!p0 $0x1BF5;
	p2 =	por !p2, p0  }
0x20: {  	[sflag:s8] =	ssyncset.s32 @!p0 $0xFFFFF086;
	s6 =	sadd.s32 @!p0 s3, s7;
	s7 =	simm.s32 @!p0 $0x108  }
0x21: {  	s3 =	sadd.s32 s3, s9;
	s6 =	sadd.s32 @!p0 $0x88, s6;
	s7 =	simm.s32 @p2 $0x1082  }
0x22: {  	[simem:s7], [sflag:s8] =	dma.local @!p0 [hbm:s6], $0xF7A  }
0x23: {  	s9 =	sor.u32 $0xD0000000, s2;
	s6 =	simm.s32 $0x108;
	_ =	swait.ge @!p0 [sflag:s8], $0x0  }
0x24: {  	s3 =	sadd.s32 $0x88, s3;
	s6 =	simm.s32 @!p1 $0x1082;
	[sflag:s4] =	ssyncset.s32 $0xFFFFF086  }
0x25: {  	[simem:s6], [sflag:s4] =	dma.local [hbm:s3], $0xF7A  }
0x26: {  	[smem:$0x3F9D] =	sst s1;
	(tag) =	ssettag s2;
	_ =	strace s9  }
0x27: {  	s1 =	sld [smem:$0x3FAD]  }
0x28: {  	s2 =	sld [smem:$0x3FAE]  }
0x29: {  	s4 =	sld [smem:$0x3FB0]  }
0x2a: {  	p0 =	seq.s32 s5, $0x0;
	s5 =	sld [smem:$0x3FB1]  }
0x2b: {  	s6 =	sld [smem:$0x3FB2]  }
0x2c: {  	s7 =	sld [smem:$0x3FB3]  }
0x2d: {  	s3 =	simm.s32 $0x108;
	s8 =	sld [smem:$0x3FB4]  }
0x2e: {  	s3 =	simm.s32 @!p0 $0x1082;
	s9 =	sld [smem:$0x3FB5]  }
0x2f: {  	lr =	sadd.s32 s0, s3;
	s0 =	sld [smem:$0x3FAC]  }
0x30: {  	s3 =	sld [smem:$0x3FAF]  }
0x31: {  	[smem:$0x3FB8] =	sst s10  }
0x32: {  	s10 =	sld [smem:$0x3FB6];
	_ =	sdelay $0x3  }
0x33: {  	p0 =	seq.s32 s10, $0x1;
	s10 =	sld [smem:$0x3FB8];
	_ =	sdelay $0x3  }
0x34: {  	[smem:$0x3FB8] =	sst s10  }
0x35: {  	s10 =	sld [smem:$0x3FB7];
	_ =	sdelay $0x3  }
0x36: {  	p1 =	seq.s32 s10, $0x1;
	s10 =	sld [smem:$0x3FB8];
	_ =	sdelay $0x3  }
0x37: {  	[smem:$0x3FB8] =	sst s10  }
0x38: {  	s10 =	sld [smem:$0x3FB9]  }
0x39: {  	_ = 	snop;
	(pc) =	sbr.ind lr, $3  }
0x3a: {  	_ = 	snop  }
0x3b: {  	_ = 	snop  }
0x3c: {  	p2 =	seq.s32 s10, $0x1;
	s10 =	sld [smem:$0x3FB8]  }
0x3d: {  	_ =	shalt  }
0x3e: {  	_ =	shalt  }
0x3f: {  	_ =	shalt  }
0x40: {  	_ =	shalt  }
0x41: {  	_ =	shalt  }
0x42: {  	_ =	shalt  }
0x43: {  	_ =	shalt  }
0x44: {  	_ =	shalt  }
0x45: {  	_ =	shalt  }
0x46: {  	_ =	shalt  }
0x47: {  	_ =	shalt  }
0x48: {  	_ =	shalt  }
0x49: {  	_ =	shalt  }
0x4a: {  	_ =	shalt  }
0x4b: {  	_ =	shalt  }
0x4c: {  	_ =	shalt  }
0x4d: {  	_ =	shalt  }
0x4e: {  	_ =	shalt  }
0x4f: {  	_ =	shalt  }
0x50: {  	_ =	shalt  }
0x51: {  	_ =	shalt  }
0x52: {  	_ =	shalt  }
0x53: {  	_ =	shalt  }
0x54: {  	_ =	shalt  }
0x55: {  	_ =	shalt  }
0x56: {  	_ =	shalt  }
0x57: {  	_ =	shalt  }
0x58: {  	_ =	shalt  }
0x59: {  	_ =	shalt  }
0x5a: {  	_ =	shalt  }
0x5b: {  	_ =	shalt  }
0x5c: {  	_ =	shalt  }
0x5d: {  	_ =	shalt  }
0x5e: {  	_ =	shalt  }
0x5f: {  	_ =	shalt  }
0x60: {  	_ =	shalt  }
0x61: {  	_ =	shalt  }
0x62: {  	_ =	shalt  }
0x63: {  	_ =	shalt  }
0x64: {  	_ =	shalt  }
0x65: {  	_ =	shalt  }
0x66: {  	_ =	shalt  }
0x67: {  	_ =	shalt  }
0x68: {  	_ =	shalt  }
0x69: {  	_ =	shalt  }
0x6a: {  	_ =	shalt  }
0x6b: {  	_ =	shalt  }
0x6c: {  	_ =	shalt  }
0x6d: {  	_ =	shalt  }
0x6e: {  	_ =	shalt  }
0x6f: {  	_ =	shalt  }
0x70: {  	_ =	shalt  }
0x71: {  	_ =	shalt  }
0x72: {  	_ =	shalt  }
0x73: {  	_ =	shalt  }
0x74: {  	_ =	shalt  }
0x75: {  	_ =	shalt  }
0x76: {  	_ =	shalt  }
0x77: {  	_ =	shalt  }
0x78: {  	_ =	shalt  }
0x79: {  	_ =	shalt  }
0x7a: {  	_ =	shalt  }
0x7b: {  	_ =	shalt  }
0x7c: {  	_ =	shalt  }
0x7d: {  	_ =	shalt  }
0x7e: {  	_ =	shalt  }
0x7f: {  	_ =	shalt  }
0x80: {  	_ =	shalt  }
0x81: {  	_ =	shalt  }
0x82: {  	_ =	shalt  }
0x83: {  	_ =	shalt  }
0x84: {  	_ =	shalt  }
0x85: {  	_ =	shalt  }
0x86: {  	_ =	shalt  }
0x87: {  	_ =	shalt  }
.Lfunc_end0:
.L_simem_size_0:
called_computation_lowered:
.L_overlay_start_0:
0x88: {  	s2 =	sld [smem:$0x3FD9]  }
0x89: {  	s3 =	sld [smem:$0x3FFE];
	_ =	sdelay $0x1  }
0x8a: {  	s1 =	srdreg.scid  }
0x8b: {  	s0 =	sand.u32 $0x1, s1  }
0x8c: {  	s17 =	sshll.u32 s0, $0xA;
	s2 =	sadd.s32 s3, s2  }
0x8d: {  	s2 =	sadd.s32 s2, s17  }
0x8e: {  	[smem:$0x3FC4] =	sst s2  }
0x8f: {  	_ = 	snop  }
0x90: {  	s2 =	sld [smem:$0x3FC6];
	(tm) =	ssettm $0x1  }
0x91: {  	s18 =	sld [smem:$0x3FFB];
	_ =	sdelay $0x3  }
0x92: {  	_ =	strace s18  }
0x93: {  	s3 =	sld [smem:$0x3FFC];
	_ =	sdelay $0x3  }
0x94: {  	_ =	strace s3  }
0x95: {  	s3 =	sld [smem:$0x3FFD];
	_ =	sdelay $0x3  }
0x96: {  	_ =	strace s3  }
0x97: {  	_ =	strace $0x8FFFFFFF  }
0x98: {  	s19 =	sld [smem:$0x3FDB];
	_ =	sdelay $0x1  }
0x99: {  	s4 =	simm.s32 $_scs_section_size  }
0x9a: {  	s5 =	simm.s32 $_size__tile_overlayer_lowered;
	s6 =	simm.s32 $_tile_overlayer_lowered  }
0x9b: {  	s22 =	simm.s32 $0x1BFF;
	s21 =	sshll.u32 s6, $0x1;
	s3 =	sadd.s32 s4, s19  }
0x9c: {  	s7 =	simm.s32 $0x0;
	s20 =	sshll.u32 s5, $0x1;
	s5 =	sadd.s32 s21, s3  }
0x9d: {  	[timem:s7], [sflag:s22] =	dma.local [hbm:s5], s20  }
0x9e: {  	_ =	swait.ge [sflag:s22], s20  }
0x9f: {  	s4 =	ssub.s32 $0x0, s20;
	[sflag:s22] =	ssyncset.done $0x0  }
0xa0: {  	[sflag:s22] =	ssyncadd.s32 s4;
	_ =	sdelay $0x1  }
0xa1: {  	s23 =	simm.s32 $0x1B8B  }
0xa2: {  	_ =	swait.ge [sflag:s23], $0x1  }
0xa3: {  	[sflag:s23] =	ssyncset.done $0x0  }
0xa4: {  	s25 =	simm.s32 $0x1B8E;
	s24 =	sld [smem:$0x3FFE];
	[sflag:s23] =	ssyncadd.s32 $0xFFFFFFFF  }
0xa5: {  	s26 =	simm.s32 $execute0_lowered;
	[smem:$0x3FD2] =	sst s25  }
0xa6: {  	s5 =	sshll.u32 s26, $0x1;
	_ =	strace $0x80000046;
	[dreg:$0x1] =	wrdreg $0xFFFFFFFF  }
0xa7: {  	s28 =	simm.s32 $_size_execute0_lowered;
	s3 =	sadd.s32 s3, s5;
	[dreg:$0x0] =	wrdreg $0x0  }
0xa8: {  	s5 =	sshll.u32 s28, $0x1;
	[dreg:$0x2] =	wrdreg s3  }
0xa9: {  	[dreg:$0x3] =	wrdreg s5  }
0xaa: {  	[dreg:$0x4] =	wrdreg $0xC0  }
0xab: {  	_ =	task [dreg:s7], $0x5FFFF  }
0xac: {  	[dreg:$0x1] =	wrdreg $0xFFFFFFFF  }
0xad: {  	[dreg:$0x0] =	wrdreg $0x60  }
0xae: {  	[dreg:$0x2] =	wrdreg s2  }
0xaf: {  	[dreg:$0x3] =	wrdreg s24  }
0xb0: {  	[dreg:$0x4] =	wrdreg $0x9  }
0xb1: {  	_ =	task.clear_ibuf [dreg:s7], $0x5FFFF;
	_ =	strace $0x90000046  }
0xb2: {  	s29 =	simm.s32 $0x9;
	_ =	strace $0x80000048  }
0xb3: {  	_ =	swait.ge [sflag:s29], $0x1  }
0xb4: {  	[sflag:s29] =	ssyncadd.s32 $0xFFFFFFFF  }
0xb5: {  	_ =	strace $0x90000048  }
0xb6: {  	_ =	sfence  }
0xb7: {  	s30 =	sld [smem:$0x0];
	_ =	sdelay $0x2  }
0xb8: {  	s31 =	sshll.u32 s1, $0xD;
	s1 =	sshrl.u32 s1, $0x2  }
0xb9: {  	s3 =	sand.u32 $0x4000, s31;
	s1 =	sadd.s32 s1, s30  }
0xba: {  	s0 =	sor.u32 s3, s0;
	s1 =	sshll.u32 s1, $0x11  }
0xbb: {  	s0 =	sor.u32 s1, s0  }
0xbc: {  	s0 =	sadd.s32 $0x8F2B, s0  }
0xbd: {  	[sflag:s0] =	ssyncadd.remote.s32 $0x1  }
0xbe: {  	_ =	sfence.sel $0xFFFF  }
0xbf: {  	[dreg:$0x0] =	wrdreg $0xFFFFFFFF;
	(pc) =	sbr.abs _section_cstart, $3  }
0xc0: {  	[dreg:$0x1] =	wrdreg $0xFFFFFFFF  }
0xc1: {  	_ =	task.clear_ibuf [dreg:s7], $0x2FFFF;
	_ =	strace $0x9FFFFFFF  }
0xc2: {  	(tm) =	ssettm $0x7FFFFFFF  }
0xc3: {  	_ =	shalt  }
tec
execute0_lowered:
.L_overlay_start_1:
0x0: {  	(tag) =	ssettag $0x1  }
0x1: {  	s1 =	rddreg [dreg:$0x0]  }
0x2: {  	s3 =	rddreg [dreg:$0x1]  }
0x3: {  	s16 =	simm.s32 $0x0;
	s0 =	srdreg.scid;
	s2 =	stileid.u32  }
0x4: {  	s9 =	simm.s32 $0x1;
	s28 =	simm.s32 $0x1F100;
	s29 =	simm.s32 $0x6100  }
0x5: {  	s30 =	simm.s32 $0x1A100;
	s31 =	simm.s32 $0xA0;
	[smem:$0x7FF] =	sst s16  }
0x6: {  	s0 =	sand.u32 $0x1, s0;
	s2 =	sshll.u32 s2, $0x1;
	s4 =	sadd.s32 $0x400, s3  }
0x7: {  	s11 =	sadd.s32 $0xA00, s3;
	s7 =	sadd.s32 $0x1000, s3;
	s18 =	sadd.s32 $0x80, s3  }
0x8: {  	s19 =	sadd.s32 $0x100, s3;
	s20 =	sadd.s32 $0x180, s3;
	s21 =	sadd.s32 $0x200, s3  }
0x9: {  	s22 =	sadd.s32 $0x280, s3;
	_ =	strace $0x80000047;
	[dreg:$0x3] =	wrdreg s4  }
0xa: {  	s2 =	sor.u32 s0, s2;
	[dreg:$0x4] =	wrdreg s11;
	s0 =	ssub.s32 $0x2, s0  }
0xb: {  	s12 =	smul.u32 $0x7A, s2;
	s5 =	sshrl.u32 s0, $0x1;
	s6 =	smin.u32 s2, $0x3  }
0xc: {  	p0 =	slt.u32 s2, $0x3;
	s2 =	simm.s32 $0x1;
	s0 =	ssub.s32 s0, s5  }
0xd: {  	s2 =	simm.s32 @!p0 $0x0;
	s8 =	sadd.s32 s6, s12;
	s0 =	smax.u32 s0, $0x1  }
0xe: {  	s4 =	sadd.s32 $0x1, s8;
	s2 =	sadd.s32 s2, s8;
	s11 =	sshll.u32 s8, $0x8  }
0xf: {  	s17 =	sadd.s32 $0x2, s8;
	s6 =	sadd.s32 $0x3, s8;
	s12 =	sadd.s32 $0x4, s8  }
0x10: {  	[dreg:$0xa] =	wrdreg s0;
	s13 =	sshll.u32 s4, $0x8;
	s10 =	sadd.s32 $0x7A, s2  }
0x11: {  	s15 =	sadd.s32 s1, s11;
	s23 =	sshll.u32 s17, $0x8;
	s14 =	sand.u32 $0x1FFFFF00, s13  }
0x12: {  	[dreg:$0x5] =	wrdreg s15;
	s5 =	sand.u32 $0x1FFFFF00, s23;
	s13 =	sshll.u32 s6, $0x8  }
0x13: {  	p0 =	sge.u32 s4, s10;
	p1 =	sge.u32 s17, s10;
	s23 =	sadd.s32 $0x300, s3  }
0x14: {  	p2 =	sge.u32 s6, s10;
	p3 =	sge.u32 s12, s10;
	p4 =	sge.u32 s8, s10  }
0x15: {  	s6 =	simm.s32 $0x16100;
	s2 =	sadd.s32 s1, s14;
	s14 =	sshll.u32 s12, $0x8  }
0x16: {  	s5 =	sadd.s32 s1, s5;
	s24 =	sand.u32 $0x1FFFFF00, s13;
	[dreg:$0x6] =	wrdreg s2  }
0x17: {  	s0 =	simm.s32 @!p0 $0x0;
	s12 =	simm.s32 $0x0;
	[dreg:$0x7] =	wrdreg s5  }
0x18: {  	s25 =	sand.u32 $0x1FFFFF00, s14;
	s5 =	sadd.s32 s1, s24;
	s0 =	simm.s32 @p0 $0x1  }
0x19: {  	s24 =	sadd.s32 $0x380, s3;
	s2 =	simm.s32 $0xA100;
	[dreg:$0x8] =	wrdreg s5  }
0x1a: {  	s26 =	sadd.s32 s1, s25;
	[smem:$0x7FD] =	sst s0;
	s0 =	simm.s32 $0x6  }
0x1b: {  	v0 =	vlaneseq.u32;
	vm0 =	vmmov $0x7fff;
	v1 =	vimm.s32 $0x0;
	s5 =	simm.s32 $0x12100;
	[dreg:$0x9] =	wrdreg s26;
	s26 =	simm.s32 $0xE100  }
.LBB2_1:
0x1c: {  	[dreg:$0xb] =	wrdreg s12  }
0x1d: {  	s4 =	rddreg [dreg:$0x3];
	s15 =	simm.s32 $0x7  }
0x1e: {  	[tilespmem:s16], [sflag:$0x7] =	stream.linear.gather [hbm4b:s4+s16], $0x3000, $0x38;
	[tilespmem:$0x1F200] =	vst v63  }
0x1f: {  	_ =	swait.ge [sflag:s15], $0x3000  }
0x20: {  	[sflag:s15] =	ssyncset.done $0x0  }
0x21: {  	s13 =	simm.s32 $0x3080;
	s17 =	rddreg [dreg:$0x4];
	[sflag:s15] =	ssyncadd.s32 $0xFFFFD000  }
0x22: {  	[tilespmem:s13], [sflag:$0x7] =	stream.linear.gather [hbm4b:s17+s16], $0x3000, $0x38;
	[tilespmem:$0x1F200] =	vst v63  }
0x23: {  	_ =	swait.ge [sflag:s15], $0x3000  }
0x24: {  	s25 =	simm.s32 $0x3000;
	[sflag:s15] =	ssyncset.done $0x0  }
0x25: {  	v2 =	vor.u32 s25, v0;
	[sflag:s15] =	ssyncadd.s32 $0xFFFFD000  }
0x26: {  	s4 =	simm.s32 $0x3010;
	s13 =	simm.s32 $0x1F100;
	[tilespmem:s28+$0x0] =	vst v2  }
.LBB2_2:
0x27: {  	p5 =	sne.s32 s4, $0x3090  }
.Ltmp0:
0x28: {  	_ = 	snop;
	(pc) =	sbr.rel @p5 .LBB2_2-.Ltmp0, $3  }
0x29: {  	_ =	sdelay $0x1  }
0x2a: {  	v2 =	vor.u32 s4, v0;
	s4 =	sadd.s32 $0x10, s4;
	s13 =	sadd.s32 $0x10, s13  }
0x2b: {  	[tilespmem:s13+$0x0] =	vst v2  }
0x2c: {  	v2 =	vld [tilespmem:$0x1FF0];
	_ =	sdelay $0x4  }
0x2d: {  	v2 =	vsel vm0, $0x0, v2  }
0x2e: {  	(xrf0) =	vadd.scan.msk.s32 $0xffff, v2;
	_ =	sdelay $0x5  }
0x2f: {  	v2, _, _ =	vpop (xrf0)  }
0x30: {  	(v2sf) =	vpush v2, $0xF;
	_ =	sdelay $0xe  }
0x31: {  	s4 =	spop (v2sf)  }
0x32: {  	s13 =	simm.s32 $0x2000;
	p5 =	slt.s32 s4, s11  }
0x33: {  	s13 =	simm.s32 @!p5 $0x0  }
0x34: {  	v2 =	vld [tilespmem:s13+$0xFF0];
	_ =	sdelay $0x4  }
0x35: {  	v2 =	vsel vm0, $0x0, v2  }
0x36: {  	(xrf0) =	vadd.scan.msk.s32 $0xffff, v2;
	_ =	sdelay $0x5  }
0x37: {  	v2, _, _ =	vpop (xrf0)  }
0x38: {  	(v2sf) =	vpush v2, $0xF;
	_ =	sdelay $0xe  }
0x39: {  	s17 =	spop (v2sf)  }
0x3a: {  	s14 =	sor.u32 $0x1000, s13;
	p5 =	slt.s32 s17, s11  }
0x3b: {  	s13 =	smov.u32 @p5 s14  }
0x3c: {  	v2 =	vld [tilespmem:s13+$0x7F0];
	_ =	sdelay $0x4  }
0x3d: {  	v2 =	vsel vm0, $0x0, v2  }
0x3e: {  	(xrf0) =	vadd.scan.msk.s32 $0xffff, v2;
	_ =	sdelay $0x5  }
0x3f: {  	v2, _, _ =	vpop (xrf0)  }
0x40: {  	(v2sf) =	vpush v2, $0xF;
	_ =	sdelay $0xd  }
0x41: {  	s4 =	sor.u32 $0x800, s13  }
0x42: {  	s15 =	smov.u32 s13;
	p5 =	slt.u32 s4, $0x3001;
	s25 =	spop (v2sf)  }
0x43: {  	s15 =	smov.u32 @p5 s4;
	p6 =	slt.s32 s25, s11  }
0x44: {  	s13 =	smov.u32 @p6 s15  }
0x45: {  	v2 =	vld [tilespmem:s13+$0x3F0];
	_ =	sdelay $0x4  }
0x46: {  	v2 =	vsel vm0, $0x0, v2  }
0x47: {  	(xrf0) =	vadd.scan.msk.s32 $0xffff, v2;
	_ =	sdelay $0x5  }
0x48: {  	v2, _, _ =	vpop (xrf0)  }
0x49: {  	(v2sf) =	vpush v2, $0xF;
	_ =	sdelay $0xd  }
0x4a: {  	s4 =	sor.u32 $0x400, s13  }
0x4b: {  	s15 =	smov.u32 s13;
	p5 =	slt.u32 s4, $0x3001;
	s12 =	spop (v2sf)  }
0x4c: {  	s15 =	smov.u32 @p5 s4;
	p6 =	slt.s32 s12, s11  }
0x4d: {  	s13 =	smov.u32 @p6 s15  }
0x4e: {  	s17 =	sadd.s32 $0x1FF, s13  }
0x4f: {  	s25 =	sand.u32 $0xFFFFFFF0, s17  }
0x50: {  	v2 =	vld [tilespmem:s25+$0x0];
	_ =	sdelay $0x1  }
0x51: {  	s4 =	sand.u32 $0xF, s17  }
0x52: {  	v3 =	vmov s4  }
0x53: {  	vm1 =	veq.s32 v3, v0  }
0x54: {  	v2 =	vnsel vm1, $0x0, v2  }
0x55: {  	(xrf0) =	vadd.scan.msk.s32 $0xffff, v2;
	_ =	sdelay $0x5  }
0x56: {  	v2, _, _ =	vpop (xrf0)  }
0x57: {  	(v2sf) =	vpush v2, $0xF;
	_ =	sdelay $0xe  }
0x58: {  	s12 =	spop (v2sf)  }
0x59: {  	s14 =	sadd.s32 $0x200, s13;
	s4 =	smov.u32 s13;
	p5 =	slt.s32 s12, s11  }
0x5a: {  	p6 =	slt.u32 s13, $0x2E01;
	s4 =	smov.u32 @p5 s14  }
0x5b: {  	s13 =	smov.u32 @p6 s4  }
0x5c: {  	s4 =	sadd.s32 $0xFF, s13  }
0x5d: {  	s15 =	sand.u32 $0xFFFFFFF0, s4  }
0x5e: {  	v2 =	vld [tilespmem:s15+$0x0];
	_ =	sdelay $0x1  }
0x5f: {  	s4 =	sand.u32 $0xF, s4  }
0x60: {  	v3 =	vmov s4  }
0x61: {  	vm1 =	veq.s32 v3, v0  }
0x62: {  	v2 =	vnsel vm1, $0x0, v2  }
0x63: {  	(xrf0) =	vadd.scan.msk.s32 $0xffff, v2;
	_ =	sdelay $0x5  }
0x64: {  	v2, _, _ =	vpop (xrf0)  }
0x65: {  	(v2sf) =	vpush v2, $0xF;
	_ =	sdelay $0xe  }
0x66: {  	s17 =	spop (v2sf)  }
0x67: {  	s14 =	sadd.s32 $0x100, s13;
	s4 =	smov.u32 s13;
	p5 =	slt.s32 s17, s11  }
0x68: {  	p6 =	slt.u32 s13, $0x2F01;
	s4 =	smov.u32 @p5 s14  }
0x69: {  	s13 =	smov.u32 @p6 s4  }
0x6a: {  	s4 =	sadd.s32 $0x7F, s13  }
0x6b: {  	s25 =	sand.u32 $0xFFFFFFF0, s4  }
0x6c: {  	v2 =	vld [tilespmem:s25+$0x0];
	_ =	sdelay $0x1  }
0x6d: {  	s4 =	sand.u32 $0xF, s4  }
0x6e: {  	v3 =	vmov s4  }
0x6f: {  	vm1 =	veq.s32 v3, v0  }
0x70: {  	v2 =	vnsel vm1, $0x0, v2  }
0x71: {  	(xrf0) =	vadd.scan.msk.s32 $0xffff, v2;
	_ =	sdelay $0x5  }
0x72: {  	v2, _, _ =	vpop (xrf0)  }
0x73: {  	(v2sf) =	vpush v2, $0xF;
	_ =	sdelay $0xe  }
0x74: {  	s12 =	spop (v2sf)  }
0x75: {  	s14 =	sadd.s32 $0x80, s13;
	s4 =	smov.u32 s13;
	p5 =	slt.s32 s12, s11  }
0x76: {  	p6 =	slt.u32 s13, $0x2F81;
	s4 =	smov.u32 @p5 s14  }
0x77: {  	s13 =	smov.u32 @p6 s4  }
0x78: {  	s4 =	sadd.s32 $0x3F, s13  }
0x79: {  	s15 =	sand.u32 $0xFFFFFFF0, s4  }
0x7a: {  	v2 =	vld [tilespmem:s15+$0x0];
	_ =	sdelay $0x1  }
0x7b: {  	s4 =	sand.u32 $0xF, s4  }
0x7c: {  	v3 =	vmov s4  }
0x7d: {  	vm1 =	veq.s32 v3, v0  }
0x7e: {  	v2 =	vnsel vm1, $0x0, v2  }
0x7f: {  	(xrf0) =	vadd.scan.msk.s32 $0xffff, v2;
	_ =	sdelay $0x5  }
0x80: {  	v2, _, _ =	vpop (xrf0)  }
0x81: {  	(v2sf) =	vpush v2, $0xF;
	_ =	sdelay $0xe  }
0x82: {  	s17 =	spop (v2sf)  }
0x83: {  	s14 =	sadd.s32 $0x40, s13;
	s4 =	smov.u32 s13;
	p5 =	slt.s32 s17, s11  }
0x84: {  	p6 =	slt.u32 s13, $0x2FC1;
	s4 =	smov.u32 @p5 s14  }
0x85: {  	s13 =	smov.u32 @p6 s4  }
0x86: {  	s4 =	sadd.s32 $0x1F, s13  }
0x87: {  	s25 =	sand.u32 $0xFFFFFFF0, s4  }
0x88: {  	v2 =	vld [tilespmem:s25+$0x0];
	_ =	sdelay $0x1  }
0x89: {  	s4 =	sand.u32 $0xF, s4  }
0x8a: {  	v3 =	vmov s4  }
0x8b: {  	vm1 =	veq.s32 v3, v0  }
0x8c: {  	v2 =	vnsel vm1, $0x0, v2  }
0x8d: {  	(xrf0) =	vadd.scan.msk.s32 $0xffff, v2;
	_ =	sdelay $0x5  }
0x8e: {  	v2, _, _ =	vpop (xrf0)  }
0x8f: {  	(v2sf) =	vpush v2, $0xF;
	_ =	sdelay $0xe  }
0x90: {  	s12 =	spop (v2sf)  }
0x91: {  	s14 =	sadd.s32 $0x20, s13;
	s4 =	smov.u32 s13;
	p5 =	slt.s32 s12, s11  }
0x92: {  	p6 =	slt.u32 s13, $0x2FE1;
	s4 =	smov.u32 @p5 s14  }
0x93: {  	s13 =	smov.u32 @p6 s4  }
0x94: {  	s4 =	sadd.s32 $0xF, s13  }
0x95: {  	s15 =	sand.u32 $0xFFFFFFF0, s4  }
0x96: {  	v2 =	vld [tilespmem:s15+$0x0];
	_ =	sdelay $0x1  }
0x97: {  	s4 =	sand.u32 $0xF, s4  }
0x98: {  	v3 =	vmov s4  }
0x99: {  	vm1 =	veq.s32 v3, v0  }
0x9a: {  	v2 =	vnsel vm1, $0x0, v2  }
0x9b: {  	(xrf0) =	vadd.scan.msk.s32 $0xffff, v2;
	_ =	sdelay $0x5  }
0x9c: {  	v2, _, _ =	vpop (xrf0)  }
0x9d: {  	(v2sf) =	vpush v2, $0xF;
	_ =	sdelay $0xe  }
0x9e: {  	s17 =	spop (v2sf)  }
0x9f: {  	s14 =	sadd.s32 $0x10, s13;
	s4 =	smov.u32 s13;
	p5 =	slt.s32 s17, s11  }
0xa0: {  	p6 =	slt.u32 s13, $0x2FF1;
	s4 =	smov.u32 @p5 s14  }
0xa1: {  	s13 =	smov.u32 @p6 s4  }
0xa2: {  	s4 =	sadd.s32 $0x7, s13  }
0xa3: {  	s25 =	sand.u32 $0xFFFFFFF0, s4  }
0xa4: {  	v2 =	vld [tilespmem:s25+$0x0];
	_ =	sdelay $0x1  }
0xa5: {  	s4 =	sand.u32 $0xF, s4  }
0xa6: {  	v3 =	vmov s4  }
0xa7: {  	vm1 =	veq.s32 v3, v0  }
0xa8: {  	v2 =	vnsel vm1, $0x0, v2  }
0xa9: {  	(xrf0) =	vadd.scan.msk.s32 $0xffff, v2;
	_ =	sdelay $0x5  }
0xaa: {  	v2, _, _ =	vpop (xrf0)  }
0xab: {  	(v2sf) =	vpush v2, $0xF;
	_ =	sdelay $0xe  }
0xac: {  	s12 =	spop (v2sf)  }
0xad: {  	s14 =	sadd.s32 $0x8, s13;
	s4 =	smov.u32 s13;
	p5 =	slt.s32 s12, s11  }
0xae: {  	p6 =	slt.u32 s13, $0x2FF9;
	s4 =	smov.u32 @p5 s14  }
0xaf: {  	s13 =	smov.u32 @p6 s4  }
0xb0: {  	s4 =	sadd.s32 $0x3, s13  }
0xb1: {  	s15 =	sand.u32 $0xFFFFFFF0, s4  }
0xb2: {  	v2 =	vld [tilespmem:s15+$0x0];
	_ =	sdelay $0x1  }
0xb3: {  	s4 =	sand.u32 $0xF, s4  }
0xb4: {  	v3 =	vmov s4  }
0xb5: {  	vm1 =	veq.s32 v3, v0  }
0xb6: {  	v2 =	vnsel vm1, $0x0, v2  }
0xb7: {  	(xrf0) =	vadd.scan.msk.s32 $0xffff, v2;
	_ =	sdelay $0x5  }
0xb8: {  	v2, _, _ =	vpop (xrf0)  }
0xb9: {  	(v2sf) =	vpush v2, $0xF;
	_ =	sdelay $0xe  }
0xba: {  	s17 =	spop (v2sf)  }
0xbb: {  	s14 =	sadd.s32 $0x4, s13;
	s4 =	smov.u32 s13;
	p5 =	slt.s32 s17, s11  }
0xbc: {  	p6 =	slt.u32 s13, $0x2FFD;
	s4 =	smov.u32 @p5 s14  }
0xbd: {  	s13 =	smov.u32 @p6 s4  }
0xbe: {  	s4 =	sadd.s32 $0x1, s13  }
0xbf: {  	s25 =	sand.u32 $0xFFFFFFF0, s4  }
0xc0: {  	v2 =	vld [tilespmem:s25+$0x0];
	_ =	sdelay $0x1  }
0xc1: {  	s4 =	sand.u32 $0xF, s4  }
0xc2: {  	v3 =	vmov s4  }
0xc3: {  	vm1 =	veq.s32 v3, v0  }
0xc4: {  	v2 =	vnsel vm1, $0x0, v2  }
0xc5: {  	(xrf0) =	vadd.scan.msk.s32 $0xffff, v2;
	_ =	sdelay $0x5  }
0xc6: {  	v2, _, _ =	vpop (xrf0)  }
0xc7: {  	(v2sf) =	vpush v2, $0xF;
	_ =	sdelay $0xe  }
0xc8: {  	s12 =	spop (v2sf)  }
0xc9: {  	s14 =	sadd.s32 $0x2, s13;
	s4 =	smov.u32 s13;
	p5 =	slt.s32 s12, s11  }
0xca: {  	p6 =	slt.u32 s13, $0x2FFF;
	s4 =	smov.u32 @p5 s14  }
0xcb: {  	s13 =	smov.u32 @p6 s4  }
0xcc: {  	s4 =	sand.u32 $0xFFFFFFF0, s13  }
0xcd: {  	v2 =	vld [tilespmem:s4+$0x0];
	_ =	sdelay $0x1  }
0xce: {  	s15 =	sand.u32 $0xF, s13  }
0xcf: {  	v3 =	vmov s15  }
0xd0: {  	vm1 =	veq.s32 v3, v0  }
0xd1: {  	v2 =	vnsel vm1, $0x0, v2  }
0xd2: {  	(xrf0) =	vadd.scan.msk.s32 $0xffff, v2;
	_ =	sdelay $0x5  }
0xd3: {  	v2, _, _ =	vpop (xrf0)  }
0xd4: {  	(v2sf) =	vpush v2, $0xF;
	_ =	sdelay $0xa  }
0xd5: {  	s25 =	sld [smem:$0x7FD]  }
0xd6: {  	s12 =	rddreg [dreg:$0x5]  }
0xd7: {  	s14 =	simm.s32 @!p4 $0x7A1400;
	s4 =	simm.s32 @!p4 $0x800;
	s15 =	simm.s32 @!p4 $0x6100  }
0xd8: {  	[tilespmem:s15], [sflag:$0x1] =	stream.strided.gather @!p4 [hbm4b:s12+s4], $0x4000, s14, s4, $0x38;
	[tilespmem:$0x1F200] =	vst v63  }
0xd9: {  	s17 =	spop (v2sf)  }
0xda: {  	p6 =	slt.u32 s13, $0x3000;
	p0 =	slt.s32 s17, s11  }
0xdb: {  	s12 =	rddreg [dreg:$0x6];
	p5 =	por !p6, !p0;
	p0 =	seq.s32 s25, $0x1  }
0xdc: {  	s4 =	simm.s32 @!p0 $0x800;
	s14 =	simm.s32 @!p0 $0x7A1400;
	s15 =	simm.s32 @!p0 $0xA100  }
0xdd: {  	[tilespmem:s15], [sflag:$0x2] =	stream.strided.gather @!p0 [hbm4b:s12+s4], $0x4000, s14, s4, $0x38;
	[tilespmem:$0x1F200] =	vst v63  }
0xde: {  	s4 =	simm.s32 @!p1 $0x800  }
0xdf: {  	s14 =	simm.s32 @!p1 $0x7A1400;
	s15 =	simm.s32 @!p1 $0xE100;
	s12 =	rddreg [dreg:$0x7]  }
0xe0: {  	[tilespmem:s15], [sflag:$0x3] =	stream.strided.gather @!p1 [hbm4b:s12+s4], $0x4000, s14, s4, $0x38;
	[tilespmem:$0x1F200] =	vst v63  }
0xe1: {  	s4 =	simm.s32 @!p2 $0x800  }
0xe2: {  	s14 =	simm.s32 @!p2 $0x7A1400;
	s15 =	simm.s32 @!p2 $0x12100;
	s12 =	rddreg [dreg:$0x8]  }
0xe3: {  	[tilespmem:s15], [sflag:$0x4] =	stream.strided.gather @!p2 [hbm4b:s12+s4], $0x4000, s14, s4, $0x38;
	[tilespmem:$0x1F200] =	vst v63  }
0xe4: {  	s4 =	simm.s32 @!p3 $0x800  }
0xe5: {  	s14 =	simm.s32 @!p3 $0x7A1400;
	s15 =	simm.s32 @!p3 $0x16100;
	s12 =	rddreg [dreg:$0x9]  }
0xe6: {  	[tilespmem:s15], [sflag:$0x5] =	stream.strided.gather @!p3 [hbm4b:s12+s4], $0x4000, s14, s4, $0x38;
	[tilespmem:$0x1F200] =	vst v63  }
.Ltmp1:
0xe7: {  	_ = 	snop;
	(pc) =	sbr.rel .LBB2_4-.Ltmp1, $4  }
0xe8: {  	p5 =	por !p5, !p5;
	s4 =	simm.s32 $0x1  }
0xe9: {  	s4 =	simm.s32 @!p5 $0x0  }
0xea: {  	[smem:$0x0] =	sst s16;
	s13 =	sadd.s32 s4, s13  }
0xeb: {  	s16 =	simm.s32 $0x0;
	s14 =	simm.s32 $0x0;
	[smem:$0x1] =	sst s13  }
.LBB2_62:
0xec: {  	s16 =	smov.u32 @p5 s16;
	s13 =	smov.u32 @p5 s13  }
.LBB2_63:
0xed: {  	s4 =	sadd.s32 $0x9, s15  }
0xee: {  	p0 =	sge.u32 s4, s10  }
0xef: {  	p5 =	sne.s32 @!p0 s4, $0xF42  }
0xf0: {  	p6 =	por !p5, p0  }
0xf1: {  	s4 =	sshll.u32 @!p6 s4, $0x8  }
0xf2: {  	p5 =	por p5, p0;
	s12 =	simm.s32 @!p6 $0x800;
	s4 =	sand.u32 @!p6 $0x1FFFFF00, s4  }
0xf3: {  	s15 =	simm.s32 @!p6 $0x7A1400;
	s17 =	simm.s32 @!p6 $0x16100;
	s4 =	sadd.s32 @!p6 s1, s4  }
0xf4: {  	[tilespmem:s17], [sflag:$0x5] =	stream.strided.gather @!p6 [hbm4b:s4+s12], $0x4000, s15, s12, $0x38;
	[tilespmem:$0x1F200] =	vst v63  }
0xf5: {  	s4 =	simm.s32 @!p5 $0x0;
	s12 =	simm.s32 @!p5 $0x16100  }
0xf6: {  	[tilespmem:s12], [sflag:$0x5] =	stream.linear.gather @!p5 [hbm4b:s3+s4], $0x400, $0x38;
	[tilespmem:$0x1F200] =	vst v63  }
0xf7: {  	s12 =	simm.s32 @!p5 $0x16900  }
0xf8: {  	[tilespmem:s12], [sflag:$0x5] =	stream.linear.gather @!p5 [hbm4b:s18+s4], $0x400, $0x38;
	[tilespmem:$0x1F200] =	vst v63  }
0xf9: {  	s12 =	simm.s32 @!p5 $0x17100  }
0xfa: {  	[tilespmem:s12], [sflag:$0x5] =	stream.linear.gather @!p5 [hbm4b:s19+s4], $0x400, $0x38;
	[tilespmem:$0x1F200] =	vst v63  }
0xfb: {  	s12 =	simm.s32 @!p5 $0x17900  }
0xfc: {  	[tilespmem:s12], [sflag:$0x5] =	stream.linear.gather @!p5 [hbm4b:s20+s4], $0x400, $0x38;
	[tilespmem:$0x1F200] =	vst v63  }
0xfd: {  	s12 =	simm.s32 @!p5 $0x18100  }
0xfe: {  	[tilespmem:s12], [sflag:$0x5] =	stream.linear.gather @!p5 [hbm4b:s21+s4], $0x400, $0x38;
	[tilespmem:$0x1F200] =	vst v63  }
0xff: {  	s12 =	simm.s32 @!p5 $0x18900  }
0x100: {  	[tilespmem:s12], [sflag:$0x5] =	stream.linear.gather @!p5 [hbm4b:s22+s4], $0x400, $0x38;
	[tilespmem:$0x1F200] =	vst v63  }
0x101: {  	s12 =	simm.s32 @!p5 $0x19100  }
0x102: {  	[tilespmem:s12], [sflag:$0x5] =	stream.linear.gather @!p5 [hbm4b:s23+s4], $0x400, $0x38;
	[tilespmem:$0x1F200] =	vst v63  }
0x103: {  	[smem:$0x1] =	sst s13;
	s12 =	simm.s32 @!p5 $0x19900  }
0x104: {  	[tilespmem:s12], [sflag:$0x5] =	stream.linear.gather @!p5 [hbm4b:s24+s4], $0x400, $0x38;
	[tilespmem:$0x1F200] =	vst v63  }
.LBB2_64:
0x105: {  	s14 =	sadd.s32 $0x1, s14  }
0x106: {  	p0 =	sne.s32 s14, $0x19  }
.Ltmp2:
0x107: {  	_ = 	snop;
	(pc) =	sbr.rel @!p0 .LBB2_65-.Ltmp2, $1  }
0x108: {  	_ =	sdelay $0x3  }
.LBB2_4:
0x109: {  	s4 =	smul.u32 $0x5, s14;
	_ =	sdelay $0x1  }
0x10a: {  	s15 =	sadd.s32 s8, s4  }
0x10b: {  	p5 =	sge.u32 s15, s10  }
.Ltmp3:
0x10c: {  	_ = 	snop;
	(pc) =	sbr.rel @p5 .LBB2_16-.Ltmp3, $1  }
0x10d: {  	_ =	sdelay $0x3  }
0x10e: {  	p5 =	sgt.s32 s13, $0x2FFF  }
.Ltmp4:
0x10f: {  	_ = 	snop;
	(pc) =	sbr.rel @p5 .LBB2_15-.Ltmp4, $4  }
0x110: {  	_ = 	snop  }
0x111: {  	_ =	swait.ge [sflag:s9], $0x4000  }
0x112: {  	[sflag:s9] =	ssyncset.done $0x0  }
0x113: {  	[sflag:s9] =	ssyncadd.s32 $0xFFFFC000  }
.Ltmp5:
0x114: {  	(pc) =	sbr.rel .LBB2_7-.Ltmp5, $4  }
0x115: {  	_ = 	snop  }
0x116: {  	s4 =	sshll.u32 s15, $0x8  }
0x117: {  	s17 =	sadd.s32 $0x100, s4  }
0x118: {  	v3 =	vmov s4;
	v2 =	vmov s17  }
.LBB2_12:
0x119: {  	s16 =	simm.s32 $0x0  }
0x11a: {  	[smem:$0x0] =	sst s16  }
.LBB2_13:
0x11b: {  	vm1 =	vge.s32 v4, v2  }
0x11c: {  	v4 =	vsel vm1, $0x1, v1  }
0x11d: {  	(xrf0) =	vadd.scan.msk.s32 $0xffff, v4;
	_ =	sdelay $0x5  }
0x11e: {  	v4, _, _ =	vpop (xrf0)  }
0x11f: {  	(v2sf) =	vpush v4, $0xF;
	_ =	sdelay $0xe  }
0x120: {  	s17 =	spop (v2sf)  }
0x121: {  	s13 =	sadd.s32 s13, s4;
	p5 =	sgt.s32 s17, $0x0  }
0x122: {  	p6 =	slt.s32 @!p5 s13, $0x3000  }
0x123: {  	p6 =	por p5, !p6  }
.Ltmp6:
0x124: {  	_ = 	snop;
	(pc) =	sbr.rel @p6 .LBB2_14-.Ltmp6, $1  }
0x125: {  	_ =	sdelay $0x3  }
.LBB2_7:
0x126: {  	s4 =	sand.u32 $0xF, s13  }
0x127: {  	s17 =	sshra.s32 s13, $0x1F;
	p5 =	slt.s32 s13, $0x1;
	p6 =	sne.s32 s4, $0x0  }
0x128: {  	s25 =	sshrl.u32 s17, $0x1C;
	p5 =	por !p5, !p6  }
0x129: {  	s17 =	simm.s32 $0x1;
	s4 =	sadd.s32 s25, s13;
	p5 =	por !p5, !p5  }
0x12a: {  	s4 =	sshrl.u32 s4, $0x4;
	s17 =	simm.s32 @!p5 $0x0  }
0x12b: {  	s4 =	ssub.s32 s4, s17  }
0x12c: {  	s4 =	sshll.u32 s4, $0x4  }
0x12d: {  	v4 =	vld [tilespmem:s4+$0x0];
	_ =	sdelay $0x3  }
0x12e: {  	v5 =	vor.u32 s4, v0  }
0x12f: {  	vm1 =	vge.s32 v5, s13;
	vm2 =	vlt.s32 v4, v2  }
0x130: {  	vm1 =	vmand vm1, vm2  }
0x131: {  	v5 =	vsel vm1, $0x1, v1  }
0x132: {  	(xrf0) =	vadd.scan.msk.s32 $0xffff, v5;
	_ =	sdelay $0x1  }
0x133: {  	v5 =	vmov s16  }
0x134: {  	v5 =	vadd.s32 $0xFFFFFFFF, v5;
	_ =	sdelay $0x1  }
0x135: {  	v7 =	vsub.s32 v4, v3;
	v6 =	vbroadcast v5, $0x0  }
0x136: {  	vm2 =	vgt.s32 v7, $0x0;
	v5, _, _ =	vpop (xrf0)  }
0x137: {  	v7 =	vnsel vm2, $0x0, v7;
	v6 =	vadd.s32 v5, v6  }
0x138: {  	s25 =	simm.s32 $0x0;
	v7 =	vmin.u32 v7, $0xFF;
	vm2 =	vgt.s32 v6, $0x0  }
0x139: {  	v9 =	vmov s25;
	v8 =	vnsel vm2, $0x0, v6;
	v6 =	vshll.u32 v7, $0x3  }
0x13a: {  	v10 =	vshll.u32 v9, $0x8;
	v7 =	vand.u32 $0x7F, v7;
	v6 =	vand.u32 $0x400, v6  }
0x13b: {  	v9 =	vshll.u32 v9, $0x7;
	v6 =	vor.u32 v7, v6;
	v7 =	vand.u32 $0x3800, v10  }
0x13c: {  	v9 =	vand.u32 $0x380, v9;
	v8 =	vmin.u32 v8, $0x9F;
	v10 =	vld [tilespmem:s4+$0x3080];
	v7 =	vor.u32 v7, v6  }
0x13d: {  	v9 =	vor.u32 v9, v7  }
0x13e: {  	s17 =	simm.s32 $0x1  }
0x13f: {  	v7 =	vmov s17  }
0x140: {  	v11 =	vshll.u32 v7, $0x8  }
0x141: {  	v12 =	vshll.u32 v7, $0x7;
	v7 =	vshll.u32 v8, $0x7;
	v11 =	vand.u32 $0x3800, v11;
	[tilespmem:v8+s28+$0x0] =	vst.idx.msk vm1, v10  }
0x142: {  	v12 =	vand.u32 $0x380, v12;
	v11 =	vor.u32 v11, v6;
	v10 =	vadd.s32 s25, v7;
	v8 =	vld.idx.msk [tilespmem:v9+s29+$0x0], vm1  }
0x143: {  	v9 =	vor.u32 v12, v11;
	_ =	sdelay $0x1  }
0x144: {  	s4 =	simm.s32 $0x2  }
0x145: {  	s25 =	simm.s32 $0x3;
	v11 =	vmov s4  }
.LBB2_8:
0x146: {  	p5 =	sne.s32 s25, $0x3F;
	v12 =	vshll.u32 v11, $0x8;
	[tilespmem:v10+s30+$0x0] =	vst.idx.msk vm1, v8  }
0x147: {  	v11 =	vshll.u32 v11, $0x7;
	v10 =	vand.u32 $0x3800, v12;
	v8 =	vld.idx.msk [tilespmem:v9+s29+$0x0], vm1  }
.Ltmp7:
0x148: {  	v9 =	vand.u32 $0x380, v11;
	v11 =	vor.u32 v10, v6;
	v10 =	vadd.s32 s17, v7;
	s17 =	smov.u32 s4;
	s4 =	smov.u32 s25;
	(pc) =	sbr.rel @p5 .LBB2_8-.Ltmp7, $2  }
0x149: {  	v9 =	vor.u32 v9, v11;
	_ =	sdelay $0x2  }
0x14a: {  	s25 =	sadd.s32 $0x1, s25;
	v11 =	vmov s4  }
0x14b: {  	(v2sf) =	vpush v5, $0xF;
	_ =	sdelay $0x7  }
0x14c: {  	v5 =	vshll.u32 v11, $0x8  }
0x14d: {  	[tilespmem:v10+s30+$0x0] =	vst.idx.msk vm1, v8;
	v5 =	vand.u32 $0x3800, v5  }
0x14e: {  	v63 =	vshll.u32 v11, $0x7;
	v9 =	vld.idx.msk [tilespmem:v9+s29+$0x0], vm1;
	v5 =	vor.u32 v5, v6;
	v6 =	vadd.s32 s17, v7  }
0x14f: {  	v8 =	vand.u32 $0x380, v63  }
0x150: {  	v5 =	vor.u32 v8, v5;
	_ =	sdelay $0x2  }
0x151: {  	[tilespmem:v6+s30+$0x0] =	vst.idx.msk vm1, v9;
	v6 =	vadd.s32 s4, v7;
	s4 =	spop (v2sf)  }
0x152: {  	s16 =	sadd.s32 s16, s4  }
0x153: {  	v5 =	vld.idx.msk [tilespmem:v5+s29+$0x0], vm1;
	p5 =	slt.s32 s16, $0x91  }
.Ltmp8:
0x154: {  	_ = 	snop;
	(pc) =	sbr.rel @p5 .LBB2_13-.Ltmp8, $2  }
0x155: {  	_ =	sdelay $0x2  }
0x156: {  	[tilespmem:v6+s30+$0x0] =	vst.idx.msk vm1, v5;
	[smem:$0x0] =	sst s16  }
0x157: {  	s16 =	simm.s32 $0x1F100  }
0x158: {  	[hbm4b:s7+s31] =	stream.indirect.scatter [tilespmem:s30], [sflag:$0x6], $0x80, s16, s31, $0xb8;
	[tilespmem:$0x1F200] =	vst v63  }
0x159: {  	_ =	swait.ge [sflag:s0], $0x5000  }
0x15a: {  	s17 =	simm.s32 $0x3000;
	[sflag:s0] =	ssyncset.done $0x0  }
0x15b: {  	v5 =	vor.u32 s17, v0;
	[sflag:s0] =	ssyncadd.s32 $0xFFFFB000  }
0x15c: {  	s17 =	simm.s32 $0x3010;
	[tilespmem:s16+$0x0] =	vst v5  }
.LBB2_11:
0x15d: {  	p5 =	sne.s32 s17, $0x3090  }
.Ltmp9:
0x15e: {  	_ = 	snop;
	(pc) =	sbr.rel @p5 .LBB2_11-.Ltmp9, $3  }
0x15f: {  	_ =	sdelay $0x1  }
0x160: {  	v5 =	vor.u32 s17, v0;
	s17 =	sadd.s32 $0x10, s17;
	s16 =	sadd.s32 $0x10, s16  }
0x161: {  	[tilespmem:s16+$0x0] =	vst v5  }
.Ltmp10:
0x162: {  	_ = 	snop;
	(pc) =	sbr.rel .LBB2_12-.Ltmp10, $1  }
0x163: {  	_ =	sdelay $0x3  }
.LBB2_14:
0x164: {  	s16 =	smov.u32 @p5 s16;
	s13 =	smov.u32 @p5 s13  }
.LBB2_15:
0x165: {  	s4 =	sadd.s32 $0x5, s15  }
0x166: {  	p5 =	sge.u32 s4, s10  }
0x167: {  	p6 =	sne.s32 @!p5 s4, $0xF42  }
0x168: {  	p0 =	por !p6, p5  }
0x169: {  	s4 =	sshll.u32 @!p0 s4, $0x8  }
0x16a: {  	p5 =	por p6, p5;
	s17 =	simm.s32 @!p0 $0x800;
	s4 =	sand.u32 @!p0 $0x1FFFFF00, s4  }
0x16b: {  	s25 =	simm.s32 @!p0 $0x7A1400;
	s12 =	simm.s32 @!p0 $0x6100;
	s4 =	sadd.s32 @!p0 s1, s4  }
0x16c: {  	[tilespmem:s12], [sflag:$0x1] =	stream.strided.gather @!p0 [hbm4b:s4+s17], $0x4000, s25, s17, $0x38;
	[tilespmem:$0x1F200] =	vst v63  }
0x16d: {  	s4 =	simm.s32 @!p5 $0x0;
	s12 =	simm.s32 @!p5 $0x6100  }
0x16e: {  	[tilespmem:s12], [sflag:$0x1] =	stream.linear.gather @!p5 [hbm4b:s3+s4], $0x400, $0x38;
	[tilespmem:$0x1F200] =	vst v63  }
0x16f: {  	s12 =	simm.s32 @!p5 $0x6900  }
0x170: {  	[tilespmem:s12], [sflag:$0x1] =	stream.linear.gather @!p5 [hbm4b:s18+s4], $0x400, $0x38;
	[tilespmem:$0x1F200] =	vst v63  }
0x171: {  	s12 =	simm.s32 @!p5 $0x7100  }
0x172: {  	[tilespmem:s12], [sflag:$0x1] =	stream.linear.gather @!p5 [hbm4b:s19+s4], $0x400, $0x38;
	[tilespmem:$0x1F200] =	vst v63  }
0x173: {  	s12 =	simm.s32 @!p5 $0x7900  }
0x174: {  	[tilespmem:s12], [sflag:$0x1] =	stream.linear.gather @!p5 [hbm4b:s20+s4], $0x400, $0x38;
	[tilespmem:$0x1F200] =	vst v63  }
0x175: {  	s12 =	simm.s32 @!p5 $0x8100  }
0x176: {  	[tilespmem:s12], [sflag:$0x1] =	stream.linear.gather @!p5 [hbm4b:s21+s4], $0x400, $0x38;
	[tilespmem:$0x1F200] =	vst v63  }
0x177: {  	s12 =	simm.s32 @!p5 $0x8900  }
0x178: {  	[tilespmem:s12], [sflag:$0x1] =	stream.linear.gather @!p5 [hbm4b:s22+s4], $0x400, $0x38;
	[tilespmem:$0x1F200] =	vst v63  }
0x179: {  	s12 =	simm.s32 @!p5 $0x9100  }
0x17a: {  	[tilespmem:s12], [sflag:$0x1] =	stream.linear.gather @!p5 [hbm4b:s23+s4], $0x400, $0x38;
	[tilespmem:$0x1F200] =	vst v63  }
0x17b: {  	[smem:$0x1] =	sst s13;
	s12 =	simm.s32 @!p5 $0x9900  }
0x17c: {  	[tilespmem:s12], [sflag:$0x1] =	stream.linear.gather @!p5 [hbm4b:s24+s4], $0x400, $0x38;
	[tilespmem:$0x1F200] =	vst v63  }
.LBB2_16:
0x17d: {  	s4 =	sadd.s32 $0x1, s15  }
0x17e: {  	p0 =	sge.u32 s4, s10  }
.Ltmp11:
0x17f: {  	_ = 	snop;
	(pc) =	sbr.rel @p0 .LBB2_28-.Ltmp11, $1  }
0x180: {  	_ =	sdelay $0x3  }
0x181: {  	p0 =	seq.s32 s4, $0xF42  }
0x182: {  	s12 =	simm.s32 @p0 $0x2  }
0x183: {  	p5 =	sgt.s32 s13, $0x2FFF;
	_ =	swait.ge @p0 [sflag:s12], $0x2000  }
.Ltmp12:
0x184: {  	[sflag:s12] =	ssyncset.done @p0 $0x0;
	(pc) =	sbr.rel @p5 .LBB2_27-.Ltmp12, $4  }
0x185: {  	[sflag:s12] =	ssyncadd.s32 @p0 $0xFFFFE000;
	s12 =	simm.s32 @!p0 $0x2  }
0x186: {  	_ =	swait.ge @!p0 [sflag:s12], $0x4000  }
0x187: {  	[sflag:s12] =	ssyncset.done @!p0 $0x0  }
0x188: {  	[sflag:s12] =	ssyncadd.s32 @!p0 $0xFFFFC000  }
.Ltmp13:
0x189: {  	(pc) =	sbr.rel .LBB2_19-.Ltmp13, $4  }
0x18a: {  	_ = 	snop  }
0x18b: {  	s4 =	sshll.u32 s4, $0x8  }
0x18c: {  	s12 =	sadd.s32 $0x100, s4  }
0x18d: {  	v3 =	vmov s4;
	v2 =	vmov s12  }
.LBB2_24:
0x18e: {  	s16 =	simm.s32 $0x0  }
0x18f: {  	[smem:$0x0] =	sst s16  }
.LBB2_25:
0x190: {  	vm1 =	vge.s32 v4, v2  }
0x191: {  	v4 =	vsel vm1, $0x1, v1  }
0x192: {  	(xrf0) =	vadd.scan.msk.s32 $0xffff, v4;
	_ =	sdelay $0x5  }
0x193: {  	v4, _, _ =	vpop (xrf0)  }
0x194: {  	(v2sf) =	vpush v4, $0xF;
	_ =	sdelay $0xe  }
0x195: {  	s12 =	spop (v2sf)  }
0x196: {  	s13 =	sadd.s32 s13, s4;
	p5 =	sgt.s32 s12, $0x0  }
0x197: {  	p0 =	slt.s32 @!p5 s13, $0x3000  }
0x198: {  	p0 =	por p5, !p0  }
.Ltmp14:
0x199: {  	_ = 	snop;
	(pc) =	sbr.rel @p0 .LBB2_26-.Ltmp14, $1  }
0x19a: {  	_ =	sdelay $0x3  }
.LBB2_19:
0x19b: {  	s4 =	sand.u32 $0xF, s13  }
0x19c: {  	s12 =	sshra.s32 s13, $0x1F;
	p0 =	slt.s32 s13, $0x1;
	p5 =	sne.s32 s4, $0x0  }
0x19d: {  	s17 =	sshrl.u32 s12, $0x1C;
	p0 =	por !p0, !p5  }
0x19e: {  	s12 =	simm.s32 $0x1;
	s4 =	sadd.s32 s17, s13;
	p0 =	por !p0, !p0  }
0x19f: {  	s4 =	sshrl.u32 s4, $0x4;
	s12 =	simm.s32 @!p0 $0x0  }
0x1a0: {  	s4 =	ssub.s32 s4, s12  }
0x1a1: {  	s4 =	sshll.u32 s4, $0x4  }
0x1a2: {  	v4 =	vld [tilespmem:s4+$0x0];
	_ =	sdelay $0x3  }
0x1a3: {  	v5 =	vor.u32 s4, v0  }
0x1a4: {  	vm1 =	vge.s32 v5, s13;
	vm2 =	vlt.s32 v4, v2  }
0x1a5: {  	vm1 =	vmand vm1, vm2  }
0x1a6: {  	v5 =	vsel vm1, $0x1, v1  }
0x1a7: {  	(xrf0) =	vadd.scan.msk.s32 $0xffff, v5;
	_ =	sdelay $0x1  }
0x1a8: {  	v5 =	vmov s16  }
0x1a9: {  	v5 =	vadd.s32 $0xFFFFFFFF, v5;
	_ =	sdelay $0x1  }
0x1aa: {  	v7 =	vsub.s32 v4, v3;
	v6 =	vbroadcast v5, $0x0  }
0x1ab: {  	vm2 =	vgt.s32 v7, $0x0;
	v5, _, _ =	vpop (xrf0)  }
0x1ac: {  	v7 =	vnsel vm2, $0x0, v7;
	v6 =	vadd.s32 v5, v6  }
0x1ad: {  	s25 =	simm.s32 $0x0;
	v7 =	vmin.u32 v7, $0xFF;
	vm2 =	vgt.s32 v6, $0x0  }
0x1ae: {  	v9 =	vmov s25;
	v8 =	vnsel vm2, $0x0, v6;
	v6 =	vshll.u32 v7, $0x3  }
0x1af: {  	v10 =	vshll.u32 v9, $0x8;
	v7 =	vand.u32 $0x7F, v7;
	v6 =	vand.u32 $0x400, v6  }
0x1b0: {  	v9 =	vshll.u32 v9, $0x7;
	v6 =	vor.u32 v7, v6;
	v7 =	vand.u32 $0x3800, v10  }
0x1b1: {  	v9 =	vand.u32 $0x380, v9;
	v8 =	vmin.u32 v8, $0x9F;
	v10 =	vld [tilespmem:s4+$0x3080];
	v7 =	vor.u32 v7, v6  }
0x1b2: {  	v9 =	vor.u32 v9, v7  }
0x1b3: {  	s17 =	simm.s32 $0x1  }
0x1b4: {  	v7 =	vmov s17  }
0x1b5: {  	v11 =	vshll.u32 v7, $0x8  }
0x1b6: {  	v12 =	vshll.u32 v7, $0x7;
	v7 =	vshll.u32 v8, $0x7;
	v11 =	vand.u32 $0x3800, v11;
	[tilespmem:v8+s28+$0x0] =	vst.idx.msk vm1, v10  }
0x1b7: {  	v12 =	vand.u32 $0x380, v12;
	v11 =	vor.u32 v11, v6;
	v10 =	vadd.s32 s25, v7;
	v8 =	vld.idx.msk [tilespmem:v9+s2+$0x0], vm1  }
0x1b8: {  	v9 =	vor.u32 v12, v11;
	_ =	sdelay $0x1  }
0x1b9: {  	s4 =	simm.s32 $0x2  }
0x1ba: {  	s25 =	simm.s32 $0x3;
	v11 =	vmov s4  }
.LBB2_20:
0x1bb: {  	p5 =	sne.s32 s25, $0x3F;
	v12 =	vshll.u32 v11, $0x8;
	[tilespmem:v10+s30+$0x0] =	vst.idx.msk vm1, v8  }
0x1bc: {  	v11 =	vshll.u32 v11, $0x7;
	v10 =	vand.u32 $0x3800, v12;
	v8 =	vld.idx.msk [tilespmem:v9+s2+$0x0], vm1  }
.Ltmp15:
0x1bd: {  	v9 =	vand.u32 $0x380, v11;
	v11 =	vor.u32 v10, v6;
	v10 =	vadd.s32 s17, v7;
	s17 =	smov.u32 s4;
	s4 =	smov.u32 s25;
	(pc) =	sbr.rel @p5 .LBB2_20-.Ltmp15, $2  }
0x1be: {  	v9 =	vor.u32 v9, v11;
	_ =	sdelay $0x2  }
0x1bf: {  	s25 =	sadd.s32 $0x1, s25;
	v11 =	vmov s4  }
0x1c0: {  	(v2sf) =	vpush v5, $0xF;
	_ =	sdelay $0x7  }
0x1c1: {  	v5 =	vshll.u32 v11, $0x8  }
0x1c2: {  	[tilespmem:v10+s30+$0x0] =	vst.idx.msk vm1, v8;
	v5 =	vand.u32 $0x3800, v5  }
0x1c3: {  	v63 =	vshll.u32 v11, $0x7;
	v9 =	vld.idx.msk [tilespmem:v9+s2+$0x0], vm1;
	v5 =	vor.u32 v5, v6;
	v6 =	vadd.s32 s17, v7  }
0x1c4: {  	v8 =	vand.u32 $0x380, v63  }
0x1c5: {  	v5 =	vor.u32 v8, v5;
	_ =	sdelay $0x2  }
0x1c6: {  	[tilespmem:v6+s30+$0x0] =	vst.idx.msk vm1, v9;
	v6 =	vadd.s32 s4, v7;
	s4 =	spop (v2sf)  }
0x1c7: {  	s16 =	sadd.s32 s16, s4  }
0x1c8: {  	v5 =	vld.idx.msk [tilespmem:v5+s2+$0x0], vm1;
	p0 =	slt.s32 s16, $0x91  }
.Ltmp16:
0x1c9: {  	_ = 	snop;
	(pc) =	sbr.rel @p0 .LBB2_25-.Ltmp16, $2  }
0x1ca: {  	_ =	sdelay $0x2  }
0x1cb: {  	[tilespmem:v6+s30+$0x0] =	vst.idx.msk vm1, v5;
	[smem:$0x0] =	sst s16  }
0x1cc: {  	s16 =	simm.s32 $0x1F100  }
0x1cd: {  	[hbm4b:s7+s31] =	stream.indirect.scatter [tilespmem:s30], [sflag:$0x6], $0x80, s16, s31, $0xb8;
	[tilespmem:$0x1F200] =	vst v63  }
0x1ce: {  	_ =	swait.ge [sflag:s0], $0x5000  }
0x1cf: {  	s12 =	simm.s32 $0x3000;
	[sflag:s0] =	ssyncset.done $0x0  }
0x1d0: {  	v5 =	vor.u32 s12, v0;
	[sflag:s0] =	ssyncadd.s32 $0xFFFFB000  }
0x1d1: {  	s17 =	simm.s32 $0x3010;
	[tilespmem:s16+$0x0] =	vst v5  }
.LBB2_23:
0x1d2: {  	p0 =	sne.s32 s17, $0x3090  }
.Ltmp17:
0x1d3: {  	_ = 	snop;
	(pc) =	sbr.rel @p0 .LBB2_23-.Ltmp17, $3  }
0x1d4: {  	_ =	sdelay $0x1  }
0x1d5: {  	v5 =	vor.u32 s17, v0;
	s17 =	sadd.s32 $0x10, s17;
	s16 =	sadd.s32 $0x10, s16  }
0x1d6: {  	[tilespmem:s16+$0x0] =	vst v5  }
.Ltmp18:
0x1d7: {  	_ = 	snop;
	(pc) =	sbr.rel .LBB2_24-.Ltmp18, $1  }
0x1d8: {  	_ =	sdelay $0x3  }
.LBB2_26:
0x1d9: {  	s16 =	smov.u32 @p5 s16;
	s13 =	smov.u32 @p5 s13  }
.LBB2_27:
0x1da: {  	s4 =	sadd.s32 $0x6, s15  }
0x1db: {  	p0 =	sge.u32 s4, s10  }
0x1dc: {  	p5 =	sne.s32 @!p0 s4, $0xF42  }
0x1dd: {  	p6 =	por !p5, p0  }
0x1de: {  	s4 =	sshll.u32 @!p6 s4, $0x8  }
0x1df: {  	p5 =	por p5, p0;
	s12 =	simm.s32 @!p6 $0x800;
	s4 =	sand.u32 @!p6 $0x1FFFFF00, s4  }
0x1e0: {  	s17 =	simm.s32 @!p6 $0x7A1400;
	s25 =	simm.s32 @!p6 $0xA100;
	s4 =	sadd.s32 @!p6 s1, s4  }
0x1e1: {  	[tilespmem:s25], [sflag:$0x2] =	stream.strided.gather @!p6 [hbm4b:s4+s12], $0x4000, s17, s12, $0x38;
	[tilespmem:$0x1F200] =	vst v63  }
0x1e2: {  	s4 =	simm.s32 @!p5 $0x0;
	s12 =	simm.s32 @!p5 $0xA100  }
0x1e3: {  	[tilespmem:s12], [sflag:$0x2] =	stream.linear.gather @!p5 [hbm4b:s3+s4], $0x400, $0x38;
	[tilespmem:$0x1F200] =	vst v63  }
0x1e4: {  	s12 =	simm.s32 @!p5 $0xA900  }
0x1e5: {  	[tilespmem:s12], [sflag:$0x2] =	stream.linear.gather @!p5 [hbm4b:s18+s4], $0x400, $0x38;
	[tilespmem:$0x1F200] =	vst v63  }
0x1e6: {  	s12 =	simm.s32 @!p5 $0xB100  }
0x1e7: {  	[tilespmem:s12], [sflag:$0x2] =	stream.linear.gather @!p5 [hbm4b:s19+s4], $0x400, $0x38;
	[tilespmem:$0x1F200] =	vst v63  }
0x1e8: {  	s12 =	simm.s32 @!p5 $0xB900  }
0x1e9: {  	[tilespmem:s12], [sflag:$0x2] =	stream.linear.gather @!p5 [hbm4b:s20+s4], $0x400, $0x38;
	[tilespmem:$0x1F200] =	vst v63  }
0x1ea: {  	s12 =	simm.s32 @!p5 $0xC100  }
0x1eb: {  	[tilespmem:s12], [sflag:$0x2] =	stream.linear.gather @!p5 [hbm4b:s21+s4], $0x400, $0x38;
	[tilespmem:$0x1F200] =	vst v63  }
0x1ec: {  	s12 =	simm.s32 @!p5 $0xC900  }
0x1ed: {  	[tilespmem:s12], [sflag:$0x2] =	stream.linear.gather @!p5 [hbm4b:s22+s4], $0x400, $0x38;
	[tilespmem:$0x1F200] =	vst v63  }
0x1ee: {  	s12 =	simm.s32 @!p5 $0xD100  }
0x1ef: {  	[tilespmem:s12], [sflag:$0x2] =	stream.linear.gather @!p5 [hbm4b:s23+s4], $0x400, $0x38;
	[tilespmem:$0x1F200] =	vst v63  }
0x1f0: {  	[smem:$0x1] =	sst s13;
	s12 =	simm.s32 @!p5 $0xD900  }
0x1f1: {  	[tilespmem:s12], [sflag:$0x2] =	stream.linear.gather @!p5 [hbm4b:s24+s4], $0x400, $0x38;
	[tilespmem:$0x1F200] =	vst v63  }
.LBB2_28:
0x1f2: {  	s4 =	sadd.s32 $0x2, s15  }
0x1f3: {  	p0 =	sge.u32 s4, s10  }
.Ltmp19:
0x1f4: {  	_ = 	snop;
	(pc) =	sbr.rel @p0 .LBB2_40-.Ltmp19, $1  }
0x1f5: {  	_ =	sdelay $0x3  }
0x1f6: {  	p0 =	seq.s32 s4, $0xF42  }
0x1f7: {  	s12 =	simm.s32 @p0 $0x3  }
0x1f8: {  	p5 =	sgt.s32 s13, $0x2FFF;
	_ =	swait.ge @p0 [sflag:s12], $0x2000  }
.Ltmp20:
0x1f9: {  	[sflag:s12] =	ssyncset.done @p0 $0x0;
	(pc) =	sbr.rel @p5 .LBB2_39-.Ltmp20, $4  }
0x1fa: {  	[sflag:s12] =	ssyncadd.s32 @p0 $0xFFFFE000;
	s12 =	simm.s32 @!p0 $0x3  }
0x1fb: {  	_ =	swait.ge @!p0 [sflag:s12], $0x4000  }
0x1fc: {  	[sflag:s12] =	ssyncset.done @!p0 $0x0  }
0x1fd: {  	[sflag:s12] =	ssyncadd.s32 @!p0 $0xFFFFC000  }
.Ltmp21:
0x1fe: {  	(pc) =	sbr.rel .LBB2_31-.Ltmp21, $4  }
0x1ff: {  	_ = 	snop  }
0x200: {  	s4 =	sshll.u32 s4, $0x8  }
0x201: {  	s12 =	sadd.s32 $0x100, s4  }
0x202: {  	v3 =	vmov s4;
	v2 =	vmov s12  }
.LBB2_36:
0x203: {  	s16 =	simm.s32 $0x0  }
0x204: {  	[smem:$0x0] =	sst s16  }
.LBB2_37:
0x205: {  	vm1 =	vge.s32 v4, v2  }
0x206: {  	v4 =	vsel vm1, $0x1, v1  }
0x207: {  	(xrf0) =	vadd.scan.msk.s32 $0xffff, v4;
	_ =	sdelay $0x5  }
0x208: {  	v4, _, _ =	vpop (xrf0)  }
0x209: {  	(v2sf) =	vpush v4, $0xF;
	_ =	sdelay $0xe  }
0x20a: {  	s12 =	spop (v2sf)  }
0x20b: {  	s13 =	sadd.s32 s13, s4;
	p5 =	sgt.s32 s12, $0x0  }
0x20c: {  	p0 =	slt.s32 @!p5 s13, $0x3000  }
0x20d: {  	p0 =	por p5, !p0  }
.Ltmp22:
0x20e: {  	_ = 	snop;
	(pc) =	sbr.rel @p0 .LBB2_38-.Ltmp22, $1  }
0x20f: {  	_ =	sdelay $0x3  }
.LBB2_31:
0x210: {  	s4 =	sand.u32 $0xF, s13  }
0x211: {  	s12 =	sshra.s32 s13, $0x1F;
	p0 =	slt.s32 s13, $0x1;
	p5 =	sne.s32 s4, $0x0  }
0x212: {  	s17 =	sshrl.u32 s12, $0x1C;
	p0 =	por !p0, !p5  }
0x213: {  	s12 =	simm.s32 $0x1;
	s4 =	sadd.s32 s17, s13;
	p0 =	por !p0, !p0  }
0x214: {  	s4 =	sshrl.u32 s4, $0x4;
	s12 =	simm.s32 @!p0 $0x0  }
0x215: {  	s4 =	ssub.s32 s4, s12  }
0x216: {  	s4 =	sshll.u32 s4, $0x4  }
0x217: {  	v4 =	vld [tilespmem:s4+$0x0];
	_ =	sdelay $0x3  }
0x218: {  	v5 =	vor.u32 s4, v0  }
0x219: {  	vm1 =	vge.s32 v5, s13;
	vm2 =	vlt.s32 v4, v2  }
0x21a: {  	vm1 =	vmand vm1, vm2  }
0x21b: {  	v5 =	vsel vm1, $0x1, v1  }
0x21c: {  	(xrf0) =	vadd.scan.msk.s32 $0xffff, v5;
	_ =	sdelay $0x1  }
0x21d: {  	v5 =	vmov s16  }
0x21e: {  	v5 =	vadd.s32 $0xFFFFFFFF, v5;
	_ =	sdelay $0x1  }
0x21f: {  	v7 =	vsub.s32 v4, v3;
	v6 =	vbroadcast v5, $0x0  }
0x220: {  	vm2 =	vgt.s32 v7, $0x0;
	v5, _, _ =	vpop (xrf0)  }
0x221: {  	v7 =	vnsel vm2, $0x0, v7;
	v6 =	vadd.s32 v5, v6  }
0x222: {  	s25 =	simm.s32 $0x0;
	v7 =	vmin.u32 v7, $0xFF;
	vm2 =	vgt.s32 v6, $0x0  }
0x223: {  	v9 =	vmov s25;
	v8 =	vnsel vm2, $0x0, v6;
	v6 =	vshll.u32 v7, $0x3  }
0x224: {  	v10 =	vshll.u32 v9, $0x8;
	v7 =	vand.u32 $0x7F, v7;
	v6 =	vand.u32 $0x400, v6  }
0x225: {  	v9 =	vshll.u32 v9, $0x7;
	v6 =	vor.u32 v7, v6;
	v7 =	vand.u32 $0x3800, v10  }
0x226: {  	v9 =	vand.u32 $0x380, v9;
	v8 =	vmin.u32 v8, $0x9F;
	v10 =	vld [tilespmem:s4+$0x3080];
	v7 =	vor.u32 v7, v6  }
0x227: {  	v9 =	vor.u32 v9, v7  }
0x228: {  	s17 =	simm.s32 $0x1  }
0x229: {  	v7 =	vmov s17  }
0x22a: {  	v11 =	vshll.u32 v7, $0x8  }
0x22b: {  	v12 =	vshll.u32 v7, $0x7;
	v7 =	vshll.u32 v8, $0x7;
	v11 =	vand.u32 $0x3800, v11;
	[tilespmem:v8+s28+$0x0] =	vst.idx.msk vm1, v10  }
0x22c: {  	v12 =	vand.u32 $0x380, v12;
	v11 =	vor.u32 v11, v6;
	v10 =	vadd.s32 s25, v7;
	v8 =	vld.idx.msk [tilespmem:v9+s26+$0x0], vm1  }
0x22d: {  	v9 =	vor.u32 v12, v11;
	_ =	sdelay $0x1  }
0x22e: {  	s4 =	simm.s32 $0x2  }
0x22f: {  	s25 =	simm.s32 $0x3;
	v11 =	vmov s4  }
.LBB2_32:
0x230: {  	p5 =	sne.s32 s25, $0x3F;
	v12 =	vshll.u32 v11, $0x8;
	[tilespmem:v10+s30+$0x0] =	vst.idx.msk vm1, v8  }
0x231: {  	v11 =	vshll.u32 v11, $0x7;
	v10 =	vand.u32 $0x3800, v12;
	v8 =	vld.idx.msk [tilespmem:v9+s26+$0x0], vm1  }
.Ltmp23:
0x232: {  	v9 =	vand.u32 $0x380, v11;
	v11 =	vor.u32 v10, v6;
	v10 =	vadd.s32 s17, v7;
	s17 =	smov.u32 s4;
	s4 =	smov.u32 s25;
	(pc) =	sbr.rel @p5 .LBB2_32-.Ltmp23, $2  }
0x233: {  	v9 =	vor.u32 v9, v11;
	_ =	sdelay $0x2  }
0x234: {  	s25 =	sadd.s32 $0x1, s25;
	v11 =	vmov s4  }
0x235: {  	(v2sf) =	vpush v5, $0xF;
	_ =	sdelay $0x7  }
0x236: {  	v5 =	vshll.u32 v11, $0x8  }
0x237: {  	[tilespmem:v10+s30+$0x0] =	vst.idx.msk vm1, v8;
	v5 =	vand.u32 $0x3800, v5  }
0x238: {  	v63 =	vshll.u32 v11, $0x7;
	v9 =	vld.idx.msk [tilespmem:v9+s26+$0x0], vm1;
	v5 =	vor.u32 v5, v6;
	v6 =	vadd.s32 s17, v7  }
0x239: {  	v8 =	vand.u32 $0x380, v63  }
0x23a: {  	v5 =	vor.u32 v8, v5;
	_ =	sdelay $0x2  }
0x23b: {  	[tilespmem:v6+s30+$0x0] =	vst.idx.msk vm1, v9;
	v6 =	vadd.s32 s4, v7;
	s4 =	spop (v2sf)  }
0x23c: {  	s16 =	sadd.s32 s16, s4  }
0x23d: {  	v5 =	vld.idx.msk [tilespmem:v5+s26+$0x0], vm1;
	p0 =	slt.s32 s16, $0x91  }
.Ltmp24:
0x23e: {  	_ = 	snop;
	(pc) =	sbr.rel @p0 .LBB2_37-.Ltmp24, $2  }
0x23f: {  	_ =	sdelay $0x2  }
0x240: {  	[tilespmem:v6+s30+$0x0] =	vst.idx.msk vm1, v5;
	[smem:$0x0] =	sst s16  }
0x241: {  	s16 =	simm.s32 $0x1F100  }
0x242: {  	[hbm4b:s7+s31] =	stream.indirect.scatter [tilespmem:s30], [sflag:$0x6], $0x80, s16, s31, $0xb8;
	[tilespmem:$0x1F200] =	vst v63  }
0x243: {  	_ =	swait.ge [sflag:s0], $0x5000  }
0x244: {  	s12 =	simm.s32 $0x3000;
	[sflag:s0] =	ssyncset.done $0x0  }
0x245: {  	v5 =	vor.u32 s12, v0;
	[sflag:s0] =	ssyncadd.s32 $0xFFFFB000  }
0x246: {  	s17 =	simm.s32 $0x3010;
	[tilespmem:s16+$0x0] =	vst v5  }
.LBB2_35:
0x247: {  	p0 =	sne.s32 s17, $0x3090  }
.Ltmp25:
0x248: {  	_ = 	snop;
	(pc) =	sbr.rel @p0 .LBB2_35-.Ltmp25, $3  }
0x249: {  	_ =	sdelay $0x1  }
0x24a: {  	v5 =	vor.u32 s17, v0;
	s17 =	sadd.s32 $0x10, s17;
	s16 =	sadd.s32 $0x10, s16  }
0x24b: {  	[tilespmem:s16+$0x0] =	vst v5  }
.Ltmp26:
0x24c: {  	_ = 	snop;
	(pc) =	sbr.rel .LBB2_36-.Ltmp26, $1  }
0x24d: {  	_ =	sdelay $0x3  }
.LBB2_38:
0x24e: {  	s16 =	smov.u32 @p5 s16;
	s13 =	smov.u32 @p5 s13  }
.LBB2_39:
0x24f: {  	s4 =	sadd.s32 $0x7, s15  }
0x250: {  	p0 =	sge.u32 s4, s10  }
0x251: {  	p5 =	sne.s32 @!p0 s4, $0xF42  }
0x252: {  	p6 =	por !p5, p0  }
0x253: {  	s4 =	sshll.u32 @!p6 s4, $0x8  }
0x254: {  	p5 =	por p5, p0;
	s12 =	simm.s32 @!p6 $0x800;
	s4 =	sand.u32 @!p6 $0x1FFFFF00, s4  }
0x255: {  	s17 =	simm.s32 @!p6 $0x7A1400;
	s25 =	simm.s32 @!p6 $0xE100;
	s4 =	sadd.s32 @!p6 s1, s4  }
0x256: {  	[tilespmem:s25], [sflag:$0x3] =	stream.strided.gather @!p6 [hbm4b:s4+s12], $0x4000, s17, s12, $0x38;
	[tilespmem:$0x1F200] =	vst v63  }
0x257: {  	s4 =	simm.s32 @!p5 $0x0;
	s12 =	simm.s32 @!p5 $0xE100  }
0x258: {  	[tilespmem:s12], [sflag:$0x3] =	stream.linear.gather @!p5 [hbm4b:s3+s4], $0x400, $0x38;
	[tilespmem:$0x1F200] =	vst v63  }
0x259: {  	s12 =	simm.s32 @!p5 $0xE900  }
0x25a: {  	[tilespmem:s12], [sflag:$0x3] =	stream.linear.gather @!p5 [hbm4b:s18+s4], $0x400, $0x38;
	[tilespmem:$0x1F200] =	vst v63  }
0x25b: {  	s12 =	simm.s32 @!p5 $0xF100  }
0x25c: {  	[tilespmem:s12], [sflag:$0x3] =	stream.linear.gather @!p5 [hbm4b:s19+s4], $0x400, $0x38;
	[tilespmem:$0x1F200] =	vst v63  }
0x25d: {  	s12 =	simm.s32 @!p5 $0xF900  }
0x25e: {  	[tilespmem:s12], [sflag:$0x3] =	stream.linear.gather @!p5 [hbm4b:s20+s4], $0x400, $0x38;
	[tilespmem:$0x1F200] =	vst v63  }
0x25f: {  	s12 =	simm.s32 @!p5 $0x10100  }
0x260: {  	[tilespmem:s12], [sflag:$0x3] =	stream.linear.gather @!p5 [hbm4b:s21+s4], $0x400, $0x38;
	[tilespmem:$0x1F200] =	vst v63  }
0x261: {  	s12 =	simm.s32 @!p5 $0x10900  }
0x262: {  	[tilespmem:s12], [sflag:$0x3] =	stream.linear.gather @!p5 [hbm4b:s22+s4], $0x400, $0x38;
	[tilespmem:$0x1F200] =	vst v63  }
0x263: {  	s12 =	simm.s32 @!p5 $0x11100  }
0x264: {  	[tilespmem:s12], [sflag:$0x3] =	stream.linear.gather @!p5 [hbm4b:s23+s4], $0x400, $0x38;
	[tilespmem:$0x1F200] =	vst v63  }
0x265: {  	[smem:$0x1] =	sst s13;
	s12 =	simm.s32 @!p5 $0x11900  }
0x266: {  	[tilespmem:s12], [sflag:$0x3] =	stream.linear.gather @!p5 [hbm4b:s24+s4], $0x400, $0x38;
	[tilespmem:$0x1F200] =	vst v63  }
.LBB2_40:
0x267: {  	s4 =	sadd.s32 $0x3, s15  }
0x268: {  	p0 =	sge.u32 s4, s10  }
.Ltmp27:
0x269: {  	_ = 	snop;
	(pc) =	sbr.rel @p0 .LBB2_52-.Ltmp27, $1  }
0x26a: {  	_ =	sdelay $0x3  }
0x26b: {  	p0 =	seq.s32 s4, $0xF42  }
0x26c: {  	s12 =	simm.s32 @p0 $0x4  }
0x26d: {  	p5 =	sgt.s32 s13, $0x2FFF;
	_ =	swait.ge @p0 [sflag:s12], $0x2000  }
.Ltmp28:
0x26e: {  	[sflag:s12] =	ssyncset.done @p0 $0x0;
	(pc) =	sbr.rel @p5 .LBB2_51-.Ltmp28, $4  }
0x26f: {  	[sflag:s12] =	ssyncadd.s32 @p0 $0xFFFFE000;
	s12 =	simm.s32 @!p0 $0x4  }
0x270: {  	_ =	swait.ge @!p0 [sflag:s12], $0x4000  }
0x271: {  	[sflag:s12] =	ssyncset.done @!p0 $0x0  }
0x272: {  	[sflag:s12] =	ssyncadd.s32 @!p0 $0xFFFFC000  }
.Ltmp29:
0x273: {  	(pc) =	sbr.rel .LBB2_43-.Ltmp29, $4  }
0x274: {  	_ = 	snop  }
0x275: {  	s4 =	sshll.u32 s4, $0x8  }
0x276: {  	s12 =	sadd.s32 $0x100, s4  }
0x277: {  	v3 =	vmov s4;
	v2 =	vmov s12  }
.LBB2_48:
0x278: {  	s16 =	simm.s32 $0x0  }
0x279: {  	[smem:$0x0] =	sst s16  }
.LBB2_49:
0x27a: {  	vm1 =	vge.s32 v4, v2  }
0x27b: {  	v4 =	vsel vm1, $0x1, v1  }
0x27c: {  	(xrf0) =	vadd.scan.msk.s32 $0xffff, v4;
	_ =	sdelay $0x5  }
0x27d: {  	v4, _, _ =	vpop (xrf0)  }
0x27e: {  	(v2sf) =	vpush v4, $0xF;
	_ =	sdelay $0xe  }
0x27f: {  	s12 =	spop (v2sf)  }
0x280: {  	s13 =	sadd.s32 s13, s4;
	p5 =	sgt.s32 s12, $0x0  }
0x281: {  	p0 =	slt.s32 @!p5 s13, $0x3000  }
0x282: {  	p0 =	por p5, !p0  }
.Ltmp30:
0x283: {  	_ = 	snop;
	(pc) =	sbr.rel @p0 .LBB2_50-.Ltmp30, $1  }
0x284: {  	_ =	sdelay $0x3  }
.LBB2_43:
0x285: {  	s4 =	sand.u32 $0xF, s13  }
0x286: {  	s12 =	sshra.s32 s13, $0x1F;
	p0 =	slt.s32 s13, $0x1;
	p5 =	sne.s32 s4, $0x0  }
0x287: {  	s17 =	sshrl.u32 s12, $0x1C;
	p0 =	por !p0, !p5  }
0x288: {  	s12 =	simm.s32 $0x1;
	s4 =	sadd.s32 s17, s13;
	p0 =	por !p0, !p0  }
0x289: {  	s4 =	sshrl.u32 s4, $0x4;
	s12 =	simm.s32 @!p0 $0x0  }
0x28a: {  	s4 =	ssub.s32 s4, s12  }
0x28b: {  	s4 =	sshll.u32 s4, $0x4  }
0x28c: {  	v4 =	vld [tilespmem:s4+$0x0];
	_ =	sdelay $0x3  }
0x28d: {  	v5 =	vor.u32 s4, v0  }
0x28e: {  	vm1 =	vge.s32 v5, s13;
	vm2 =	vlt.s32 v4, v2  }
0x28f: {  	vm1 =	vmand vm1, vm2  }
0x290: {  	v5 =	vsel vm1, $0x1, v1  }
0x291: {  	(xrf0) =	vadd.scan.msk.s32 $0xffff, v5;
	_ =	sdelay $0x1  }
0x292: {  	v5 =	vmov s16  }
0x293: {  	v5 =	vadd.s32 $0xFFFFFFFF, v5;
	_ =	sdelay $0x1  }
0x294: {  	v7 =	vsub.s32 v4, v3;
	v6 =	vbroadcast v5, $0x0  }
0x295: {  	vm2 =	vgt.s32 v7, $0x0;
	v5, _, _ =	vpop (xrf0)  }
0x296: {  	v7 =	vnsel vm2, $0x0, v7;
	v6 =	vadd.s32 v5, v6  }
0x297: {  	s25 =	simm.s32 $0x0;
	v7 =	vmin.u32 v7, $0xFF;
	vm2 =	vgt.s32 v6, $0x0  }
0x298: {  	v9 =	vmov s25;
	v8 =	vnsel vm2, $0x0, v6;
	v6 =	vshll.u32 v7, $0x3  }
0x299: {  	v10 =	vshll.u32 v9, $0x8;
	v7 =	vand.u32 $0x7F, v7;
	v6 =	vand.u32 $0x400, v6  }
0x29a: {  	v9 =	vshll.u32 v9, $0x7;
	v6 =	vor.u32 v7, v6;
	v7 =	vand.u32 $0x3800, v10  }
0x29b: {  	v9 =	vand.u32 $0x380, v9;
	v8 =	vmin.u32 v8, $0x9F;
	v10 =	vld [tilespmem:s4+$0x3080];
	v7 =	vor.u32 v7, v6  }
0x29c: {  	v9 =	vor.u32 v9, v7  }
0x29d: {  	s17 =	simm.s32 $0x1  }
0x29e: {  	v7 =	vmov s17  }
0x29f: {  	v11 =	vshll.u32 v7, $0x8  }
0x2a0: {  	v12 =	vshll.u32 v7, $0x7;
	v7 =	vshll.u32 v8, $0x7;
	v11 =	vand.u32 $0x3800, v11;
	[tilespmem:v8+s28+$0x0] =	vst.idx.msk vm1, v10  }
0x2a1: {  	v12 =	vand.u32 $0x380, v12;
	v11 =	vor.u32 v11, v6;
	v10 =	vadd.s32 s25, v7;
	v8 =	vld.idx.msk [tilespmem:v9+s5+$0x0], vm1  }
0x2a2: {  	v9 =	vor.u32 v12, v11;
	_ =	sdelay $0x1  }
0x2a3: {  	s4 =	simm.s32 $0x2  }
0x2a4: {  	s25 =	simm.s32 $0x3;
	v11 =	vmov s4  }
.LBB2_44:
0x2a5: {  	p5 =	sne.s32 s25, $0x3F;
	v12 =	vshll.u32 v11, $0x8;
	[tilespmem:v10+s30+$0x0] =	vst.idx.msk vm1, v8  }
0x2a6: {  	v11 =	vshll.u32 v11, $0x7;
	v10 =	vand.u32 $0x3800, v12;
	v8 =	vld.idx.msk [tilespmem:v9+s5+$0x0], vm1  }
.Ltmp31:
0x2a7: {  	v9 =	vand.u32 $0x380, v11;
	v11 =	vor.u32 v10, v6;
	v10 =	vadd.s32 s17, v7;
	s17 =	smov.u32 s4;
	s4 =	smov.u32 s25;
	(pc) =	sbr.rel @p5 .LBB2_44-.Ltmp31, $2  }
0x2a8: {  	v9 =	vor.u32 v9, v11;
	_ =	sdelay $0x2  }
0x2a9: {  	s25 =	sadd.s32 $0x1, s25;
	v11 =	vmov s4  }
0x2aa: {  	(v2sf) =	vpush v5, $0xF;
	_ =	sdelay $0x7  }
0x2ab: {  	v5 =	vshll.u32 v11, $0x8  }
0x2ac: {  	[tilespmem:v10+s30+$0x0] =	vst.idx.msk vm1, v8;
	v5 =	vand.u32 $0x3800, v5  }
0x2ad: {  	v63 =	vshll.u32 v11, $0x7;
	v9 =	vld.idx.msk [tilespmem:v9+s5+$0x0], vm1;
	v5 =	vor.u32 v5, v6;
	v6 =	vadd.s32 s17, v7  }
0x2ae: {  	v8 =	vand.u32 $0x380, v63  }
0x2af: {  	v5 =	vor.u32 v8, v5;
	_ =	sdelay $0x2  }
0x2b0: {  	[tilespmem:v6+s30+$0x0] =	vst.idx.msk vm1, v9;
	v6 =	vadd.s32 s4, v7;
	s4 =	spop (v2sf)  }
0x2b1: {  	s16 =	sadd.s32 s16, s4  }
0x2b2: {  	v5 =	vld.idx.msk [tilespmem:v5+s5+$0x0], vm1;
	p0 =	slt.s32 s16, $0x91  }
.Ltmp32:
0x2b3: {  	_ = 	snop;
	(pc) =	sbr.rel @p0 .LBB2_49-.Ltmp32, $2  }
0x2b4: {  	_ =	sdelay $0x2  }
0x2b5: {  	[tilespmem:v6+s30+$0x0] =	vst.idx.msk vm1, v5;
	[smem:$0x0] =	sst s16  }
0x2b6: {  	s16 =	simm.s32 $0x1F100  }
0x2b7: {  	[hbm4b:s7+s31] =	stream.indirect.scatter [tilespmem:s30], [sflag:$0x6], $0x80, s16, s31, $0xb8;
	[tilespmem:$0x1F200] =	vst v63  }
0x2b8: {  	_ =	swait.ge [sflag:s0], $0x5000  }
0x2b9: {  	s12 =	simm.s32 $0x3000;
	[sflag:s0] =	ssyncset.done $0x0  }
0x2ba: {  	v5 =	vor.u32 s12, v0;
	[sflag:s0] =	ssyncadd.s32 $0xFFFFB000  }
0x2bb: {  	s17 =	simm.s32 $0x3010;
	[tilespmem:s16+$0x0] =	vst v5  }
.LBB2_47:
0x2bc: {  	p0 =	sne.s32 s17, $0x3090  }
.Ltmp33:
0x2bd: {  	_ = 	snop;
	(pc) =	sbr.rel @p0 .LBB2_47-.Ltmp33, $3  }
0x2be: {  	_ =	sdelay $0x1  }
0x2bf: {  	v5 =	vor.u32 s17, v0;
	s17 =	sadd.s32 $0x10, s17;
	s16 =	sadd.s32 $0x10, s16  }
0x2c0: {  	[tilespmem:s16+$0x0] =	vst v5  }
.Ltmp34:
0x2c1: {  	_ = 	snop;
	(pc) =	sbr.rel .LBB2_48-.Ltmp34, $1  }
0x2c2: {  	_ =	sdelay $0x3  }
.LBB2_50:
0x2c3: {  	s16 =	smov.u32 @p5 s16;
	s13 =	smov.u32 @p5 s13  }
.LBB2_51:
0x2c4: {  	s4 =	sadd.s32 $0x8, s15  }
0x2c5: {  	p0 =	sge.u32 s4, s10  }
0x2c6: {  	p5 =	sne.s32 @!p0 s4, $0xF42  }
0x2c7: {  	p6 =	por !p5, p0  }
0x2c8: {  	s4 =	sshll.u32 @!p6 s4, $0x8  }
0x2c9: {  	p5 =	por p5, p0;
	s12 =	simm.s32 @!p6 $0x800;
	s4 =	sand.u32 @!p6 $0x1FFFFF00, s4  }
0x2ca: {  	s17 =	simm.s32 @!p6 $0x7A1400;
	s25 =	simm.s32 @!p6 $0x12100;
	s4 =	sadd.s32 @!p6 s1, s4  }
0x2cb: {  	[tilespmem:s25], [sflag:$0x4] =	stream.strided.gather @!p6 [hbm4b:s4+s12], $0x4000, s17, s12, $0x38;
	[tilespmem:$0x1F200] =	vst v63  }
0x2cc: {  	s4 =	simm.s32 @!p5 $0x0;
	s12 =	simm.s32 @!p5 $0x12100  }
0x2cd: {  	[tilespmem:s12], [sflag:$0x4] =	stream.linear.gather @!p5 [hbm4b:s3+s4], $0x400, $0x38;
	[tilespmem:$0x1F200] =	vst v63  }
0x2ce: {  	s12 =	simm.s32 @!p5 $0x12900  }
0x2cf: {  	[tilespmem:s12], [sflag:$0x4] =	stream.linear.gather @!p5 [hbm4b:s18+s4], $0x400, $0x38;
	[tilespmem:$0x1F200] =	vst v63  }
0x2d0: {  	s12 =	simm.s32 @!p5 $0x13100  }
0x2d1: {  	[tilespmem:s12], [sflag:$0x4] =	stream.linear.gather @!p5 [hbm4b:s19+s4], $0x400, $0x38;
	[tilespmem:$0x1F200] =	vst v63  }
0x2d2: {  	s12 =	simm.s32 @!p5 $0x13900  }
0x2d3: {  	[tilespmem:s12], [sflag:$0x4] =	stream.linear.gather @!p5 [hbm4b:s20+s4], $0x400, $0x38;
	[tilespmem:$0x1F200] =	vst v63  }
0x2d4: {  	s12 =	simm.s32 @!p5 $0x14100  }
0x2d5: {  	[tilespmem:s12], [sflag:$0x4] =	stream.linear.gather @!p5 [hbm4b:s21+s4], $0x400, $0x38;
	[tilespmem:$0x1F200] =	vst v63  }
0x2d6: {  	s12 =	simm.s32 @!p5 $0x14900  }
0x2d7: {  	[tilespmem:s12], [sflag:$0x4] =	stream.linear.gather @!p5 [hbm4b:s22+s4], $0x400, $0x38;
	[tilespmem:$0x1F200] =	vst v63  }
0x2d8: {  	s12 =	simm.s32 @!p5 $0x15100  }
0x2d9: {  	[tilespmem:s12], [sflag:$0x4] =	stream.linear.gather @!p5 [hbm4b:s23+s4], $0x400, $0x38;
	[tilespmem:$0x1F200] =	vst v63  }
0x2da: {  	[smem:$0x1] =	sst s13;
	s12 =	simm.s32 @!p5 $0x15900  }
0x2db: {  	[tilespmem:s12], [sflag:$0x4] =	stream.linear.gather @!p5 [hbm4b:s24+s4], $0x400, $0x38;
	[tilespmem:$0x1F200] =	vst v63  }
.LBB2_52:
0x2dc: {  	s4 =	sadd.s32 $0x4, s15  }
0x2dd: {  	p0 =	sge.u32 s4, s10  }
.Ltmp35:
0x2de: {  	_ = 	snop;
	(pc) =	sbr.rel @p0 .LBB2_64-.Ltmp35, $1  }
0x2df: {  	_ =	sdelay $0x3  }
0x2e0: {  	p0 =	seq.s32 s4, $0xF42  }
0x2e1: {  	s12 =	simm.s32 @p0 $0x5  }
0x2e2: {  	p5 =	sgt.s32 s13, $0x2FFF;
	_ =	swait.ge @p0 [sflag:s12], $0x2000  }
.Ltmp36:
0x2e3: {  	[sflag:s12] =	ssyncset.done @p0 $0x0;
	(pc) =	sbr.rel @p5 .LBB2_63-.Ltmp36, $4  }
0x2e4: {  	[sflag:s12] =	ssyncadd.s32 @p0 $0xFFFFE000;
	s12 =	simm.s32 @!p0 $0x5  }
0x2e5: {  	_ =	swait.ge @!p0 [sflag:s12], $0x4000  }
0x2e6: {  	[sflag:s12] =	ssyncset.done @!p0 $0x0  }
0x2e7: {  	[sflag:s12] =	ssyncadd.s32 @!p0 $0xFFFFC000  }
.Ltmp37:
0x2e8: {  	(pc) =	sbr.rel .LBB2_55-.Ltmp37, $4  }
0x2e9: {  	_ = 	snop  }
0x2ea: {  	s4 =	sshll.u32 s4, $0x8  }
0x2eb: {  	s12 =	sadd.s32 $0x100, s4  }
0x2ec: {  	v3 =	vmov s4;
	v2 =	vmov s12  }
.LBB2_60:
0x2ed: {  	s16 =	simm.s32 $0x0  }
0x2ee: {  	[smem:$0x0] =	sst s16  }
.LBB2_61:
0x2ef: {  	vm1 =	vge.s32 v4, v2  }
0x2f0: {  	v4 =	vsel vm1, $0x1, v1  }
0x2f1: {  	(xrf0) =	vadd.scan.msk.s32 $0xffff, v4;
	_ =	sdelay $0x5  }
0x2f2: {  	v4, _, _ =	vpop (xrf0)  }
0x2f3: {  	(v2sf) =	vpush v4, $0xF;
	_ =	sdelay $0xe  }
0x2f4: {  	s12 =	spop (v2sf)  }
0x2f5: {  	s13 =	sadd.s32 s13, s4;
	p5 =	sgt.s32 s12, $0x0  }
0x2f6: {  	p0 =	slt.s32 @!p5 s13, $0x3000  }
0x2f7: {  	p0 =	por p5, !p0  }
.Ltmp38:
0x2f8: {  	_ = 	snop;
	(pc) =	sbr.rel @p0 .LBB2_62-.Ltmp38, $1  }
0x2f9: {  	_ =	sdelay $0x3  }
.LBB2_55:
0x2fa: {  	s4 =	sand.u32 $0xF, s13  }
0x2fb: {  	s12 =	sshra.s32 s13, $0x1F;
	p0 =	slt.s32 s13, $0x1;
	p5 =	sne.s32 s4, $0x0  }
0x2fc: {  	s17 =	sshrl.u32 s12, $0x1C;
	p0 =	por !p0, !p5  }
0x2fd: {  	s12 =	simm.s32 $0x1;
	s4 =	sadd.s32 s17, s13;
	p0 =	por !p0, !p0  }
0x2fe: {  	s4 =	sshrl.u32 s4, $0x4;
	s12 =	simm.s32 @!p0 $0x0  }
0x2ff: {  	s4 =	ssub.s32 s4, s12  }
0x300: {  	s4 =	sshll.u32 s4, $0x4  }
0x301: {  	v4 =	vld [tilespmem:s4+$0x0];
	_ =	sdelay $0x3  }
0x302: {  	v5 =	vor.u32 s4, v0  }
0x303: {  	vm1 =	vge.s32 v5, s13;
	vm2 =	vlt.s32 v4, v2  }
0x304: {  	vm1 =	vmand vm1, vm2  }
0x305: {  	v5 =	vsel vm1, $0x1, v1  }
0x306: {  	(xrf0) =	vadd.scan.msk.s32 $0xffff, v5;
	_ =	sdelay $0x1  }
0x307: {  	v5 =	vmov s16  }
0x308: {  	v5 =	vadd.s32 $0xFFFFFFFF, v5;
	_ =	sdelay $0x1  }
0x309: {  	v7 =	vsub.s32 v4, v3;
	v6 =	vbroadcast v5, $0x0  }
0x30a: {  	vm2 =	vgt.s32 v7, $0x0;
	v5, _, _ =	vpop (xrf0)  }
0x30b: {  	v7 =	vnsel vm2, $0x0, v7;
	v6 =	vadd.s32 v5, v6  }
0x30c: {  	s25 =	simm.s32 $0x0;
	v7 =	vmin.u32 v7, $0xFF;
	vm2 =	vgt.s32 v6, $0x0  }
0x30d: {  	v9 =	vmov s25;
	v8 =	vnsel vm2, $0x0, v6;
	v6 =	vshll.u32 v7, $0x3  }
0x30e: {  	v10 =	vshll.u32 v9, $0x8;
	v7 =	vand.u32 $0x7F, v7;
	v6 =	vand.u32 $0x400, v6  }
0x30f: {  	v9 =	vshll.u32 v9, $0x7;
	v6 =	vor.u32 v7, v6;
	v7 =	vand.u32 $0x3800, v10  }
0x310: {  	v9 =	vand.u32 $0x380, v9;
	v8 =	vmin.u32 v8, $0x9F;
	v10 =	vld [tilespmem:s4+$0x3080];
	v7 =	vor.u32 v7, v6  }
0x311: {  	v9 =	vor.u32 v9, v7  }
0x312: {  	s17 =	simm.s32 $0x1  }
0x313: {  	v7 =	vmov s17  }
0x314: {  	v11 =	vshll.u32 v7, $0x8  }
0x315: {  	v12 =	vshll.u32 v7, $0x7;
	v7 =	vshll.u32 v8, $0x7;
	v11 =	vand.u32 $0x3800, v11;
	[tilespmem:v8+s28+$0x0] =	vst.idx.msk vm1, v10  }
0x316: {  	v12 =	vand.u32 $0x380, v12;
	v11 =	vor.u32 v11, v6;
	v10 =	vadd.s32 s25, v7;
	v8 =	vld.idx.msk [tilespmem:v9+s6+$0x0], vm1  }
0x317: {  	v9 =	vor.u32 v12, v11;
	_ =	sdelay $0x1  }
0x318: {  	s4 =	simm.s32 $0x2  }
0x319: {  	s25 =	simm.s32 $0x3;
	v11 =	vmov s4  }
.LBB2_56:
0x31a: {  	p5 =	sne.s32 s25, $0x3F;
	v12 =	vshll.u32 v11, $0x8;
	[tilespmem:v10+s30+$0x0] =	vst.idx.msk vm1, v8  }
0x31b: {  	v11 =	vshll.u32 v11, $0x7;
	v10 =	vand.u32 $0x3800, v12;
	v8 =	vld.idx.msk [tilespmem:v9+s6+$0x0], vm1  }
.Ltmp39:
0x31c: {  	v9 =	vand.u32 $0x380, v11;
	v11 =	vor.u32 v10, v6;
	v10 =	vadd.s32 s17, v7;
	s17 =	smov.u32 s4;
	s4 =	smov.u32 s25;
	(pc) =	sbr.rel @p5 .LBB2_56-.Ltmp39, $2  }
0x31d: {  	v9 =	vor.u32 v9, v11;
	_ =	sdelay $0x2  }
0x31e: {  	s25 =	sadd.s32 $0x1, s25;
	v11 =	vmov s4  }
0x31f: {  	(v2sf) =	vpush v5, $0xF;
	_ =	sdelay $0x7  }
0x320: {  	v5 =	vshll.u32 v11, $0x8  }
0x321: {  	[tilespmem:v10+s30+$0x0] =	vst.idx.msk vm1, v8;
	v5 =	vand.u32 $0x3800, v5  }
0x322: {  	v63 =	vshll.u32 v11, $0x7;
	v9 =	vld.idx.msk [tilespmem:v9+s6+$0x0], vm1;
	v5 =	vor.u32 v5, v6;
	v6 =	vadd.s32 s17, v7  }
0x323: {  	v8 =	vand.u32 $0x380, v63  }
0x324: {  	v5 =	vor.u32 v8, v5;
	_ =	sdelay $0x2  }
0x325: {  	[tilespmem:v6+s30+$0x0] =	vst.idx.msk vm1, v9;
	v6 =	vadd.s32 s4, v7;
	s4 =	spop (v2sf)  }
0x326: {  	s16 =	sadd.s32 s16, s4  }
0x327: {  	v5 =	vld.idx.msk [tilespmem:v5+s6+$0x0], vm1;
	p0 =	slt.s32 s16, $0x91  }
.Ltmp40:
0x328: {  	_ = 	snop;
	(pc) =	sbr.rel @p0 .LBB2_61-.Ltmp40, $2  }
0x329: {  	_ =	sdelay $0x2  }
0x32a: {  	[tilespmem:v6+s30+$0x0] =	vst.idx.msk vm1, v5;
	[smem:$0x0] =	sst s16  }
0x32b: {  	s16 =	simm.s32 $0x1F100  }
0x32c: {  	[hbm4b:s7+s31] =	stream.indirect.scatter [tilespmem:s30], [sflag:$0x6], $0x80, s16, s31, $0xb8;
	[tilespmem:$0x1F200] =	vst v63  }
0x32d: {  	_ =	swait.ge [sflag:s0], $0x5000  }
0x32e: {  	s12 =	simm.s32 $0x3000;
	[sflag:s0] =	ssyncset.done $0x0  }
0x32f: {  	v5 =	vor.u32 s12, v0;
	[sflag:s0] =	ssyncadd.s32 $0xFFFFB000  }
0x330: {  	s17 =	simm.s32 $0x3010;
	[tilespmem:s16+$0x0] =	vst v5  }
.LBB2_59:
0x331: {  	p0 =	sne.s32 s17, $0x3090  }
.Ltmp41:
0x332: {  	_ = 	snop;
	(pc) =	sbr.rel @p0 .LBB2_59-.Ltmp41, $3  }
0x333: {  	_ =	sdelay $0x1  }
0x334: {  	v5 =	vor.u32 s17, v0;
	s17 =	sadd.s32 $0x10, s17;
	s16 =	sadd.s32 $0x10, s16  }
0x335: {  	[tilespmem:s16+$0x0] =	vst v5  }
.Ltmp42:
0x336: {  	_ = 	snop;
	(pc) =	sbr.rel .LBB2_60-.Ltmp42, $1  }
0x337: {  	_ =	sdelay $0x3  }
.LBB2_65:
0x338: {  	s4 =	simm.s32 $0x1F100  }
0x339: {  	[hbm4b:s7+s31] =	stream.indirect.scatter [tilespmem:s30], [sflag:$0x6], $0x80, s4, s31, $0xb8;
	[tilespmem:$0x1F200] =	vst v63  }
0x33a: {  	_ =	swait.ge [sflag:s0], $0x5000  }
0x33b: {  	s12 =	simm.s32 $0x3000;
	[sflag:s0] =	ssyncset.done $0x0  }
0x33c: {  	v2 =	vor.u32 s12, v0;
	[sflag:s0] =	ssyncadd.s32 $0xFFFFB000  }
0x33d: {  	s13 =	simm.s32 $0x3010;
	[tilespmem:s4+$0x0] =	vst v2  }
.LBB2_66:
0x33e: {  	p0 =	sne.s32 s13, $0x3090  }
.Ltmp43:
0x33f: {  	_ = 	snop;
	(pc) =	sbr.rel @p0 .LBB2_66-.Ltmp43, $3  }
0x340: {  	_ =	sdelay $0x1  }
0x341: {  	v2 =	vor.u32 s13, v0;
	s13 =	sadd.s32 $0x10, s13;
	s4 =	sadd.s32 $0x10, s4  }
0x342: {  	[tilespmem:s4+$0x0] =	vst v2  }
0x343: {  	s12 =	rddreg [dreg:$0xb]  }
0x344: {  	s4 =	rddreg [dreg:$0xa];
	s12 =	sadd.s32 $0x1, s12  }
0x345: {  	p0 =	sne.s32 s12, s4  }
.Ltmp44:
0x346: {  	_ = 	snop;
	(pc) =	sbr.rel @p0 .LBB2_1-.Ltmp44, $2  }
0x347: {  	_ =	sdelay $0x2  }
0x348: {  	s16 =	simm.s32 $0x0  }
0x349: {  	_ =	sfence.sel $0x180000  }
0x34a: {  	[bflag:$0x0] =	sbarrier.arrive $0xFFFF  }
0x34b: {  	_ =	strace $0x90000047  }
0x34c: {  	s0 =	stileid.u32;
	[bflag:$0x2] =	sbarrier.arrive $0xFFFF  }
0x34d: {  	p0 =	sne.s32 s0, $0x0;
	s0 =	rddreg [dreg:$0x2]  }
0x34e: {  	s0 =	sadd.s32 @!p0 $0x100000, s0  }
0x34f: {  	[sflag:s0] =	ssyncadd.tile.s32 @!p0 $0x1;
	_ =	shalt  }
.Lfunc_end2:
_tile_overlayer_lowered:
.L_overlay_start_2:
0x350: {  	(tag) =	ssettag $0x2  }
0x351: {  	s0 =	rddreg [dreg:$0x0];
	s2 =	stileid.u32  }
0x352: {  	s1 =	rddreg [dreg:$0x1];
	p0 =	sne.s32 s2, $0x0  }
0x353: {  	s3 =	rddreg [dreg:$0x2];
	[bflag:$0x3] =	sbarrier.arrive $0xFFFF;
	s2 =	simm.s32 @!p0 $0x1C07  }
0x354: {  	[timem:s3], [sflag:s2] =	dma.local @!p0 [hbm:s0], s1  }
0x355: {  	s0 =	simm.s32 @!p0 $0x7  }
0x356: {  	_ =	swait.ge @!p0 [sflag:s0], s1  }
0x357: {  	s1 =	ssub.s32 @!p0 $0x0, s1;
	[sflag:s0] =	ssyncset.done @!p0 $0x0  }
0x358: {  	[sflag:s0] =	ssyncadd.s32 @!p0 s1  }
0x359: {  	[bflag:$0x3] =	sbarrier.arrive $0xFFFF  }
0x35a: {  	_ =	shalt  }

</sc_bundles>
